<compile_context>
chip_gen: v7x
topology: tpu7x:2x2x1
jax: 0.10.2.dev20260603
libtpu: 0.0.44.dev20260713+nightly
codegen_flags: <defaults>
</compile_context>

<pallas_src>
import functools

import jax
import jax.numpy as jnp
from jax import lax
from jax.experimental import pallas as pl
from jax.experimental.pallas import tpu as pltpu
from jax.experimental.pallas import tpu_sc as plsc

NC = 2
NS = 16
C = 64
BLK = 16
RING = 4
SINK = 128


def _mesh():
  return plsc.VectorSubcoreMesh(core_axis_name="c", subcore_axis_name="s")


def _fill_2d(ref, nrows, value):
  def outer(i, _):
    def inner(j, _):
      ref[i, pl.ds(j * 16, 16)] = jnp.full((16,), value, jnp.float32)
      return 0
    lax.fori_loop(0, 8, inner, 0)
    return 0
  lax.fori_loop(0, nrows, outer, 0)


def _sc_scatter(src3, dst3, g2d, n, with_gather):
  nt, iters, c_ = src3.shape
  nb = iters // BLK
  assert iters % BLK == 0
  rps = (n // NS) // 8 * 8
  tail = n - NS * rps
  zr = 16
  assert rps % zr == 0 and tail <= zr and zr <= C

  @functools.partial(
      pl.kernel,
      out_type=jax.ShapeDtypeStruct((NC, n, 128), jnp.float32),
      mesh=_mesh(),
      scratch_types=[
          pltpu.VMEM_SHARED((n + SINK, 128), jnp.float32),
          pltpu.VMEM((2, BLK, C), jnp.int32),
          pltpu.VMEM((2, BLK, C), jnp.int32),
          pltpu.VMEM((RING, C, 128), jnp.float32),
          pltpu.SemaphoreType.DMA((RING,)),
          pltpu.SemaphoreType.DMA((2,)),
      ],
  )
  def k(src_hbm, dst_hbm, g_hbm, out_hbm, agg_sh, sidx2, didx2, rows3, gsem,
        isem):
    c = lax.axis_index("c")
    s = lax.axis_index("s")
    t = c * NS + s

    def load_idx(blk, slot):
      if with_gather:
        pltpu.async_copy(src_hbm.at[t, pl.ds(blk * BLK, BLK)],
                         sidx2.at[slot], isem.at[slot])
      pltpu.async_copy(dst_hbm.at[t, pl.ds(blk * BLK, BLK)],
                       didx2.at[slot], isem.at[slot])

    def wait_idx(slot):
      if with_gather:
        pltpu.make_async_copy(src_hbm.at[t, pl.ds(0, BLK)], sidx2.at[slot],
                              isem.at[slot]).wait()
      pltpu.make_async_copy(dst_hbm.at[t, pl.ds(0, BLK)], didx2.at[slot],
                            isem.at[slot]).wait()

    load_idx(0, 0)

    _fill_2d(rows3.at[0], zr, 0.0)

    def zcopy(kk, _):
      pltpu.sync_copy(rows3.at[0, pl.ds(0, zr)],
                      agg_sh.at[pl.ds(s * rps + kk * zr, zr)])
      return 0
    lax.fori_loop(0, rps // zr, zcopy, 0)

    @pl.when(s == 0)
    def _():
      pltpu.sync_copy(rows3.at[0, pl.ds(0, tail)],
                      agg_sh.at[pl.ds(NS * rps, tail)])

    if not with_gather:
      _fill_2d(rows3.at[0], C, 1.0)
    wait_idx(0)
    plsc.subcore_barrier()

    def issue_gather(m):
      slot = lax.rem(m // BLK, 2)
      pltpu.async_copy(g_hbm.at[sidx2.at[slot, lax.rem(m, BLK)]],
                       rows3.at[lax.rem(m, RING)], gsem.at[lax.rem(m, RING)])

    if with_gather:
      for m in range(min(RING - 1, iters)):
        issue_gather(m)

    def body(i, _):
      bk = i // BLK
      j = lax.rem(i, BLK)
      bb = lax.rem(bk, 2)
      b = lax.rem(i, RING)
      if with_gather:
        pltpu.make_async_copy(g_hbm.at[sidx2.at[bb, j]], rows3.at[b],
                              gsem.at[b]).wait()

      @pl.when(jnp.logical_and(j == 0, bk + 1 < nb))
      def _():
        load_idx(bk + 1, 1 - bb)

      @pl.when(jnp.logical_and(j == BLK - RING, bk + 1 < nb))
      def _():
        wait_idx(1 - bb)

      if with_gather:
        @pl.when(i + RING - 1 < iters)
        def _():
          issue_gather(i + RING - 1)
        pltpu.sync_copy(rows3.at[b], agg_sh.at[didx2.at[bb, j]], add=True)
      else:
        pltpu.sync_copy(rows3.at[0], agg_sh.at[didx2.at[bb, j]], add=True)
      return 0

    lax.fori_loop(0, iters, body, 0)

    plsc.subcore_barrier()
    pltpu.sync_copy(agg_sh.at[pl.ds(s * rps, rps)],
                    out_hbm.at[c, pl.ds(s * rps, rps)])

    @pl.when(s == 0)
    def _():
      pltpu.sync_copy(agg_sh.at[pl.ds(NS * rps, tail)],
                      out_hbm.at[c, pl.ds(NS * rps, tail)])

  return k(src3, dst3, g2d)


def _tc_first(x, degp, w, n, r=2000):
  def body(x_ref, degp_ref, w_ref, o_ref, dis_ref):
    deg = degp_ref[0][:, :1] + degp_ref[1][:, :1] + 1.0
    dis = lax.rsqrt(deg)
    dis_ref[...] = jnp.broadcast_to(dis, dis_ref.shape)
    o_ref[...] = jnp.dot(x_ref[...] * dis, w_ref[...],
                         preferred_element_type=jnp.float32)

  return pl.pallas_call(
      body,
      grid=(n // r,),
      in_specs=[
          pl.BlockSpec((r, 128), lambda i: (i, 0)),
          pl.BlockSpec((NC, r, 128), lambda i: (0, i, 0)),
          pl.BlockSpec((128, 128), lambda i: (0, 0)),
      ],
      out_specs=[
          pl.BlockSpec((r, 128), lambda i: (i, 0)),
          pl.BlockSpec((r, 128), lambda i: (i, 0)),
      ],
      out_shape=[
          jax.ShapeDtypeStruct((n, 128), jnp.float32),
          jax.ShapeDtypeStruct((n, 128), jnp.float32),
      ],
  )(x, degp, w)


def _tc_mid(aggp, g, dis, b, w, n, r=2000):
  def body(aggp_ref, g_ref, dis_ref, b_ref, w_ref, o_ref):
    dis_blk = dis_ref[...]
    agg = aggp_ref[0] + aggp_ref[1] + g_ref[...]
    h = jnp.maximum(agg * dis_blk + b_ref[...], 0.0)
    o_ref[...] = jnp.dot(h * dis_blk, w_ref[...],
                         preferred_element_type=jnp.float32)

  return pl.pallas_call(
      body,
      grid=(n // r,),
      in_specs=[
          pl.BlockSpec((NC, r, 128), lambda i: (0, i, 0)),
          pl.BlockSpec((r, 128), lambda i: (i, 0)),
          pl.BlockSpec((r, 128), lambda i: (i, 0)),
          pl.BlockSpec((1, 128), lambda i: (0, 0)),
          pl.BlockSpec((128, 128), lambda i: (0, 0)),
      ],
      out_specs=pl.BlockSpec((r, 128), lambda i: (i, 0)),
      out_shape=jax.ShapeDtypeStruct((n, 128), jnp.float32),
  )(aggp, g, dis, b, w)


def _tc_final(aggp, g, dis, b, n, r=2000):
  def body(aggp_ref, g_ref, dis_ref, b_ref, o_ref):
    agg = aggp_ref[0] + aggp_ref[1] + g_ref[...]
    o_ref[...] = agg * dis_ref[...] + b_ref[...]

  return pl.pallas_call(
      body,
      grid=(n // r,),
      in_specs=[
          pl.BlockSpec((NC, r, 128), lambda i: (0, i, 0)),
          pl.BlockSpec((r, 128), lambda i: (i, 0)),
          pl.BlockSpec((r, 128), lambda i: (i, 0)),
          pl.BlockSpec((1, 128), lambda i: (0, 0)),
      ],
      out_specs=pl.BlockSpec((r, 128), lambda i: (i, 0)),
      out_shape=jax.ShapeDtypeStruct((n, 128), jnp.float32),
  )(aggp, g, dis, b)


def kernel(x, edge_index, W1, b1, W2, b2, W3, b3):
  n, d = x.shape
  e = edge_index.shape[1]
  nt = NC * NS
  assert d == 128
  iters = -(-e // (nt * C))
  iters = -(-iters // BLK) * BLK
  pad = nt * iters * C - e

  src_flat = edge_index[0]
  dst_flat = edge_index[1]
  if pad:
    pad_ar = jnp.arange(pad, dtype=jnp.int32)
    src_flat = jnp.concatenate([src_flat, pad_ar % n])
    dst_flat = jnp.concatenate([dst_flat, n + pad_ar % SINK])
  src3 = src_flat.reshape(nt, iters, C)
  dst3 = dst_flat.reshape(nt, iters, C)
  b1r = b1.reshape(1, 128)
  b2r = b2.reshape(1, 128)
  b3r = b3.reshape(1, 128)

  degp = _sc_scatter(src3, dst3, x, n, with_gather=False)

  g1, dis = _tc_first(x, degp, W1, n)
  a1 = _sc_scatter(src3, dst3, g1, n, with_gather=True)
  g2 = _tc_mid(a1, g1, dis, b1r, W2, n)
  a2 = _sc_scatter(src3, dst3, g2, n, with_gather=True)
  g3 = _tc_mid(a2, g2, dis, b2r, W3, n)
  a3 = _sc_scatter(src3, dst3, g3, n, with_gather=True)
  return _tc_final(a3, g3, dis, b3r, n)

# --- scband reference (transcript-rebuilt; emitter-appended) ---
"""Pipeline reference for scband-gcn-420906795032 (READ-ONLY COPY).

The authoritative reference and input builder live on the scoring server;
editing this copy changes nothing except your own understanding.
"""

import jax, jax.numpy as jnp
import numpy as np

N = 10000
E = 320000
D_IN = 128
D_HID = 128
D_OUT = 128


def setup_inputs(seed: int = 0) -> dict:
    key = jax.random.key(seed)
    ks = jax.random.split(key, 8)
    x = jax.random.normal(ks[0], (N, D_IN), dtype=jnp.float32)
    edge_index = jax.random.randint(ks[1], (2, E), 0, N, dtype=jnp.int32)
    s1 = 1.0 / np.sqrt(D_IN)
    s2 = 1.0 / np.sqrt(D_HID)
    W1 = jax.random.uniform(ks[2], (D_IN, D_HID), dtype=jnp.float32, minval=-s1, maxval=s1)
    b1 = jnp.zeros((D_HID,), dtype=jnp.float32)
    W2 = jax.random.uniform(ks[3], (D_HID, D_HID), dtype=jnp.float32, minval=-s2, maxval=s2)
    b2 = jnp.zeros((D_HID,), dtype=jnp.float32)
    W3 = jax.random.uniform(ks[4], (D_HID, D_OUT), dtype=jnp.float32, minval=-s2, maxval=s2)
    b3 = jnp.zeros((D_OUT,), dtype=jnp.float32)
    return {"x": x, "edge_index": edge_index, "W1": W1, "b1": b1, "W2": W2, "b2": b2, "W3": W3, "b3": b3}


def gcn_conv(x, edge_index, W, b):
    # PyG-style GCNConv: add self-loops, symmetric normalization, linear transform, scatter-add aggregate, bias.
    n = x.shape[0]
    loop = jnp.arange(n, dtype=edge_index.dtype)
    src = jnp.concatenate([edge_index[0], loop])
    dst = jnp.concatenate([edge_index[1], loop])
    deg = jax.ops.segment_sum(jnp.ones_like(dst, dtype=x.dtype), dst, num_segments=n)
    deg_inv_sqrt = jnp.where(deg > 0, 1.0 / jnp.sqrt(deg), 0.0)
    norm = deg_inv_sqrt[src] * deg_inv_sqrt[dst]
    h = x @ W
    msg = h[src] * norm[:, None]
    out = jax.ops.segment_sum(msg, dst, num_segments=n)
    return out + b


def reference(x, edge_index, W1, b1, W2, b2, W3, b3):
    # eval mode: dropout is identity
    h = jax.nn.relu(gcn_conv(x, edge_index, W1, b1))
    h = jax.nn.relu(gcn_conv(h, edge_index, W2, b2))
    return gcn_conv(h, edge_index, W3, b3)

if __name__ == "__main__":
    import jax
    _d = setup_inputs()
    print(jax.jit(kernel)(*tuple(_d.values())))

</pallas_src>

<mosaic_0001>
#map = affine_map<(d0, d1) -> (0, 0, 0)>
#map1 = affine_map<(d0, d1) -> (0, 0)>
module attributes {stable_mosaic.version = 14 : i64} {
  func.func @k(%arg0: i32, %arg1: i32, %arg2: memref<32x160x64xi32, #tpu.memory_space<hbm>>, %arg3: memref<32x160x64xi32, #tpu.memory_space<hbm>>, %arg4: memref<10000x128xf32, #tpu.memory_space<hbm>>, %arg5: memref<2x10000x128xf32, #tpu.memory_space<hbm>>, %arg6: memref<10128x128xf32, #tpu.memory_space<vmem_shared>>, %arg7: memref<2x16x64xi32, #tpu.memory_space<vmem>>, %arg8: memref<2x16x64xi32, #tpu.memory_space<vmem>>, %arg9: memref<4x64x128xf32, #tpu.memory_space<vmem>>, %arg10: memref<4x!tpu.dma_semaphore, #tpu.memory_space<semaphore_mem>>, %arg11: memref<2x!tpu.dma_semaphore, #tpu.memory_space<semaphore_mem>>) attributes {dimension_semantics = [#tpu.dimension_semantics<core_parallel>, #tpu.dimension_semantics<subcore_parallel>], iteration_bounds = array<i64: 2, 16>, scalar_prefetch = 0 : i64, scratch_operands = 6 : i64, tpu.core_type = #tpu.core_type<sc_vector_subcore>, window_params = [{transform_indices = #map}, {transform_indices = #map}, {transform_indices = #map1}, {transform_indices = #map}]} {
    %mul3A = arith.constant 16 : i32
    %mul3A_0 = arith.muli %arg0, %mul3A : i32
    %add3A = arith.addi %mul3A_0, %arg1 : i32
    %dma_start3A = arith.constant 0 : i32
    %dma_start3A_1 = arith.constant 0 : i32
    %dma_start3A_2 = arith.constant 0 : i32
    %dma_start3A_3 = arith.constant 0 : i32
    %dma_start3A_4 = tpu.memref_slice %arg7[%dma_start3A, %dma_start3A_2, %dma_start3A_3] : memref<2x16x64xi32, #tpu.memory_space<vmem>> -> memref<1x16x64xi32, #tpu.memory_space<vmem>>
    %dma_start3A_5 = tpu.memref_squeeze %dma_start3A_4 : memref<1x16x64xi32, #tpu.memory_space<vmem>> -> memref<16x64xi32, #tpu.memory_space<vmem>>
    %dma_start3A_6 = arith.constant 0 : i32
    %dma_start3A_7 = arith.constant 0 : i32
    %dma_start3A_8 = tpu.memref_slice %arg2[%add3A, %dma_start3A_6, %dma_start3A_7] : memref<32x160x64xi32, #tpu.memory_space<hbm>> -> memref<1x16x64xi32, #tpu.memory_space<hbm>>
    %dma_start3A_9 = tpu.memref_squeeze %dma_start3A_8 : memref<1x16x64xi32, #tpu.memory_space<hbm>> -> memref<16x64xi32, #tpu.memory_space<hbm>>
    %dma_start3A_10 = tpu.memref_slice %arg11[%dma_start3A_1] : memref<2x!tpu.dma_semaphore, #tpu.memory_space<semaphore_mem>> -> memref<1x!tpu.dma_semaphore, #tpu.memory_space<semaphore_mem>>
    %dma_start3A_11 = tpu.memref_squeeze %dma_start3A_10 : memref<1x!tpu.dma_semaphore, #tpu.memory_space<semaphore_mem>> -> memref<!tpu.dma_semaphore, #tpu.memory_space<semaphore_mem>>
    %dma_start3A_12 = arith.constant 0 : i32
    %dma_start3A_13 = arith.constant 0 : i32
    %dma_start3A_14 = tpu.memref_slice %arg7[%dma_start3A, %dma_start3A_12, %dma_start3A_13] : memref<2x16x64xi32, #tpu.memory_space<vmem>> -> memref<1x16x64xi32, #tpu.memory_space<vmem>>
    %dma_start3A_15 = tpu.memref_squeeze %dma_start3A_14 : memref<1x16x64xi32, #tpu.memory_space<vmem>> -> memref<16x64xi32, #tpu.memory_space<vmem>>
    %dma_start3A_16 = arith.constant 0 : i32
    %dma_start3A_17 = arith.constant 0 : i32
    %dma_start3A_18 = tpu.memref_slice %arg2[%add3A, %dma_start3A_16, %dma_start3A_17] : memref<32x160x64xi32, #tpu.memory_space<hbm>> -> memref<1x16x64xi32, #tpu.memory_space<hbm>>
    %dma_start3A_19 = tpu.memref_squeeze %dma_start3A_18 : memref<1x16x64xi32, #tpu.memory_space<hbm>> -> memref<16x64xi32, #tpu.memory_space<hbm>>
    tpu.enqueue_dma source(%dma_start3A_19 : memref<16x64xi32, #tpu.memory_space<hbm>>) target(%dma_start3A_15 : memref<16x64xi32, #tpu.memory_space<vmem>>) target_semaphore(%dma_start3A_11 : memref<!tpu.dma_semaphore, #tpu.memory_space<semaphore_mem>>)
    %dma_start3A_20 = arith.constant 0 : i32
    %dma_start3A_21 = arith.constant 0 : i32
    %dma_start3A_22 = arith.constant 0 : i32
    %dma_start3A_23 = arith.constant 0 : i32
    %dma_start3A_24 = tpu.memref_slice %arg8[%dma_start3A_20, %dma_start3A_22, %dma_start3A_23] : memref<2x16x64xi32, #tpu.memory_space<vmem>> -> memref<1x16x64xi32, #tpu.memory_space<vmem>>
    %dma_start3A_25 = tpu.memref_squeeze %dma_start3A_24 : memref<1x16x64xi32, #tpu.memory_space<vmem>> -> memref<16x64xi32, #tpu.memory_space<vmem>>
    %dma_start3A_26 = arith.constant 0 : i32
    %dma_start3A_27 = arith.constant 0 : i32
    %dma_start3A_28 = tpu.memref_slice %arg3[%add3A, %dma_start3A_26, %dma_start3A_27] : memref<32x160x64xi32, #tpu.memory_space<hbm>> -> memref<1x16x64xi32, #tpu.memory_space<hbm>>
    %dma_start3A_29 = tpu.memref_squeeze %dma_start3A_28 : memref<1x16x64xi32, #tpu.memory_space<hbm>> -> memref<16x64xi32, #tpu.memory_space<hbm>>
    %dma_start3A_30 = tpu.memref_slice %arg11[%dma_start3A_21] : memref<2x!tpu.dma_semaphore, #tpu.memory_space<semaphore_mem>> -> memref<1x!tpu.dma_semaphore, #tpu.memory_space<semaphore_mem>>
    %dma_start3A_31 = tpu.memref_squeeze %dma_start3A_30 : memref<1x!tpu.dma_semaphore, #tpu.memory_space<semaphore_mem>> -> memref<!tpu.dma_semaphore, #tpu.memory_space<semaphore_mem>>
    %dma_start3A_32 = arith.constant 0 : i32
    %dma_start3A_33 = arith.constant 0 : i32
    %dma_start3A_34 = tpu.memref_slice %arg8[%dma_start3A_20, %dma_start3A_32, %dma_start3A_33] : memref<2x16x64xi32, #tpu.memory_space<vmem>> -> memref<1x16x64xi32, #tpu.memory_space<vmem>>
    %dma_start3A_35 = tpu.memref_squeeze %dma_start3A_34 : memref<1x16x64xi32, #tpu.memory_space<vmem>> -> memref<16x64xi32, #tpu.memory_space<vmem>>
    %dma_start3A_36 = arith.constant 0 : i32
    %dma_start3A_37 = arith.constant 0 : i32
    %dma_start3A_38 = tpu.memref_slice %arg3[%add3A, %dma_start3A_36, %dma_start3A_37] : memref<32x160x64xi32, #tpu.memory_space<hbm>> -> memref<1x16x64xi32, #tpu.memory_space<hbm>>
    %dma_start3A_39 = tpu.memref_squeeze %dma_start3A_38 : memref<1x16x64xi32, #tpu.memory_space<hbm>> -> memref<16x64xi32, #tpu.memory_space<hbm>>
    tpu.enqueue_dma source(%dma_start3A_39 : memref<16x64xi32, #tpu.memory_space<hbm>>) target(%dma_start3A_35 : memref<16x64xi32, #tpu.memory_space<vmem>>) target_semaphore(%dma_start3A_31 : memref<!tpu.dma_semaphore, #tpu.memory_space<semaphore_mem>>)
    %scan3A = arith.constant 0 : i32
    %scan3A_40 = arith.constant 0 : i32
    %scan3A_41 = arith.constant 0 : i32
    %scan3A_42 = arith.constant 16 : i32
    %scan3A_43 = arith.addi %scan3A_41, %scan3A_42 : i32
    %scan3A_44 = arith.constant 1 : i32
    %scan3A_45 = scf.for %scan3A_183 = %scan3A_41 to %scan3A_43 step %scan3A_44 iter_args(%scan3A_184 = %scan3A_40) -> (i32)  : i32 {
      %scan3A_185 = arith.constant 0 : i32
      %scan3A_186 = arith.constant 0 : i32
      %scan3A_187 = arith.constant 8 : i32
      %scan3A_188 = arith.addi %scan3A_186, %scan3A_187 : i32
      %scan3A_189 = arith.constant 1 : i32
      %scan3A_190 = scf.for %scan3A_193 = %scan3A_186 to %scan3A_188 step %scan3A_189 iter_args(%scan3A_194 = %scan3A_185) -> (i32)  : i32 {
        %broadcast_in_dim3A = arith.constant 0.000000e+00 : f32
        %broadcast_in_dim3A_195 = vector.broadcast %broadcast_in_dim3A : f32 to vector<16xf32>
        %mul3A_196 = arith.constant 16 : i32
        %mul3A_197 = arith.muli %scan3A_193, %mul3A_196 : i32
        %swap3A = arith.constant 0 : i32
        %swap3A_198 = arith.constant 0 : i32
        %swap3A_199 = tpu.memref_slice %arg9[%scan3A, %swap3A, %swap3A_198] : memref<4x64x128xf32, #tpu.memory_space<vmem>> -> memref<1x64x128xf32, #tpu.memory_space<vmem>>
        %swap3A_200 = tpu.memref_squeeze %swap3A_199 : memref<1x64x128xf32, #tpu.memory_space<vmem>> -> memref<64x128xf32, #tpu.memory_space<vmem>>
        %swap3A_201 = arith.index_cast %scan3A_183 : i32 to index
        %swap3A_202 = arith.index_cast %mul3A_197 : i32 to index
        %swap3A_203 = tpu.vector_load %swap3A_200[%swap3A_201, %swap3A_202] {strides = array<i32>} : memref<64x128xf32, #tpu.memory_space<vmem>>, vector<1x16xf32>,
        %swap3A_204 = vector.shape_cast %swap3A_203 : vector<1x16xf32> to vector<16xf32>
        %swap3A_205 = vector.shape_cast %broadcast_in_dim3A_195 : vector<16xf32> to vector<1x16xf32>
        tpu.vector_store %swap3A_200[%swap3A_201, %swap3A_202], %swap3A_205 {strides = array<i32>} : memref<64x128xf32, #tpu.memory_space<vmem>>, vector<1x16xf32>,
        %scan3A_206 = arith.constant 0 : i32
        scf.yield %scan3A_206 : i32
      }
      %scan3A_191 = arith.constant 8 : i32
      %scan3A_192 = arith.constant 0 : i32
      scf.yield %scan3A_192 : i32
    }
    %scan3A_46 = arith.constant 16 : i32
    %scan3A_47 = arith.constant 0 : i32
    %scan3A_48 = arith.constant 0 : i32
    %scan3A_49 = arith.constant 39 : i32
    %scan3A_50 = arith.addi %scan3A_48, %scan3A_49 : i32
    %scan3A_51 = arith.constant 1 : i32
    %scan3A_52 = scf.for %scan3A_183 = %scan3A_48 to %scan3A_50 step %scan3A_51 iter_args(%scan3A_184 = %scan3A_47) -> (i32)  : i32 {
      %mul3A_185 = arith.constant 624 : i32
      %mul3A_186 = arith.muli %arg1, %mul3A_185 : i32
      %mul3A_187 = arith.constant 16 : i32
      %mul3A_188 = arith.muli %scan3A_183, %mul3A_187 : i32
      %add3A_189 = arith.addi %mul3A_186, %mul3A_188 : i32
      %run_scoped3A = arith.constant 0 : i32
      "tpu.region"() ({
        %run_scoped3A_191 = tpu.sem_alloc : memref<!tpu.dma_semaphore, #tpu.memory_space<semaphore_mem>>
        %dma_start3A_192 = arith.constant 0 : i32
        %dma_start3A_193 = arith.constant 0 : i32
        %dma_start3A_194 = tpu.memref_slice %arg9[%run_scoped3A, %dma_start3A_192, %dma_start3A_193] : memref<4x64x128xf32, #tpu.memory_space<vmem>> -> memref<1x16x128xf32, #tpu.memory_space<vmem>>
        %dma_start3A_195 = tpu.memref_squeeze %dma_start3A_194 : memref<1x16x128xf32, #tpu.memory_space<vmem>> -> memref<16x128xf32, #tpu.memory_space<vmem>>
        %dma_start3A_196 = arith.constant 0 : i32
        %dma_start3A_197 = tpu.memref_slice %arg6[%add3A_189, %dma_start3A_196] : memref<10128x128xf32, #tpu.memory_space<vmem_shared>> -> memref<16x128xf32, #tpu.memory_space<vmem_shared>>
        %dma_start3A_198 = arith.constant 0 : i32
        %dma_start3A_199 = tpu.memref_slice %arg6[%add3A_189, %dma_start3A_198] : memref<10128x128xf32, #tpu.memory_space<vmem_shared>> -> memref<16x128xf32, #tpu.memory_space<vmem_shared>>
        %dma_start3A_200 = arith.constant 0 : i32
        %dma_start3A_201 = arith.constant 0 : i32
        %dma_start3A_202 = tpu.memref_slice %arg9[%run_scoped3A, %dma_start3A_200, %dma_start3A_201] : memref<4x64x128xf32, #tpu.memory_space<vmem>> -> memref<1x16x128xf32, #tpu.memory_space<vmem>>
        %dma_start3A_203 = tpu.memref_squeeze %dma_start3A_202 : memref<1x16x128xf32, #tpu.memory_space<vmem>> -> memref<16x128xf32, #tpu.memory_space<vmem>>
        tpu.enqueue_dma source(%dma_start3A_203 : memref<16x128xf32, #tpu.memory_space<vmem>>) target(%dma_start3A_199 : memref<16x128xf32, #tpu.memory_space<vmem_shared>>) target_semaphore(%run_scoped3A_191 : memref<!tpu.dma_semaphore, #tpu.memory_space<semaphore_mem>>)
        %dma_wait3A_204 = arith.constant 0 : i32
        %dma_wait3A_205 = arith.constant 0 : i32
        %dma_wait3A_206 = tpu.memref_slice %arg9[%run_scoped3A, %dma_wait3A_204, %dma_wait3A_205] : memref<4x64x128xf32, #tpu.memory_space<vmem>> -> memref<1x16x128xf32, #tpu.memory_space<vmem>>
        %dma_wait3A_207 = tpu.memref_squeeze %dma_wait3A_206 : memref<1x16x128xf32, #tpu.memory_space<vmem>> -> memref<16x128xf32, #tpu.memory_space<vmem>>
        %dma_wait3A_208 = arith.constant 0 : i32
        %dma_wait3A_209 = tpu.memref_slice %arg6[%add3A_189, %dma_wait3A_208] : memref<10128x128xf32, #tpu.memory_space<vmem_shared>> -> memref<16x128xf32, #tpu.memory_space<vmem_shared>>
        %dma_wait3A_210 = arith.constant 0 : i32
        %dma_wait3A_211 = tpu.memref_slice %arg6[%add3A_189, %dma_wait3A_210] : memref<10128x128xf32, #tpu.memory_space<vmem_shared>> -> memref<16x128xf32, #tpu.memory_space<vmem_shared>>
        %dma_wait3A_212 = arith.constant 0 : i32
        %dma_wait3A_213 = arith.constant 0 : i32
        %dma_wait3A_214 = tpu.memref_slice %arg9[%run_scoped3A, %dma_wait3A_212, %dma_wait3A_213] : memref<4x64x128xf32, #tpu.memory_space<vmem>> -> memref<1x16x128xf32, #tpu.memory_space<vmem>>
        %dma_wait3A_215 = tpu.memref_squeeze %dma_wait3A_214 : memref<1x16x128xf32, #tpu.memory_space<vmem>> -> memref<16x128xf32, #tpu.memory_space<vmem>>
        tpu.wait_dma2 semaphore(%run_scoped3A_191 : memref<!tpu.dma_semaphore, #tpu.memory_space<semaphore_mem>>) src(%dma_wait3A_215 : memref<16x128xf32, #tpu.memory_space<vmem>>) dst(%dma_wait3A_211 : memref<16x128xf32, #tpu.memory_space<vmem_shared>>)
        tpu.yield
      }) : () -> ()
      %scan3A_190 = arith.constant 0 : i32
      scf.yield %scan3A_190 : i32
    }
    %scan3A_53 = arith.constant 39 : i32
    %eq3A = arith.constant 0 : i32
    %eq3A_54 = arith.cmpi eq, %arg1, %eq3A : i32
    %convert_element_type3A = arith.extui %eq3A_54 : i1 to i32
    %cond3A = arith.constant 0 : i32
    %cond3A_55 = arith.cmpi ne, %convert_element_type3A, %cond3A : i32
    scf.if %cond3A_55 {
      %run_scoped3A = arith.constant 0 : i32
      "tpu.region"() ({
        %run_scoped3A_183 = tpu.sem_alloc : memref<!tpu.dma_semaphore, #tpu.memory_space<semaphore_mem>>
        %dma_start3A_184 = arith.constant 0 : i32
        %dma_start3A_185 = arith.constant 0 : i32
        %dma_start3A_186 = tpu.memref_slice %arg9[%run_scoped3A, %dma_start3A_184, %dma_start3A_185] : memref<4x64x128xf32, #tpu.memory_space<vmem>> -> memref<1x16x128xf32, #tpu.memory_space<vmem>>
        %dma_start3A_187 = tpu.memref_squeeze %dma_start3A_186 : memref<1x16x128xf32, #tpu.memory_space<vmem>> -> memref<16x128xf32, #tpu.memory_space<vmem>>
        %dma_start3A_188 = arith.constant 9984 : i32
        %dma_start3A_189 = arith.constant 0 : i32
        %dma_start3A_190 = tpu.memref_slice %arg6[%dma_start3A_188, %dma_start3A_189] : memref<10128x128xf32, #tpu.memory_space<vmem_shared>> -> memref<16x128xf32, #tpu.memory_space<vmem_shared>>
        %dma_start3A_191 = arith.constant 9984 : i32
        %dma_start3A_192 = arith.constant 0 : i32
        %dma_start3A_193 = tpu.memref_slice %arg6[%dma_start3A_191, %dma_start3A_192] : memref<10128x128xf32, #tpu.memory_space<vmem_shared>> -> memref<16x128xf32, #tpu.memory_space<vmem_shared>>
        %dma_start3A_194 = arith.constant 0 : i32
        %dma_start3A_195 = arith.constant 0 : i32
        %dma_start3A_196 = tpu.memref_slice %arg9[%run_scoped3A, %dma_start3A_194, %dma_start3A_195] : memref<4x64x128xf32, #tpu.memory_space<vmem>> -> memref<1x16x128xf32, #tpu.memory_space<vmem>>
        %dma_start3A_197 = tpu.memref_squeeze %dma_start3A_196 : memref<1x16x128xf32, #tpu.memory_space<vmem>> -> memref<16x128xf32, #tpu.memory_space<vmem>>
        tpu.enqueue_dma source(%dma_start3A_197 : memref<16x128xf32, #tpu.memory_space<vmem>>) target(%dma_start3A_193 : memref<16x128xf32, #tpu.memory_space<vmem_shared>>) target_semaphore(%run_scoped3A_183 : memref<!tpu.dma_semaphore, #tpu.memory_space<semaphore_mem>>)
        %dma_wait3A_198 = arith.constant 0 : i32
        %dma_wait3A_199 = arith.constant 0 : i32
        %dma_wait3A_200 = tpu.memref_slice %arg9[%run_scoped3A, %dma_wait3A_198, %dma_wait3A_199] : memref<4x64x128xf32, #tpu.memory_space<vmem>> -> memref<1x16x128xf32, #tpu.memory_space<vmem>>
        %dma_wait3A_201 = tpu.memref_squeeze %dma_wait3A_200 : memref<1x16x128xf32, #tpu.memory_space<vmem>> -> memref<16x128xf32, #tpu.memory_space<vmem>>
        %dma_wait3A_202 = arith.constant 9984 : i32
        %dma_wait3A_203 = arith.constant 0 : i32
        %dma_wait3A_204 = tpu.memref_slice %arg6[%dma_wait3A_202, %dma_wait3A_203] : memref<10128x128xf32, #tpu.memory_space<vmem_shared>> -> memref<16x128xf32, #tpu.memory_space<vmem_shared>>
        %dma_wait3A_205 = arith.constant 9984 : i32
        %dma_wait3A_206 = arith.constant 0 : i32
        %dma_wait3A_207 = tpu.memref_slice %arg6[%dma_wait3A_205, %dma_wait3A_206] : memref<10128x128xf32, #tpu.memory_space<vmem_shared>> -> memref<16x128xf32, #tpu.memory_space<vmem_shared>>
        %dma_wait3A_208 = arith.constant 0 : i32
        %dma_wait3A_209 = arith.constant 0 : i32
        %dma_wait3A_210 = tpu.memref_slice %arg9[%run_scoped3A, %dma_wait3A_208, %dma_wait3A_209] : memref<4x64x128xf32, #tpu.memory_space<vmem>> -> memref<1x16x128xf32, #tpu.memory_space<vmem>>
        %dma_wait3A_211 = tpu.memref_squeeze %dma_wait3A_210 : memref<1x16x128xf32, #tpu.memory_space<vmem>> -> memref<16x128xf32, #tpu.memory_space<vmem>>
        tpu.wait_dma2 semaphore(%run_scoped3A_183 : memref<!tpu.dma_semaphore, #tpu.memory_space<semaphore_mem>>) src(%dma_wait3A_211 : memref<16x128xf32, #tpu.memory_space<vmem>>) dst(%dma_wait3A_207 : memref<16x128xf32, #tpu.memory_space<vmem_shared>>)
        tpu.yield
      }) : () -> ()
    } else {
    }
    %dma_wait3A = arith.constant 0 : i32
    %dma_wait3A_56 = arith.constant 0 : i32
    %dma_wait3A_57 = arith.constant 0 : i32
    %dma_wait3A_58 = arith.constant 0 : i32
    %dma_wait3A_59 = tpu.memref_slice %arg7[%dma_wait3A, %dma_wait3A_57, %dma_wait3A_58] : memref<2x16x64xi32, #tpu.memory_space<vmem>> -> memref<1x16x64xi32, #tpu.memory_space<vmem>>
    %dma_wait3A_60 = tpu.memref_squeeze %dma_wait3A_59 : memref<1x16x64xi32, #tpu.memory_space<vmem>> -> memref<16x64xi32, #tpu.memory_space<vmem>>
    %dma_wait3A_61 = arith.constant 0 : i32
    %dma_wait3A_62 = arith.constant 0 : i32
    %dma_wait3A_63 = tpu.memref_slice %arg2[%add3A, %dma_wait3A_61, %dma_wait3A_62] : memref<32x160x64xi32, #tpu.memory_space<hbm>> -> memref<1x16x64xi32, #tpu.memory_space<hbm>>
    %dma_wait3A_64 = tpu.memref_squeeze %dma_wait3A_63 : memref<1x16x64xi32, #tpu.memory_space<hbm>> -> memref<16x64xi32, #tpu.memory_space<hbm>>
    %dma_wait3A_65 = tpu.memref_slice %arg11[%dma_wait3A_56] : memref<2x!tpu.dma_semaphore, #tpu.memory_space<semaphore_mem>> -> memref<1x!tpu.dma_semaphore, #tpu.memory_space<semaphore_mem>>
    %dma_wait3A_66 = tpu.memref_squeeze %dma_wait3A_65 : memref<1x!tpu.dma_semaphore, #tpu.memory_space<semaphore_mem>> -> memref<!tpu.dma_semaphore, #tpu.memory_space<semaphore_mem>>
    %dma_wait3A_67 = arith.constant 0 : i32
    %dma_wait3A_68 = arith.constant 0 : i32
    %dma_wait3A_69 = tpu.memref_slice %arg7[%dma_wait3A, %dma_wait3A_67, %dma_wait3A_68] : memref<2x16x64xi32, #tpu.memory_space<vmem>> -> memref<1x16x64xi32, #tpu.memory_space<vmem>>
    %dma_wait3A_70 = tpu.memref_squeeze %dma_wait3A_69 : memref<1x16x64xi32, #tpu.memory_space<vmem>> -> memref<16x64xi32, #tpu.memory_space<vmem>>
    %dma_wait3A_71 = arith.constant 0 : i32
    %dma_wait3A_72 = arith.constant 0 : i32
    %dma_wait3A_73 = tpu.memref_slice %arg2[%add3A, %dma_wait3A_71, %dma_wait3A_72] : memref<32x160x64xi32, #tpu.memory_space<hbm>> -> memref<1x16x64xi32, #tpu.memory_space<hbm>>
    %dma_wait3A_74 = tpu.memref_squeeze %dma_wait3A_73 : memref<1x16x64xi32, #tpu.memory_space<hbm>> -> memref<16x64xi32, #tpu.memory_space<hbm>>
    tpu.wait_dma2 semaphore(%dma_wait3A_66 : memref<!tpu.dma_semaphore, #tpu.memory_space<semaphore_mem>>) src(%dma_wait3A_74 : memref<16x64xi32, #tpu.memory_space<hbm>>) dst(%dma_wait3A_70 : memref<16x64xi32, #tpu.memory_space<vmem>>)
    %dma_wait3A_75 = arith.constant 0 : i32
    %dma_wait3A_76 = arith.constant 0 : i32
    %dma_wait3A_77 = arith.constant 0 : i32
    %dma_wait3A_78 = arith.constant 0 : i32
    %dma_wait3A_79 = tpu.memref_slice %arg8[%dma_wait3A_75, %dma_wait3A_77, %dma_wait3A_78] : memref<2x16x64xi32, #tpu.memory_space<vmem>> -> memref<1x16x64xi32, #tpu.memory_space<vmem>>
    %dma_wait3A_80 = tpu.memref_squeeze %dma_wait3A_79 : memref<1x16x64xi32, #tpu.memory_space<vmem>> -> memref<16x64xi32, #tpu.memory_space<vmem>>
    %dma_wait3A_81 = arith.constant 0 : i32
    %dma_wait3A_82 = arith.constant 0 : i32
    %dma_wait3A_83 = tpu.memref_slice %arg3[%add3A, %dma_wait3A_81, %dma_wait3A_82] : memref<32x160x64xi32, #tpu.memory_space<hbm>> -> memref<1x16x64xi32, #tpu.memory_space<hbm>>
    %dma_wait3A_84 = tpu.memref_squeeze %dma_wait3A_83 : memref<1x16x64xi32, #tpu.memory_space<hbm>> -> memref<16x64xi32, #tpu.memory_space<hbm>>
    %dma_wait3A_85 = tpu.memref_slice %arg11[%dma_wait3A_76] : memref<2x!tpu.dma_semaphore, #tpu.memory_space<semaphore_mem>> -> memref<1x!tpu.dma_semaphore, #tpu.memory_space<semaphore_mem>>
    %dma_wait3A_86 = tpu.memref_squeeze %dma_wait3A_85 : memref<1x!tpu.dma_semaphore, #tpu.memory_space<semaphore_mem>> -> memref<!tpu.dma_semaphore, #tpu.memory_space<semaphore_mem>>
    %dma_wait3A_87 = arith.constant 0 : i32
    %dma_wait3A_88 = arith.constant 0 : i32
    %dma_wait3A_89 = tpu.memref_slice %arg8[%dma_wait3A_75, %dma_wait3A_87, %dma_wait3A_88] : memref<2x16x64xi32, #tpu.memory_space<vmem>> -> memref<1x16x64xi32, #tpu.memory_space<vmem>>
    %dma_wait3A_90 = tpu.memref_squeeze %dma_wait3A_89 : memref<1x16x64xi32, #tpu.memory_space<vmem>> -> memref<16x64xi32, #tpu.memory_space<vmem>>
    %dma_wait3A_91 = arith.constant 0 : i32
    %dma_wait3A_92 = arith.constant 0 : i32
    %dma_wait3A_93 = tpu.memref_slice %arg3[%add3A, %dma_wait3A_91, %dma_wait3A_92] : memref<32x160x64xi32, #tpu.memory_space<hbm>> -> memref<1x16x64xi32, #tpu.memory_space<hbm>>
    %dma_wait3A_94 = tpu.memref_squeeze %dma_wait3A_93 : memref<1x16x64xi32, #tpu.memory_space<hbm>> -> memref<16x64xi32, #tpu.memory_space<hbm>>
    tpu.wait_dma2 semaphore(%dma_wait3A_86 : memref<!tpu.dma_semaphore, #tpu.memory_space<semaphore_mem>>) src(%dma_wait3A_94 : memref<16x64xi32, #tpu.memory_space<hbm>>) dst(%dma_wait3A_90 : memref<16x64xi32, #tpu.memory_space<vmem>>)
    %barrier3A = arith.constant 0 : index
    tpu.barrier barrier_id(%barrier3A)
    %rem3A = arith.constant 0 : i32
    %rem3A_95 = arith.constant 2 : i32
    %rem3A_96 = arith.remsi %rem3A, %rem3A_95 : i32
    %rem3A_97 = arith.constant 0 : i32
    %rem3A_98 = arith.constant 16 : i32
    %rem3A_99 = arith.remsi %rem3A_97, %rem3A_98 : i32
    %rem3A_100 = arith.constant 0 : i32
    %rem3A_101 = arith.constant 4 : i32
    %rem3A_102 = arith.remsi %rem3A_100, %rem3A_101 : i32
    %rem3A_103 = arith.constant 0 : i32
    %rem3A_104 = arith.constant 4 : i32
    %rem3A_105 = arith.remsi %rem3A_103, %rem3A_104 : i32
    %dma_start3A_106 = arith.constant 0 : i32
    %dma_start3A_107 = arith.constant 0 : i32
    %dma_start3A_108 = tpu.memref_slice %arg9[%rem3A_102, %dma_start3A_106, %dma_start3A_107] : memref<4x64x128xf32, #tpu.memory_space<vmem>> -> memref<1x64x128xf32, #tpu.memory_space<vmem>>
    %dma_start3A_109 = tpu.memref_squeeze %dma_start3A_108 : memref<1x64x128xf32, #tpu.memory_space<vmem>> -> memref<64x128xf32, #tpu.memory_space<vmem>>
    %dma_start3A_110 = arith.constant 0 : i32
    %dma_start3A_111 = tpu.memref_slice %arg7[%rem3A_96, %rem3A_99, %dma_start3A_110] : memref<2x16x64xi32, #tpu.memory_space<vmem>> -> memref<1x1x64xi32, #tpu.memory_space<vmem>>
    %dma_start3A_112 = tpu.memref_squeeze %dma_start3A_111 : memref<1x1x64xi32, #tpu.memory_space<vmem>> -> memref<64xi32, #tpu.memory_space<vmem>>
    %dma_start3A_113 = arith.constant 0 : i32
    %dma_start3A_114 = arith.constant 0 : i32
    %dma_start3A_115 = tpu.memref_slice %arg4[%dma_start3A_113, %dma_start3A_114] : memref<10000x128xf32, #tpu.memory_space<hbm>> -> memref<10000x128xf32, #tpu.memory_space<hbm>>
    %dma_start3A_116 = tpu.memref_slice %arg10[%rem3A_105] : memref<4x!tpu.dma_semaphore, #tpu.memory_space<semaphore_mem>> -> memref<1x!tpu.dma_semaphore, #tpu.memory_space<semaphore_mem>>
    %dma_start3A_117 = tpu.memref_squeeze %dma_start3A_116 : memref<1x!tpu.dma_semaphore, #tpu.memory_space<semaphore_mem>> -> memref<!tpu.dma_semaphore, #tpu.memory_space<semaphore_mem>>
    tpu.enqueue_indirect_dma source(%dma_start3A_115 : memref<10000x128xf32, #tpu.memory_space<hbm>>) target(%dma_start3A_109 : memref<64x128xf32, #tpu.memory_space<vmem>>) offsets(%dma_start3A_112 : memref<64xi32, #tpu.memory_space<vmem>>) semaphore(%dma_start3A_117 : memref<!tpu.dma_semaphore, #tpu.memory_space<semaphore_mem>>)
    %rem3A_118 = arith.constant 0 : i32
    %rem3A_119 = arith.constant 2 : i32
    %rem3A_120 = arith.remsi %rem3A_118, %rem3A_119 : i32
    %rem3A_121 = arith.constant 1 : i32
    %rem3A_122 = arith.constant 16 : i32
    %rem3A_123 = arith.remsi %rem3A_121, %rem3A_122 : i32
    %rem3A_124 = arith.constant 1 : i32
    %rem3A_125 = arith.constant 4 : i32
    %rem3A_126 = arith.remsi %rem3A_124, %rem3A_125 : i32
    %rem3A_127 = arith.constant 1 : i32
    %rem3A_128 = arith.constant 4 : i32
    %rem3A_129 = arith.remsi %rem3A_127, %rem3A_128 : i32
    %dma_start3A_130 = arith.constant 0 : i32
    %dma_start3A_131 = arith.constant 0 : i32
    %dma_start3A_132 = tpu.memref_slice %arg9[%rem3A_126, %dma_start3A_130, %dma_start3A_131] : memref<4x64x128xf32, #tpu.memory_space<vmem>> -> memref<1x64x128xf32, #tpu.memory_space<vmem>>
    %dma_start3A_133 = tpu.memref_squeeze %dma_start3A_132 : memref<1x64x128xf32, #tpu.memory_space<vmem>> -> memref<64x128xf32, #tpu.memory_space<vmem>>
    %dma_start3A_134 = arith.constant 0 : i32
    %dma_start3A_135 = tpu.memref_slice %arg7[%rem3A_120, %rem3A_123, %dma_start3A_134] : memref<2x16x64xi32, #tpu.memory_space<vmem>> -> memref<1x1x64xi32, #tpu.memory_space<vmem>>
    %dma_start3A_136 = tpu.memref_squeeze %dma_start3A_135 : memref<1x1x64xi32, #tpu.memory_space<vmem>> -> memref<64xi32, #tpu.memory_space<vmem>>
    %dma_start3A_137 = arith.constant 0 : i32
    %dma_start3A_138 = arith.constant 0 : i32
    %dma_start3A_139 = tpu.memref_slice %arg4[%dma_start3A_137, %dma_start3A_138] : memref<10000x128xf32, #tpu.memory_space<hbm>> -> memref<10000x128xf32, #tpu.memory_space<hbm>>
    %dma_start3A_140 = tpu.memref_slice %arg10[%rem3A_129] : memref<4x!tpu.dma_semaphore, #tpu.memory_space<semaphore_mem>> -> memref<1x!tpu.dma_semaphore, #tpu.memory_space<semaphore_mem>>
    %dma_start3A_141 = tpu.memref_squeeze %dma_start3A_140 : memref<1x!tpu.dma_semaphore, #tpu.memory_space<semaphore_mem>> -> memref<!tpu.dma_semaphore, #tpu.memory_space<semaphore_mem>>
    tpu.enqueue_indirect_dma source(%dma_start3A_139 : memref<10000x128xf32, #tpu.memory_space<hbm>>) target(%dma_start3A_133 : memref<64x128xf32, #tpu.memory_space<vmem>>) offsets(%dma_start3A_136 : memref<64xi32, #tpu.memory_space<vmem>>) semaphore(%dma_start3A_141 : memref<!tpu.dma_semaphore, #tpu.memory_space<semaphore_mem>>)
    %rem3A_142 = arith.constant 0 : i32
    %rem3A_143 = arith.constant 2 : i32
    %rem3A_144 = arith.remsi %rem3A_142, %rem3A_143 : i32
    %rem3A_145 = arith.constant 2 : i32
    %rem3A_146 = arith.constant 16 : i32
    %rem3A_147 = arith.remsi %rem3A_145, %rem3A_146 : i32
    %rem3A_148 = arith.constant 2 : i32
    %rem3A_149 = arith.constant 4 : i32
    %rem3A_150 = arith.remsi %rem3A_148, %rem3A_149 : i32
    %rem3A_151 = arith.constant 2 : i32
    %rem3A_152 = arith.constant 4 : i32
    %rem3A_153 = arith.remsi %rem3A_151, %rem3A_152 : i32
    %dma_start3A_154 = arith.constant 0 : i32
    %dma_start3A_155 = arith.constant 0 : i32
    %dma_start3A_156 = tpu.memref_slice %arg9[%rem3A_150, %dma_start3A_154, %dma_start3A_155] : memref<4x64x128xf32, #tpu.memory_space<vmem>> -> memref<1x64x128xf32, #tpu.memory_space<vmem>>
    %dma_start3A_157 = tpu.memref_squeeze %dma_start3A_156 : memref<1x64x128xf32, #tpu.memory_space<vmem>> -> memref<64x128xf32, #tpu.memory_space<vmem>>
    %dma_start3A_158 = arith.constant 0 : i32
    %dma_start3A_159 = tpu.memref_slice %arg7[%rem3A_144, %rem3A_147, %dma_start3A_158] : memref<2x16x64xi32, #tpu.memory_space<vmem>> -> memref<1x1x64xi32, #tpu.memory_space<vmem>>
    %dma_start3A_160 = tpu.memref_squeeze %dma_start3A_159 : memref<1x1x64xi32, #tpu.memory_space<vmem>> -> memref<64xi32, #tpu.memory_space<vmem>>
    %dma_start3A_161 = arith.constant 0 : i32
    %dma_start3A_162 = arith.constant 0 : i32
    %dma_start3A_163 = tpu.memref_slice %arg4[%dma_start3A_161, %dma_start3A_162] : memref<10000x128xf32, #tpu.memory_space<hbm>> -> memref<10000x128xf32, #tpu.memory_space<hbm>>
    %dma_start3A_164 = tpu.memref_slice %arg10[%rem3A_153] : memref<4x!tpu.dma_semaphore, #tpu.memory_space<semaphore_mem>> -> memref<1x!tpu.dma_semaphore, #tpu.memory_space<semaphore_mem>>
    %dma_start3A_165 = tpu.memref_squeeze %dma_start3A_164 : memref<1x!tpu.dma_semaphore, #tpu.memory_space<semaphore_mem>> -> memref<!tpu.dma_semaphore, #tpu.memory_space<semaphore_mem>>
    tpu.enqueue_indirect_dma source(%dma_start3A_163 : memref<10000x128xf32, #tpu.memory_space<hbm>>) target(%dma_start3A_157 : memref<64x128xf32, #tpu.memory_space<vmem>>) offsets(%dma_start3A_160 : memref<64xi32, #tpu.memory_space<vmem>>) semaphore(%dma_start3A_165 : memref<!tpu.dma_semaphore, #tpu.memory_space<semaphore_mem>>)
    %scan3A_166 = arith.constant 0 : i32
    %scan3A_167 = arith.constant 0 : i32
    %scan3A_168 = arith.constant 160 : i32
    %scan3A_169 = arith.addi %scan3A_167, %scan3A_168 : i32
    %scan3A_170 = arith.constant 1 : i32
    %scan3A_171 = scf.for %scan3A_183 = %scan3A_167 to %scan3A_169 step %scan3A_170 iter_args(%scan3A_184 = %scan3A_166) -> (i32)  : i32 {
      %jit3A = arith.constant 16 : i32
      %div3A = arith.divsi %scan3A_183, %jit3A : i32
      %sign3A = arith.constant 0 : i32
      %sign3A_185 = arith.cmpi sgt, %scan3A_183, %sign3A : i32
      %sign3A_186 = arith.extui %sign3A_185 : i1 to i32
      %sign3A_187 = arith.constant 0 : i32
      %sign3A_188 = arith.cmpi slt, %scan3A_183, %sign3A_187 : i32
      %sign3A_189 = arith.extui %sign3A_188 : i1 to i32
      %sign3A_190 = arith.subi %sign3A_186, %sign3A_189 : i32
      %sign3A_191 = arith.constant 0 : i32
      %sign3A_192 = arith.cmpi sgt, %jit3A, %sign3A_191 : i32
      %sign3A_193 = arith.extui %sign3A_192 : i1 to i32
      %sign3A_194 = arith.constant 0 : i32
      %sign3A_195 = arith.cmpi slt, %jit3A, %sign3A_194 : i32
      %sign3A_196 = arith.extui %sign3A_195 : i1 to i32
      %sign3A_197 = arith.subi %sign3A_193, %sign3A_196 : i32
      %ne3A = arith.cmpi ne, %sign3A_190, %sign3A_197 : i32
      %rem3A_198 = arith.remsi %scan3A_183, %jit3A : i32
      %ne3A_199 = arith.constant 0 : i32
      %ne3A_200 = arith.cmpi ne, %rem3A_198, %ne3A_199 : i32
      %and3A = arith.andi %ne3A, %ne3A_200 : i1
      %sub3A = arith.constant 1 : i32
      %sub3A_201 = arith.subi %div3A, %sub3A : i32
      %select_n3A = arith.select %and3A, %sub3A_201, %div3A : i32
      %rem3A_202 = arith.constant 16 : i32
      %rem3A_203 = arith.remsi %scan3A_183, %rem3A_202 : i32
      %rem3A_204 = arith.constant 2 : i32
      %rem3A_205 = arith.remsi %select_n3A, %rem3A_204 : i32
      %rem3A_206 = arith.constant 4 : i32
      %rem3A_207 = arith.remsi %scan3A_183, %rem3A_206 : i32
      %dma_wait3A_208 = arith.constant 0 : i32
      %dma_wait3A_209 = arith.constant 0 : i32
      %dma_wait3A_210 = tpu.memref_slice %arg9[%rem3A_207, %dma_wait3A_208, %dma_wait3A_209] : memref<4x64x128xf32, #tpu.memory_space<vmem>> -> memref<1x64x128xf32, #tpu.memory_space<vmem>>
      %dma_wait3A_211 = tpu.memref_squeeze %dma_wait3A_210 : memref<1x64x128xf32, #tpu.memory_space<vmem>> -> memref<64x128xf32, #tpu.memory_space<vmem>>
      %dma_wait3A_212 = arith.constant 0 : i32
      %dma_wait3A_213 = tpu.memref_slice %arg7[%rem3A_205, %rem3A_203, %dma_wait3A_212] : memref<2x16x64xi32, #tpu.memory_space<vmem>> -> memref<1x1x64xi32, #tpu.memory_space<vmem>>
      %dma_wait3A_214 = tpu.memref_squeeze %dma_wait3A_213 : memref<1x1x64xi32, #tpu.memory_space<vmem>> -> memref<64xi32, #tpu.memory_space<vmem>>
      %dma_wait3A_215 = arith.constant 0 : i32
      %dma_wait3A_216 = arith.constant 0 : i32
      %dma_wait3A_217 = tpu.memref_slice %arg4[%dma_wait3A_215, %dma_wait3A_216] : memref<10000x128xf32, #tpu.memory_space<hbm>> -> memref<10000x128xf32, #tpu.memory_space<hbm>>
      %dma_wait3A_218 = tpu.memref_slice %arg10[%rem3A_207] : memref<4x!tpu.dma_semaphore, #tpu.memory_space<semaphore_mem>> -> memref<1x!tpu.dma_semaphore, #tpu.memory_space<semaphore_mem>>
      %dma_wait3A_219 = tpu.memref_squeeze %dma_wait3A_218 : memref<1x!tpu.dma_semaphore, #tpu.memory_space<semaphore_mem>> -> memref<!tpu.dma_semaphore, #tpu.memory_space<semaphore_mem>>
      tpu.wait_indirect_dma semaphore(%dma_wait3A_219 : memref<!tpu.dma_semaphore, #tpu.memory_space<semaphore_mem>>) src(%dma_wait3A_217 : memref<10000x128xf32, #tpu.memory_space<hbm>>) dst(%dma_wait3A_211 : memref<64x128xf32, #tpu.memory_space<vmem>>)
      %eq3A_220 = arith.constant 0 : i32
      %eq3A_221 = arith.cmpi eq, %rem3A_203, %eq3A_220 : i32
      %add3A_222 = arith.constant 1 : i32
      %add3A_223 = arith.addi %select_n3A, %add3A_222 : i32
      %lt3A = arith.constant 10 : i32
      %lt3A_224 = arith.cmpi slt, %add3A_223, %lt3A : i32
      %and3A_225 = arith.andi %eq3A_221, %lt3A_224 : i1
      %convert_element_type3A_226 = arith.extui %and3A_225 : i1 to i32
      %cond3A_227 = arith.constant 0 : i32
      %cond3A_228 = arith.cmpi ne, %convert_element_type3A_226, %cond3A_227 : i32
      scf.if %cond3A_228 {
        %add3A_249 = arith.constant 1 : i32
        %add3A_250 = arith.addi %select_n3A, %add3A_249 : i32
        %sub3A_251 = arith.constant 1 : i32
        %sub3A_252 = arith.subi %sub3A_251, %rem3A_205 : i32
        %mul3A_253 = arith.constant 16 : i32
        %mul3A_254 = arith.muli %add3A_250, %mul3A_253 : i32
        %dma_start3A_255 = arith.constant 0 : i32
        %dma_start3A_256 = arith.constant 0 : i32
        %dma_start3A_257 = tpu.memref_slice %arg7[%sub3A_252, %dma_start3A_255, %dma_start3A_256] : memref<2x16x64xi32, #tpu.memory_space<vmem>> -> memref<1x16x64xi32, #tpu.memory_space<vmem>>
        %dma_start3A_258 = tpu.memref_squeeze %dma_start3A_257 : memref<1x16x64xi32, #tpu.memory_space<vmem>> -> memref<16x64xi32, #tpu.memory_space<vmem>>
        %dma_start3A_259 = arith.constant 0 : i32
        %dma_start3A_260 = tpu.memref_slice %arg2[%add3A, %mul3A_254, %dma_start3A_259] : memref<32x160x64xi32, #tpu.memory_space<hbm>> -> memref<1x16x64xi32, #tpu.memory_space<hbm>>
        %dma_start3A_261 = tpu.memref_squeeze %dma_start3A_260 : memref<1x16x64xi32, #tpu.memory_space<hbm>> -> memref<16x64xi32, #tpu.memory_space<hbm>>
        %dma_start3A_262 = tpu.memref_slice %arg11[%sub3A_252] : memref<2x!tpu.dma_semaphore, #tpu.memory_space<semaphore_mem>> -> memref<1x!tpu.dma_semaphore, #tpu.memory_space<semaphore_mem>>
        %dma_start3A_263 = tpu.memref_squeeze %dma_start3A_262 : memref<1x!tpu.dma_semaphore, #tpu.memory_space<semaphore_mem>> -> memref<!tpu.dma_semaphore, #tpu.memory_space<semaphore_mem>>
        %dma_start3A_264 = arith.constant 0 : i32
        %dma_start3A_265 = arith.constant 0 : i32
        %dma_start3A_266 = tpu.memref_slice %arg7[%sub3A_252, %dma_start3A_264, %dma_start3A_265] : memref<2x16x64xi32, #tpu.memory_space<vmem>> -> memref<1x16x64xi32, #tpu.memory_space<vmem>>
        %dma_start3A_267 = tpu.memref_squeeze %dma_start3A_266 : memref<1x16x64xi32, #tpu.memory_space<vmem>> -> memref<16x64xi32, #tpu.memory_space<vmem>>
        %dma_start3A_268 = arith.constant 0 : i32
        %dma_start3A_269 = tpu.memref_slice %arg2[%add3A, %mul3A_254, %dma_start3A_268] : memref<32x160x64xi32, #tpu.memory_space<hbm>> -> memref<1x16x64xi32, #tpu.memory_space<hbm>>
        %dma_start3A_270 = tpu.memref_squeeze %dma_start3A_269 : memref<1x16x64xi32, #tpu.memory_space<hbm>> -> memref<16x64xi32, #tpu.memory_space<hbm>>
        tpu.enqueue_dma source(%dma_start3A_270 : memref<16x64xi32, #tpu.memory_space<hbm>>) target(%dma_start3A_267 : memref<16x64xi32, #tpu.memory_space<vmem>>) target_semaphore(%dma_start3A_263 : memref<!tpu.dma_semaphore, #tpu.memory_space<semaphore_mem>>)
        %mul3A_271 = arith.constant 16 : i32
        %mul3A_272 = arith.muli %add3A_250, %mul3A_271 : i32
        %dma_start3A_273 = arith.constant 0 : i32
        %dma_start3A_274 = arith.constant 0 : i32
        %dma_start3A_275 = tpu.memref_slice %arg8[%sub3A_252, %dma_start3A_273, %dma_start3A_274] : memref<2x16x64xi32, #tpu.memory_space<vmem>> -> memref<1x16x64xi32, #tpu.memory_space<vmem>>
        %dma_start3A_276 = tpu.memref_squeeze %dma_start3A_275 : memref<1x16x64xi32, #tpu.memory_space<vmem>> -> memref<16x64xi32, #tpu.memory_space<vmem>>
        %dma_start3A_277 = arith.constant 0 : i32
        %dma_start3A_278 = tpu.memref_slice %arg3[%add3A, %mul3A_272, %dma_start3A_277] : memref<32x160x64xi32, #tpu.memory_space<hbm>> -> memref<1x16x64xi32, #tpu.memory_space<hbm>>
        %dma_start3A_279 = tpu.memref_squeeze %dma_start3A_278 : memref<1x16x64xi32, #tpu.memory_space<hbm>> -> memref<16x64xi32, #tpu.memory_space<hbm>>
        %dma_start3A_280 = tpu.memref_slice %arg11[%sub3A_252] : memref<2x!tpu.dma_semaphore, #tpu.memory_space<semaphore_mem>> -> memref<1x!tpu.dma_semaphore, #tpu.memory_space<semaphore_mem>>
        %dma_start3A_281 = tpu.memref_squeeze %dma_start3A_280 : memref<1x!tpu.dma_semaphore, #tpu.memory_space<semaphore_mem>> -> memref<!tpu.dma_semaphore, #tpu.memory_space<semaphore_mem>>
        %dma_start3A_282 = arith.constant 0 : i32
        %dma_start3A_283 = arith.constant 0 : i32
        %dma_start3A_284 = tpu.memref_slice %arg8[%sub3A_252, %dma_start3A_282, %dma_start3A_283] : memref<2x16x64xi32, #tpu.memory_space<vmem>> -> memref<1x16x64xi32, #tpu.memory_space<vmem>>
        %dma_start3A_285 = tpu.memref_squeeze %dma_start3A_284 : memref<1x16x64xi32, #tpu.memory_space<vmem>> -> memref<16x64xi32, #tpu.memory_space<vmem>>
        %dma_start3A_286 = arith.constant 0 : i32
        %dma_start3A_287 = tpu.memref_slice %arg3[%add3A, %mul3A_272, %dma_start3A_286] : memref<32x160x64xi32, #tpu.memory_space<hbm>> -> memref<1x16x64xi32, #tpu.memory_space<hbm>>
        %dma_start3A_288 = tpu.memref_squeeze %dma_start3A_287 : memref<1x16x64xi32, #tpu.memory_space<hbm>> -> memref<16x64xi32, #tpu.memory_space<hbm>>
        tpu.enqueue_dma source(%dma_start3A_288 : memref<16x64xi32, #tpu.memory_space<hbm>>) target(%dma_start3A_285 : memref<16x64xi32, #tpu.memory_space<vmem>>) target_semaphore(%dma_start3A_281 : memref<!tpu.dma_semaphore, #tpu.memory_space<semaphore_mem>>)
      } else {
      }
      %eq3A_229 = arith.constant 12 : i32
      %eq3A_230 = arith.cmpi eq, %rem3A_203, %eq3A_229 : i32
      %add3A_231 = arith.constant 1 : i32
      %add3A_232 = arith.addi %select_n3A, %add3A_231 : i32
      %lt3A_233 = arith.constant 10 : i32
      %lt3A_234 = arith.cmpi slt, %add3A_232, %lt3A_233 : i32
      %and3A_235 = arith.andi %eq3A_230, %lt3A_234 : i1
      %convert_element_type3A_236 = arith.extui %and3A_235 : i1 to i32
      %cond3A_237 = arith.constant 0 : i32
      %cond3A_238 = arith.cmpi ne, %convert_element_type3A_236, %cond3A_237 : i32
      scf.if %cond3A_238 {
        %sub3A_249 = arith.constant 1 : i32
        %sub3A_250 = arith.subi %sub3A_249, %rem3A_205 : i32
        %dma_wait3A_251 = arith.constant 0 : i32
        %dma_wait3A_252 = arith.constant 0 : i32
        %dma_wait3A_253 = tpu.memref_slice %arg7[%sub3A_250, %dma_wait3A_251, %dma_wait3A_252] : memref<2x16x64xi32, #tpu.memory_space<vmem>> -> memref<1x16x64xi32, #tpu.memory_space<vmem>>
        %dma_wait3A_254 = tpu.memref_squeeze %dma_wait3A_253 : memref<1x16x64xi32, #tpu.memory_space<vmem>> -> memref<16x64xi32, #tpu.memory_space<vmem>>
        %dma_wait3A_255 = arith.constant 0 : i32
        %dma_wait3A_256 = arith.constant 0 : i32
        %dma_wait3A_257 = tpu.memref_slice %arg2[%add3A, %dma_wait3A_255, %dma_wait3A_256] : memref<32x160x64xi32, #tpu.memory_space<hbm>> -> memref<1x16x64xi32, #tpu.memory_space<hbm>>
        %dma_wait3A_258 = tpu.memref_squeeze %dma_wait3A_257 : memref<1x16x64xi32, #tpu.memory_space<hbm>> -> memref<16x64xi32, #tpu.memory_space<hbm>>
        %dma_wait3A_259 = tpu.memref_slice %arg11[%sub3A_250] : memref<2x!tpu.dma_semaphore, #tpu.memory_space<semaphore_mem>> -> memref<1x!tpu.dma_semaphore, #tpu.memory_space<semaphore_mem>>
        %dma_wait3A_260 = tpu.memref_squeeze %dma_wait3A_259 : memref<1x!tpu.dma_semaphore, #tpu.memory_space<semaphore_mem>> -> memref<!tpu.dma_semaphore, #tpu.memory_space<semaphore_mem>>
        %dma_wait3A_261 = arith.constant 0 : i32
        %dma_wait3A_262 = arith.constant 0 : i32
        %dma_wait3A_263 = tpu.memref_slice %arg7[%sub3A_250, %dma_wait3A_261, %dma_wait3A_262] : memref<2x16x64xi32, #tpu.memory_space<vmem>> -> memref<1x16x64xi32, #tpu.memory_space<vmem>>
        %dma_wait3A_264 = tpu.memref_squeeze %dma_wait3A_263 : memref<1x16x64xi32, #tpu.memory_space<vmem>> -> memref<16x64xi32, #tpu.memory_space<vmem>>
        %dma_wait3A_265 = arith.constant 0 : i32
        %dma_wait3A_266 = arith.constant 0 : i32
        %dma_wait3A_267 = tpu.memref_slice %arg2[%add3A, %dma_wait3A_265, %dma_wait3A_266] : memref<32x160x64xi32, #tpu.memory_space<hbm>> -> memref<1x16x64xi32, #tpu.memory_space<hbm>>
        %dma_wait3A_268 = tpu.memref_squeeze %dma_wait3A_267 : memref<1x16x64xi32, #tpu.memory_space<hbm>> -> memref<16x64xi32, #tpu.memory_space<hbm>>
        tpu.wait_dma2 semaphore(%dma_wait3A_260 : memref<!tpu.dma_semaphore, #tpu.memory_space<semaphore_mem>>) src(%dma_wait3A_268 : memref<16x64xi32, #tpu.memory_space<hbm>>) dst(%dma_wait3A_264 : memref<16x64xi32, #tpu.memory_space<vmem>>)
        %dma_wait3A_269 = arith.constant 0 : i32
        %dma_wait3A_270 = arith.constant 0 : i32
        %dma_wait3A_271 = tpu.memref_slice %arg8[%sub3A_250, %dma_wait3A_269, %dma_wait3A_270] : memref<2x16x64xi32, #tpu.memory_space<vmem>> -> memref<1x16x64xi32, #tpu.memory_space<vmem>>
        %dma_wait3A_272 = tpu.memref_squeeze %dma_wait3A_271 : memref<1x16x64xi32, #tpu.memory_space<vmem>> -> memref<16x64xi32, #tpu.memory_space<vmem>>
        %dma_wait3A_273 = arith.constant 0 : i32
        %dma_wait3A_274 = arith.constant 0 : i32
        %dma_wait3A_275 = tpu.memref_slice %arg3[%add3A, %dma_wait3A_273, %dma_wait3A_274] : memref<32x160x64xi32, #tpu.memory_space<hbm>> -> memref<1x16x64xi32, #tpu.memory_space<hbm>>
        %dma_wait3A_276 = tpu.memref_squeeze %dma_wait3A_275 : memref<1x16x64xi32, #tpu.memory_space<hbm>> -> memref<16x64xi32, #tpu.memory_space<hbm>>
        %dma_wait3A_277 = tpu.memref_slice %arg11[%sub3A_250] : memref<2x!tpu.dma_semaphore, #tpu.memory_space<semaphore_mem>> -> memref<1x!tpu.dma_semaphore, #tpu.memory_space<semaphore_mem>>
        %dma_wait3A_278 = tpu.memref_squeeze %dma_wait3A_277 : memref<1x!tpu.dma_semaphore, #tpu.memory_space<semaphore_mem>> -> memref<!tpu.dma_semaphore, #tpu.memory_space<semaphore_mem>>
        %dma_wait3A_279 = arith.constant 0 : i32
        %dma_wait3A_280 = arith.constant 0 : i32
        %dma_wait3A_281 = tpu.memref_slice %arg8[%sub3A_250, %dma_wait3A_279, %dma_wait3A_280] : memref<2x16x64xi32, #tpu.memory_space<vmem>> -> memref<1x16x64xi32, #tpu.memory_space<vmem>>
        %dma_wait3A_282 = tpu.memref_squeeze %dma_wait3A_281 : memref<1x16x64xi32, #tpu.memory_space<vmem>> -> memref<16x64xi32, #tpu.memory_space<vmem>>
        %dma_wait3A_283 = arith.constant 0 : i32
        %dma_wait3A_284 = arith.constant 0 : i32
        %dma_wait3A_285 = tpu.memref_slice %arg3[%add3A, %dma_wait3A_283, %dma_wait3A_284] : memref<32x160x64xi32, #tpu.memory_space<hbm>> -> memref<1x16x64xi32, #tpu.memory_space<hbm>>
        %dma_wait3A_286 = tpu.memref_squeeze %dma_wait3A_285 : memref<1x16x64xi32, #tpu.memory_space<hbm>> -> memref<16x64xi32, #tpu.memory_space<hbm>>
        tpu.wait_dma2 semaphore(%dma_wait3A_278 : memref<!tpu.dma_semaphore, #tpu.memory_space<semaphore_mem>>) src(%dma_wait3A_286 : memref<16x64xi32, #tpu.memory_space<hbm>>) dst(%dma_wait3A_282 : memref<16x64xi32, #tpu.memory_space<vmem>>)
      } else {
      }
      %add3A_239 = arith.constant 4 : i32
      %add3A_240 = arith.addi %scan3A_183, %add3A_239 : i32
      %sub3A_241 = arith.constant 1 : i32
      %sub3A_242 = arith.subi %add3A_240, %sub3A_241 : i32
      %lt3A_243 = arith.constant 160 : i32
      %lt3A_244 = arith.cmpi slt, %sub3A_242, %lt3A_243 : i32
      %convert_element_type3A_245 = arith.extui %lt3A_244 : i1 to i32
      %cond3A_246 = arith.constant 0 : i32
      %cond3A_247 = arith.cmpi ne, %convert_element_type3A_245, %cond3A_246 : i32
      scf.if %cond3A_247 {
        %add3A_249 = arith.constant 4 : i32
        %add3A_250 = arith.addi %scan3A_183, %add3A_249 : i32
        %sub3A_251 = arith.constant 1 : i32
        %sub3A_252 = arith.subi %add3A_250, %sub3A_251 : i32
        %jit3A_253 = arith.constant 16 : i32
        %div3A_254 = arith.divsi %sub3A_252, %jit3A_253 : i32
        %sign3A_255 = arith.constant 0 : i32
        %sign3A_256 = arith.cmpi sgt, %sub3A_252, %sign3A_255 : i32
        %sign3A_257 = arith.extui %sign3A_256 : i1 to i32
        %sign3A_258 = arith.constant 0 : i32
        %sign3A_259 = arith.cmpi slt, %sub3A_252, %sign3A_258 : i32
        %sign3A_260 = arith.extui %sign3A_259 : i1 to i32
        %sign3A_261 = arith.subi %sign3A_257, %sign3A_260 : i32
        %sign3A_262 = arith.constant 0 : i32
        %sign3A_263 = arith.cmpi sgt, %jit3A_253, %sign3A_262 : i32
        %sign3A_264 = arith.extui %sign3A_263 : i1 to i32
        %sign3A_265 = arith.constant 0 : i32
        %sign3A_266 = arith.cmpi slt, %jit3A_253, %sign3A_265 : i32
        %sign3A_267 = arith.extui %sign3A_266 : i1 to i32
        %sign3A_268 = arith.subi %sign3A_264, %sign3A_267 : i32
        %ne3A_269 = arith.cmpi ne, %sign3A_261, %sign3A_268 : i32
        %rem3A_270 = arith.remsi %sub3A_252, %jit3A_253 : i32
        %ne3A_271 = arith.constant 0 : i32
        %ne3A_272 = arith.cmpi ne, %rem3A_270, %ne3A_271 : i32
        %and3A_273 = arith.andi %ne3A_269, %ne3A_272 : i1
        %sub3A_274 = arith.constant 1 : i32
        %sub3A_275 = arith.subi %div3A_254, %sub3A_274 : i32
        %select_n3A_276 = arith.select %and3A_273, %sub3A_275, %div3A_254 : i32
        %rem3A_277 = arith.constant 2 : i32
        %rem3A_278 = arith.remsi %select_n3A_276, %rem3A_277 : i32
        %rem3A_279 = arith.constant 16 : i32
        %rem3A_280 = arith.remsi %sub3A_252, %rem3A_279 : i32
        %rem3A_281 = arith.constant 4 : i32
        %rem3A_282 = arith.remsi %sub3A_252, %rem3A_281 : i32
        %rem3A_283 = arith.constant 4 : i32
        %rem3A_284 = arith.remsi %sub3A_252, %rem3A_283 : i32
        %dma_start3A_285 = arith.constant 0 : i32
        %dma_start3A_286 = arith.constant 0 : i32
        %dma_start3A_287 = tpu.memref_slice %arg9[%rem3A_282, %dma_start3A_285, %dma_start3A_286] : memref<4x64x128xf32, #tpu.memory_space<vmem>> -> memref<1x64x128xf32, #tpu.memory_space<vmem>>
        %dma_start3A_288 = tpu.memref_squeeze %dma_start3A_287 : memref<1x64x128xf32, #tpu.memory_space<vmem>> -> memref<64x128xf32, #tpu.memory_space<vmem>>
        %dma_start3A_289 = arith.constant 0 : i32
        %dma_start3A_290 = tpu.memref_slice %arg7[%rem3A_278, %rem3A_280, %dma_start3A_289] : memref<2x16x64xi32, #tpu.memory_space<vmem>> -> memref<1x1x64xi32, #tpu.memory_space<vmem>>
        %dma_start3A_291 = tpu.memref_squeeze %dma_start3A_290 : memref<1x1x64xi32, #tpu.memory_space<vmem>> -> memref<64xi32, #tpu.memory_space<vmem>>
        %dma_start3A_292 = arith.constant 0 : i32
        %dma_start3A_293 = arith.constant 0 : i32
        %dma_start3A_294 = tpu.memref_slice %arg4[%dma_start3A_292, %dma_start3A_293] : memref<10000x128xf32, #tpu.memory_space<hbm>> -> memref<10000x128xf32, #tpu.memory_space<hbm>>
        %dma_start3A_295 = tpu.memref_slice %arg10[%rem3A_284] : memref<4x!tpu.dma_semaphore, #tpu.memory_space<semaphore_mem>> -> memref<1x!tpu.dma_semaphore, #tpu.memory_space<semaphore_mem>>
        %dma_start3A_296 = tpu.memref_squeeze %dma_start3A_295 : memref<1x!tpu.dma_semaphore, #tpu.memory_space<semaphore_mem>> -> memref<!tpu.dma_semaphore, #tpu.memory_space<semaphore_mem>>
        tpu.enqueue_indirect_dma source(%dma_start3A_294 : memref<10000x128xf32, #tpu.memory_space<hbm>>) target(%dma_start3A_288 : memref<64x128xf32, #tpu.memory_space<vmem>>) offsets(%dma_start3A_291 : memref<64xi32, #tpu.memory_space<vmem>>) semaphore(%dma_start3A_296 : memref<!tpu.dma_semaphore, #tpu.memory_space<semaphore_mem>>)
      } else {
      }
      "tpu.region"() ({
        %run_scoped3A = tpu.sem_alloc : memref<!tpu.dma_semaphore, #tpu.memory_space<semaphore_mem>>
        %dma_start3A_249 = arith.constant 0 : i32
        %dma_start3A_250 = arith.constant 0 : i32
        %dma_start3A_251 = tpu.memref_slice %arg9[%rem3A_207, %dma_start3A_249, %dma_start3A_250] : memref<4x64x128xf32, #tpu.memory_space<vmem>> -> memref<1x64x128xf32, #tpu.memory_space<vmem>>
        %dma_start3A_252 = tpu.memref_squeeze %dma_start3A_251 : memref<1x64x128xf32, #tpu.memory_space<vmem>> -> memref<64x128xf32, #tpu.memory_space<vmem>>
        %dma_start3A_253 = arith.constant 0 : i32
        %dma_start3A_254 = tpu.memref_slice %arg8[%rem3A_205, %rem3A_203, %dma_start3A_253] : memref<2x16x64xi32, #tpu.memory_space<vmem>> -> memref<1x1x64xi32, #tpu.memory_space<vmem>>
        %dma_start3A_255 = tpu.memref_squeeze %dma_start3A_254 : memref<1x1x64xi32, #tpu.memory_space<vmem>> -> memref<64xi32, #tpu.memory_space<vmem>>
        %dma_start3A_256 = arith.constant 0 : i32
        %dma_start3A_257 = arith.constant 0 : i32
        %dma_start3A_258 = tpu.memref_slice %arg6[%dma_start3A_256, %dma_start3A_257] : memref<10128x128xf32, #tpu.memory_space<vmem_shared>> -> memref<10128x128xf32, #tpu.memory_space<vmem_shared>>
        tpu.enqueue_indirect_dma source(%dma_start3A_252 : memref<64x128xf32, #tpu.memory_space<vmem>>) target(%dma_start3A_258 : memref<10128x128xf32, #tpu.memory_space<vmem_shared>>) offsets(%dma_start3A_255 : memref<64xi32, #tpu.memory_space<vmem>>) semaphore(%run_scoped3A : memref<!tpu.dma_semaphore, #tpu.memory_space<semaphore_mem>>) {add = true}
        %dma_wait3A_259 = arith.constant 0 : i32
        %dma_wait3A_260 = arith.constant 0 : i32
        %dma_wait3A_261 = tpu.memref_slice %arg9[%rem3A_207, %dma_wait3A_259, %dma_wait3A_260] : memref<4x64x128xf32, #tpu.memory_space<vmem>> -> memref<1x64x128xf32, #tpu.memory_space<vmem>>
        %dma_wait3A_262 = tpu.memref_squeeze %dma_wait3A_261 : memref<1x64x128xf32, #tpu.memory_space<vmem>> -> memref<64x128xf32, #tpu.memory_space<vmem>>
        %dma_wait3A_263 = arith.constant 0 : i32
        %dma_wait3A_264 = tpu.memref_slice %arg8[%rem3A_205, %rem3A_203, %dma_wait3A_263] : memref<2x16x64xi32, #tpu.memory_space<vmem>> -> memref<1x1x64xi32, #tpu.memory_space<vmem>>
        %dma_wait3A_265 = tpu.memref_squeeze %dma_wait3A_264 : memref<1x1x64xi32, #tpu.memory_space<vmem>> -> memref<64xi32, #tpu.memory_space<vmem>>
        %dma_wait3A_266 = arith.constant 0 : i32
        %dma_wait3A_267 = arith.constant 0 : i32
        %dma_wait3A_268 = tpu.memref_slice %arg6[%dma_wait3A_266, %dma_wait3A_267] : memref<10128x128xf32, #tpu.memory_space<vmem_shared>> -> memref<10128x128xf32, #tpu.memory_space<vmem_shared>>
        tpu.wait_indirect_dma semaphore(%run_scoped3A : memref<!tpu.dma_semaphore, #tpu.memory_space<semaphore_mem>>) src(%dma_wait3A_262 : memref<64x128xf32, #tpu.memory_space<vmem>>) dst(%dma_wait3A_268 : memref<10128x128xf32, #tpu.memory_space<vmem_shared>>)
        tpu.yield
      }) : () -> ()
      %scan3A_248 = arith.constant 0 : i32
      scf.yield %scan3A_248 : i32
    }
    %scan3A_172 = arith.constant 160 : i32
    %barrier3A_173 = arith.constant 0 : index
    tpu.barrier barrier_id(%barrier3A_173)
    %mul3A_174 = arith.constant 624 : i32
    %mul3A_175 = arith.muli %arg1, %mul3A_174 : i32
    %mul3A_176 = arith.constant 624 : i32
    %mul3A_177 = arith.muli %arg1, %mul3A_176 : i32
    "tpu.region"() ({
      %run_scoped3A = tpu.sem_alloc : memref<!tpu.dma_semaphore, #tpu.memory_space<semaphore_mem>>
      %dma_start3A_183 = arith.constant 0 : i32
      %dma_start3A_184 = tpu.memref_slice %arg5[%arg0, %mul3A_177, %dma_start3A_183] : memref<2x10000x128xf32, #tpu.memory_space<hbm>> -> memref<1x624x128xf32, #tpu.memory_space<hbm>>
      %dma_start3A_185 = tpu.memref_squeeze %dma_start3A_184 : memref<1x624x128xf32, #tpu.memory_space<hbm>> -> memref<624x128xf32, #tpu.memory_space<hbm>>
      %dma_start3A_186 = arith.constant 0 : i32
      %dma_start3A_187 = tpu.memref_slice %arg6[%mul3A_175, %dma_start3A_186] : memref<10128x128xf32, #tpu.memory_space<vmem_shared>> -> memref<624x128xf32, #tpu.memory_space<vmem_shared>>
      tpu.enqueue_dma source(%dma_start3A_187 : memref<624x128xf32, #tpu.memory_space<vmem_shared>>) target(%dma_start3A_185 : memref<624x128xf32, #tpu.memory_space<hbm>>) target_semaphore(%run_scoped3A : memref<!tpu.dma_semaphore, #tpu.memory_space<semaphore_mem>>)
      %dma_wait3A_188 = arith.constant 0 : i32
      %dma_wait3A_189 = tpu.memref_slice %arg5[%arg0, %mul3A_177, %dma_wait3A_188] : memref<2x10000x128xf32, #tpu.memory_space<hbm>> -> memref<1x624x128xf32, #tpu.memory_space<hbm>>
      %dma_wait3A_190 = tpu.memref_squeeze %dma_wait3A_189 : memref<1x624x128xf32, #tpu.memory_space<hbm>> -> memref<624x128xf32, #tpu.memory_space<hbm>>
      %dma_wait3A_191 = arith.constant 0 : i32
      %dma_wait3A_192 = tpu.memref_slice %arg6[%mul3A_175, %dma_wait3A_191] : memref<10128x128xf32, #tpu.memory_space<vmem_shared>> -> memref<624x128xf32, #tpu.memory_space<vmem_shared>>
      tpu.wait_dma2 semaphore(%run_scoped3A : memref<!tpu.dma_semaphore, #tpu.memory_space<semaphore_mem>>) src(%dma_wait3A_192 : memref<624x128xf32, #tpu.memory_space<vmem_shared>>) dst(%dma_wait3A_190 : memref<624x128xf32, #tpu.memory_space<hbm>>)
      tpu.yield
    }) : () -> ()
    %eq3A_178 = arith.constant 0 : i32
    %eq3A_179 = arith.cmpi eq, %arg1, %eq3A_178 : i32
    %convert_element_type3A_180 = arith.extui %eq3A_179 : i1 to i32
    %cond3A_181 = arith.constant 0 : i32
    %cond3A_182 = arith.cmpi ne, %convert_element_type3A_180, %cond3A_181 : i32
    scf.if %cond3A_182 {
      "tpu.region"() ({
        %run_scoped3A = tpu.sem_alloc : memref<!tpu.dma_semaphore, #tpu.memory_space<semaphore_mem>>
        %dma_start3A_183 = arith.constant 9984 : i32
        %dma_start3A_184 = arith.constant 0 : i32
        %dma_start3A_185 = tpu.memref_slice %arg5[%arg0, %dma_start3A_183, %dma_start3A_184] : memref<2x10000x128xf32, #tpu.memory_space<hbm>> -> memref<1x16x128xf32, #tpu.memory_space<hbm>>
        %dma_start3A_186 = tpu.memref_squeeze %dma_start3A_185 : memref<1x16x128xf32, #tpu.memory_space<hbm>> -> memref<16x128xf32, #tpu.memory_space<hbm>>
        %dma_start3A_187 = arith.constant 9984 : i32
        %dma_start3A_188 = arith.constant 0 : i32
        %dma_start3A_189 = tpu.memref_slice %arg6[%dma_start3A_187, %dma_start3A_188] : memref<10128x128xf32, #tpu.memory_space<vmem_shared>> -> memref<16x128xf32, #tpu.memory_space<vmem_shared>>
        tpu.enqueue_dma source(%dma_start3A_189 : memref<16x128xf32, #tpu.memory_space<vmem_shared>>) target(%dma_start3A_186 : memref<16x128xf32, #tpu.memory_space<hbm>>) target_semaphore(%run_scoped3A : memref<!tpu.dma_semaphore, #tpu.memory_space<semaphore_mem>>)
        %dma_wait3A_190 = arith.constant 9984 : i32
        %dma_wait3A_191 = arith.constant 0 : i32
        %dma_wait3A_192 = tpu.memref_slice %arg5[%arg0, %dma_wait3A_190, %dma_wait3A_191] : memref<2x10000x128xf32, #tpu.memory_space<hbm>> -> memref<1x16x128xf32, #tpu.memory_space<hbm>>
        %dma_wait3A_193 = tpu.memref_squeeze %dma_wait3A_192 : memref<1x16x128xf32, #tpu.memory_space<hbm>> -> memref<16x128xf32, #tpu.memory_space<hbm>>
        %dma_wait3A_194 = arith.constant 9984 : i32
        %dma_wait3A_195 = arith.constant 0 : i32
        %dma_wait3A_196 = tpu.memref_slice %arg6[%dma_wait3A_194, %dma_wait3A_195] : memref<10128x128xf32, #tpu.memory_space<vmem_shared>> -> memref<16x128xf32, #tpu.memory_space<vmem_shared>>
        tpu.wait_dma2 semaphore(%run_scoped3A : memref<!tpu.dma_semaphore, #tpu.memory_space<semaphore_mem>>) src(%dma_wait3A_196 : memref<16x128xf32, #tpu.memory_space<vmem_shared>>) dst(%dma_wait3A_193 : memref<16x128xf32, #tpu.memory_space<hbm>>)
        tpu.yield
      }) : () -> ()
    } else {
    }
    return
  }
}

#map = affine_map<(d0, d1) -> (0, 0, 0)>
#map1 = affine_map<(d0, d1) -> (0, 0)>
module attributes {stable_mosaic.version = 14 : i64} {
  func.func @k(%arg0: i32, %arg1: i32, %arg2: memref<32x160x64xi32, #tpu.memory_space<hbm>>, %arg3: memref<32x160x64xi32, #tpu.memory_space<hbm>>, %arg4: memref<10000x128xf32, #tpu.memory_space<hbm>>, %arg5: memref<2x10000x128xf32, #tpu.memory_space<hbm>>, %arg6: memref<10128x128xf32, #tpu.memory_space<vmem_shared>>, %arg7: memref<2x16x64xi32, #tpu.memory_space<vmem>>, %arg8: memref<2x16x64xi32, #tpu.memory_space<vmem>>, %arg9: memref<4x64x128xf32, #tpu.memory_space<vmem>>, %arg10: memref<4x!tpu.dma_semaphore, #tpu.memory_space<semaphore_mem>>, %arg11: memref<2x!tpu.dma_semaphore, #tpu.memory_space<semaphore_mem>>) attributes {dimension_semantics = [#tpu.dimension_semantics<core_parallel>, #tpu.dimension_semantics<subcore_parallel>], iteration_bounds = array<i64: 2, 16>, scalar_prefetch = 0 : i64, scratch_operands = 6 : i64, tpu.core_type = #tpu.core_type<sc_vector_subcore>, window_params = [{transform_indices = #map}, {transform_indices = #map}, {transform_indices = #map1}, {transform_indices = #map}]} {
    %mul3A = arith.constant 16 : i32
    %mul3A_0 = arith.muli %arg0, %mul3A : i32
    %add3A = arith.addi %mul3A_0, %arg1 : i32
    %dma_start3A = arith.constant 0 : i32
    %dma_start3A_1 = arith.constant 0 : i32
    %dma_start3A_2 = arith.constant 0 : i32
    %dma_start3A_3 = arith.constant 0 : i32
    %dma_start3A_4 = tpu.memref_slice %arg7[%dma_start3A, %dma_start3A_2, %dma_start3A_3] : memref<2x16x64xi32, #tpu.memory_space<vmem>> -> memref<1x16x64xi32, #tpu.memory_space<vmem>>
    %dma_start3A_5 = tpu.memref_squeeze %dma_start3A_4 : memref<1x16x64xi32, #tpu.memory_space<vmem>> -> memref<16x64xi32, #tpu.memory_space<vmem>>
    %dma_start3A_6 = arith.constant 0 : i32
    %dma_start3A_7 = arith.constant 0 : i32
    %dma_start3A_8 = tpu.memref_slice %arg2[%add3A, %dma_start3A_6, %dma_start3A_7] : memref<32x160x64xi32, #tpu.memory_space<hbm>> -> memref<1x16x64xi32, #tpu.memory_space<hbm>>
    %dma_start3A_9 = tpu.memref_squeeze %dma_start3A_8 : memref<1x16x64xi32, #tpu.memory_space<hbm>> -> memref<16x64xi32, #tpu.memory_space<hbm>>
    %dma_start3A_10 = tpu.memref_slice %arg11[%dma_start3A_1] : memref<2x!tpu.dma_semaphore, #tpu.memory_space<semaphore_mem>> -> memref<1x!tpu.dma_semaphore, #tpu.memory_space<semaphore_mem>>
    %dma_start3A_11 = tpu.memref_squeeze %dma_start3A_10 : memref<1x!tpu.dma_semaphore, #tpu.memory_space<semaphore_mem>> -> memref<!tpu.dma_semaphore, #tpu.memory_space<semaphore_mem>>
    %dma_start3A_12 = arith.constant 0 : i32
    %dma_start3A_13 = arith.constant 0 : i32
    %dma_start3A_14 = tpu.memref_slice %arg7[%dma_start3A, %dma_start3A_12, %dma_start3A_13] : memref<2x16x64xi32, #tpu.memory_space<vmem>> -> memref<1x16x64xi32, #tpu.memory_space<vmem>>
    %dma_start3A_15 = tpu.memref_squeeze %dma_start3A_14 : memref<1x16x64xi32, #tpu.memory_space<vmem>> -> memref<16x64xi32, #tpu.memory_space<vmem>>
    %dma_start3A_16 = arith.constant 0 : i32
    %dma_start3A_17 = arith.constant 0 : i32
    %dma_start3A_18 = tpu.memref_slice %arg2[%add3A, %dma_start3A_16, %dma_start3A_17] : memref<32x160x64xi32, #tpu.memory_space<hbm>> -> memref<1x16x64xi32, #tpu.memory_space<hbm>>
    %dma_start3A_19 = tpu.memref_squeeze %dma_start3A_18 : memref<1x16x64xi32, #tpu.memory_space<hbm>> -> memref<16x64xi32, #tpu.memory_space<hbm>>
    tpu.enqueue_dma source(%dma_start3A_19 : memref<16x64xi32, #tpu.memory_space<hbm>>) target(%dma_start3A_15 : memref<16x64xi32, #tpu.memory_space<vmem>>) target_semaphore(%dma_start3A_11 : memref<!tpu.dma_semaphore, #tpu.memory_space<semaphore_mem>>)
    %dma_start3A_20 = arith.constant 0 : i32
    %dma_start3A_21 = arith.constant 0 : i32
    %dma_start3A_22 = arith.constant 0 : i32
    %dma_start3A_23 = arith.constant 0 : i32
    %dma_start3A_24 = tpu.memref_slice %arg8[%dma_start3A_20, %dma_start3A_22, %dma_start3A_23] : memref<2x16x64xi32, #tpu.memory_space<vmem>> -> memref<1x16x64xi32, #tpu.memory_space<vmem>>
    %dma_start3A_25 = tpu.memref_squeeze %dma_start3A_24 : memref<1x16x64xi32, #tpu.memory_space<vmem>> -> memref<16x64xi32, #tpu.memory_space<vmem>>
    %dma_start3A_26 = arith.constant 0 : i32
    %dma_start3A_27 = arith.constant 0 : i32
    %dma_start3A_28 = tpu.memref_slice %arg3[%add3A, %dma_start3A_26, %dma_start3A_27] : memref<32x160x64xi32, #tpu.memory_space<hbm>> -> memref<1x16x64xi32, #tpu.memory_space<hbm>>
    %dma_start3A_29 = tpu.memref_squeeze %dma_start3A_28 : memref<1x16x64xi32, #tpu.memory_space<hbm>> -> memref<16x64xi32, #tpu.memory_space<hbm>>
    %dma_start3A_30 = tpu.memref_slice %arg11[%dma_start3A_21] : memref<2x!tpu.dma_semaphore, #tpu.memory_space<semaphore_mem>> -> memref<1x!tpu.dma_semaphore, #tpu.memory_space<semaphore_mem>>
    %dma_start3A_31 = tpu.memref_squeeze %dma_start3A_30 : memref<1x!tpu.dma_semaphore, #tpu.memory_space<semaphore_mem>> -> memref<!tpu.dma_semaphore, #tpu.memory_space<semaphore_mem>>
    %dma_start3A_32 = arith.constant 0 : i32
    %dma_start3A_33 = arith.constant 0 : i32
    %dma_start3A_34 = tpu.memref_slice %arg8[%dma_start3A_20, %dma_start3A_32, %dma_start3A_33] : memref<2x16x64xi32, #tpu.memory_space<vmem>> -> memref<1x16x64xi32, #tpu.memory_space<vmem>>
    %dma_start3A_35 = tpu.memref_squeeze %dma_start3A_34 : memref<1x16x64xi32, #tpu.memory_space<vmem>> -> memref<16x64xi32, #tpu.memory_space<vmem>>
    %dma_start3A_36 = arith.constant 0 : i32
    %dma_start3A_37 = arith.constant 0 : i32
    %dma_start3A_38 = tpu.memref_slice %arg3[%add3A, %dma_start3A_36, %dma_start3A_37] : memref<32x160x64xi32, #tpu.memory_space<hbm>> -> memref<1x16x64xi32, #tpu.memory_space<hbm>>
    %dma_start3A_39 = tpu.memref_squeeze %dma_start3A_38 : memref<1x16x64xi32, #tpu.memory_space<hbm>> -> memref<16x64xi32, #tpu.memory_space<hbm>>
    tpu.enqueue_dma source(%dma_start3A_39 : memref<16x64xi32, #tpu.memory_space<hbm>>) target(%dma_start3A_35 : memref<16x64xi32, #tpu.memory_space<vmem>>) target_semaphore(%dma_start3A_31 : memref<!tpu.dma_semaphore, #tpu.memory_space<semaphore_mem>>)
    %scan3A = arith.constant 0 : i32
    %scan3A_40 = arith.constant 0 : i32
    %scan3A_41 = arith.constant 0 : i32
    %scan3A_42 = arith.constant 16 : i32
    %scan3A_43 = arith.addi %scan3A_41, %scan3A_42 : i32
    %scan3A_44 = arith.constant 1 : i32
    %scan3A_45 = scf.for %scan3A_183 = %scan3A_41 to %scan3A_43 step %scan3A_44 iter_args(%scan3A_184 = %scan3A_40) -> (i32)  : i32 {
      %scan3A_185 = arith.constant 0 : i32
      %scan3A_186 = arith.constant 0 : i32
      %scan3A_187 = arith.constant 8 : i32
      %scan3A_188 = arith.addi %scan3A_186, %scan3A_187 : i32
      %scan3A_189 = arith.constant 1 : i32
      %scan3A_190 = scf.for %scan3A_193 = %scan3A_186 to %scan3A_188 step %scan3A_189 iter_args(%scan3A_194 = %scan3A_185) -> (i32)  : i32 {
        %broadcast_in_dim3A = arith.constant 0.000000e+00 : f32
        %broadcast_in_dim3A_195 = vector.broadcast %broadcast_in_dim3A : f32 to vector<16xf32>
        %mul3A_196 = arith.constant 16 : i32
        %mul3A_197 = arith.muli %scan3A_193, %mul3A_196 : i32
        %swap3A = arith.constant 0 : i32
        %swap3A_198 = arith.constant 0 : i32
        %swap3A_199 = tpu.memref_slice %arg9[%scan3A, %swap3A, %swap3A_198] : memref<4x64x128xf32, #tpu.memory_space<vmem>> -> memref<1x64x128xf32, #tpu.memory_space<vmem>>
        %swap3A_200 = tpu.memref_squeeze %swap3A_199 : memref<1x64x128xf32, #tpu.memory_space<vmem>> -> memref<64x128xf32, #tpu.memory_space<vmem>>
        %swap3A_201 = arith.index_cast %scan3A_183 : i32 to index
        %swap3A_202 = arith.index_cast %mul3A_197 : i32 to index
        %swap3A_203 = tpu.vector_load %swap3A_200[%swap3A_201, %swap3A_202] {strides = array<i32>} : memref<64x128xf32, #tpu.memory_space<vmem>>, vector<1x16xf32>,
        %swap3A_204 = vector.shape_cast %swap3A_203 : vector<1x16xf32> to vector<16xf32>
        %swap3A_205 = vector.shape_cast %broadcast_in_dim3A_195 : vector<16xf32> to vector<1x16xf32>
        tpu.vector_store %swap3A_200[%swap3A_201, %swap3A_202], %swap3A_205 {strides = array<i32>} : memref<64x128xf32, #tpu.memory_space<vmem>>, vector<1x16xf32>,
        %scan3A_206 = arith.constant 0 : i32
        scf.yield %scan3A_206 : i32
      }
      %scan3A_191 = arith.constant 8 : i32
      %scan3A_192 = arith.constant 0 : i32
      scf.yield %scan3A_192 : i32
    }
    %scan3A_46 = arith.constant 16 : i32
    %scan3A_47 = arith.constant 0 : i32
    %scan3A_48 = arith.constant 0 : i32
    %scan3A_49 = arith.constant 39 : i32
    %scan3A_50 = arith.addi %scan3A_48, %scan3A_49 : i32
    %scan3A_51 = arith.constant 1 : i32
    %scan3A_52 = scf.for %scan3A_183 = %scan3A_48 to %scan3A_50 step %scan3A_51 iter_args(%scan3A_184 = %scan3A_47) -> (i32)  : i32 {
      %mul3A_185 = arith.constant 624 : i32
      %mul3A_186 = arith.muli %arg1, %mul3A_185 : i32
      %mul3A_187 = arith.constant 16 : i32
      %mul3A_188 = arith.muli %scan3A_183, %mul3A_187 : i32
      %add3A_189 = arith.addi %mul3A_186, %mul3A_188 : i32
      %run_scoped3A = arith.constant 0 : i32
      "tpu.region"() ({
        %run_scoped3A_191 = tpu.sem_alloc : memref<!tpu.dma_semaphore, #tpu.memory_space<semaphore_mem>>
        %dma_start3A_192 = arith.constant 0 : i32
        %dma_start3A_193 = arith.constant 0 : i32
        %dma_start3A_194 = tpu.memref_slice %arg9[%run_scoped3A, %dma_start3A_192, %dma_start3A_193] : memref<4x64x128xf32, #tpu.memory_space<vmem>> -> memref<1x16x128xf32, #tpu.memory_space<vmem>>
        %dma_start3A_195 = tpu.memref_squeeze %dma_start3A_194 : memref<1x16x128xf32, #tpu.memory_space<vmem>> -> memref<16x128xf32, #tpu.memory_space<vmem>>
        %dma_start3A_196 = arith.constant 0 : i32
        %dma_start3A_197 = tpu.memref_slice %arg6[%add3A_189, %dma_start3A_196] : memref<10128x128xf32, #tpu.memory_space<vmem_shared>> -> memref<16x128xf32, #tpu.memory_space<vmem_shared>>
        %dma_start3A_198 = arith.constant 0 : i32
        %dma_start3A_199 = tpu.memref_slice %arg6[%add3A_189, %dma_start3A_198] : memref<10128x128xf32, #tpu.memory_space<vmem_shared>> -> memref<16x128xf32, #tpu.memory_space<vmem_shared>>
        %dma_start3A_200 = arith.constant 0 : i32
        %dma_start3A_201 = arith.constant 0 : i32
        %dma_start3A_202 = tpu.memref_slice %arg9[%run_scoped3A, %dma_start3A_200, %dma_start3A_201] : memref<4x64x128xf32, #tpu.memory_space<vmem>> -> memref<1x16x128xf32, #tpu.memory_space<vmem>>
        %dma_start3A_203 = tpu.memref_squeeze %dma_start3A_202 : memref<1x16x128xf32, #tpu.memory_space<vmem>> -> memref<16x128xf32, #tpu.memory_space<vmem>>
        tpu.enqueue_dma source(%dma_start3A_203 : memref<16x128xf32, #tpu.memory_space<vmem>>) target(%dma_start3A_199 : memref<16x128xf32, #tpu.memory_space<vmem_shared>>) target_semaphore(%run_scoped3A_191 : memref<!tpu.dma_semaphore, #tpu.memory_space<semaphore_mem>>)
        %dma_wait3A_204 = arith.constant 0 : i32
        %dma_wait3A_205 = arith.constant 0 : i32
        %dma_wait3A_206 = tpu.memref_slice %arg9[%run_scoped3A, %dma_wait3A_204, %dma_wait3A_205] : memref<4x64x128xf32, #tpu.memory_space<vmem>> -> memref<1x16x128xf32, #tpu.memory_space<vmem>>
        %dma_wait3A_207 = tpu.memref_squeeze %dma_wait3A_206 : memref<1x16x128xf32, #tpu.memory_space<vmem>> -> memref<16x128xf32, #tpu.memory_space<vmem>>
        %dma_wait3A_208 = arith.constant 0 : i32
        %dma_wait3A_209 = tpu.memref_slice %arg6[%add3A_189, %dma_wait3A_208] : memref<10128x128xf32, #tpu.memory_space<vmem_shared>> -> memref<16x128xf32, #tpu.memory_space<vmem_shared>>
        %dma_wait3A_210 = arith.constant 0 : i32
        %dma_wait3A_211 = tpu.memref_slice %arg6[%add3A_189, %dma_wait3A_210] : memref<10128x128xf32, #tpu.memory_space<vmem_shared>> -> memref<16x128xf32, #tpu.memory_space<vmem_shared>>
        %dma_wait3A_212 = arith.constant 0 : i32
        %dma_wait3A_213 = arith.constant 0 : i32
        %dma_wait3A_214 = tpu.memref_slice %arg9[%run_scoped3A, %dma_wait3A_212, %dma_wait3A_213] : memref<4x64x128xf32, #tpu.memory_space<vmem>> -> memref<1x16x128xf32, #tpu.memory_space<vmem>>
        %dma_wait3A_215 = tpu.memref_squeeze %dma_wait3A_214 : memref<1x16x128xf32, #tpu.memory_space<vmem>> -> memref<16x128xf32, #tpu.memory_space<vmem>>
        tpu.wait_dma2 semaphore(%run_scoped3A_191 : memref<!tpu.dma_semaphore, #tpu.memory_space<semaphore_mem>>) src(%dma_wait3A_215 : memref<16x128xf32, #tpu.memory_space<vmem>>) dst(%dma_wait3A_211 : memref<16x128xf32, #tpu.memory_space<vmem_shared>>)
        tpu.yield
      }) : () -> ()
      %scan3A_190 = arith.constant 0 : i32
      scf.yield %scan3A_190 : i32
    }
    %scan3A_53 = arith.constant 39 : i32
    %eq3A = arith.constant 0 : i32
    %eq3A_54 = arith.cmpi eq, %arg1, %eq3A : i32
    %convert_element_type3A = arith.extui %eq3A_54 : i1 to i32
    %cond3A = arith.constant 0 : i32
    %cond3A_55 = arith.cmpi ne, %convert_element_type3A, %cond3A : i32
    scf.if %cond3A_55 {
      %run_scoped3A = arith.constant 0 : i32
      "tpu.region"() ({
        %run_scoped3A_183 = tpu.sem_alloc : memref<!tpu.dma_semaphore, #tpu.memory_space<semaphore_mem>>
        %dma_start3A_184 = arith.constant 0 : i32
        %dma_start3A_185 = arith.constant 0 : i32
        %dma_start3A_186 = tpu.memref_slice %arg9[%run_scoped3A, %dma_start3A_184, %dma_start3A_185] : memref<4x64x128xf32, #tpu.memory_space<vmem>> -> memref<1x16x128xf32, #tpu.memory_space<vmem>>
        %dma_start3A_187 = tpu.memref_squeeze %dma_start3A_186 : memref<1x16x128xf32, #tpu.memory_space<vmem>> -> memref<16x128xf32, #tpu.memory_space<vmem>>
        %dma_start3A_188 = arith.constant 9984 : i32
        %dma_start3A_189 = arith.constant 0 : i32
        %dma_start3A_190 = tpu.memref_slice %arg6[%dma_start3A_188, %dma_start3A_189] : memref<10128x128xf32, #tpu.memory_space<vmem_shared>> -> memref<16x128xf32, #tpu.memory_space<vmem_shared>>
        %dma_start3A_191 = arith.constant 9984 : i32
        %dma_start3A_192 = arith.constant 0 : i32
        %dma_start3A_193 = tpu.memref_slice %arg6[%dma_start3A_191, %dma_start3A_192] : memref<10128x128xf32, #tpu.memory_space<vmem_shared>> -> memref<16x128xf32, #tpu.memory_space<vmem_shared>>
        %dma_start3A_194 = arith.constant 0 : i32
        %dma_start3A_195 = arith.constant 0 : i32
        %dma_start3A_196 = tpu.memref_slice %arg9[%run_scoped3A, %dma_start3A_194, %dma_start3A_195] : memref<4x64x128xf32, #tpu.memory_space<vmem>> -> memref<1x16x128xf32, #tpu.memory_space<vmem>>
        %dma_start3A_197 = tpu.memref_squeeze %dma_start3A_196 : memref<1x16x128xf32, #tpu.memory_space<vmem>> -> memref<16x128xf32, #tpu.memory_space<vmem>>
        tpu.enqueue_dma source(%dma_start3A_197 : memref<16x128xf32, #tpu.memory_space<vmem>>) target(%dma_start3A_193 : memref<16x128xf32, #tpu.memory_space<vmem_shared>>) target_semaphore(%run_scoped3A_183 : memref<!tpu.dma_semaphore, #tpu.memory_space<semaphore_mem>>)
        %dma_wait3A_198 = arith.constant 0 : i32
        %dma_wait3A_199 = arith.constant 0 : i32
        %dma_wait3A_200 = tpu.memref_slice %arg9[%run_scoped3A, %dma_wait3A_198, %dma_wait3A_199] : memref<4x64x128xf32, #tpu.memory_space<vmem>> -> memref<1x16x128xf32, #tpu.memory_space<vmem>>
        %dma_wait3A_201 = tpu.memref_squeeze %dma_wait3A_200 : memref<1x16x128xf32, #tpu.memory_space<vmem>> -> memref<16x128xf32, #tpu.memory_space<vmem>>
        %dma_wait3A_202 = arith.constant 9984 : i32
        %dma_wait3A_203 = arith.constant 0 : i32
        %dma_wait3A_204 = tpu.memref_slice %arg6[%dma_wait3A_202, %dma_wait3A_203] : memref<10128x128xf32, #tpu.memory_space<vmem_shared>> -> memref<16x128xf32, #tpu.memory_space<vmem_shared>>
        %dma_wait3A_205 = arith.constant 9984 : i32
        %dma_wait3A_206 = arith.constant 0 : i32
        %dma_wait3A_207 = tpu.memref_slice %arg6[%dma_wait3A_205, %dma_wait3A_206] : memref<10128x128xf32, #tpu.memory_space<vmem_shared>> -> memref<16x128xf32, #tpu.memory_space<vmem_shared>>
        %dma_wait3A_208 = arith.constant 0 : i32
        %dma_wait3A_209 = arith.constant 0 : i32
        %dma_wait3A_210 = tpu.memref_slice %arg9[%run_scoped3A, %dma_wait3A_208, %dma_wait3A_209] : memref<4x64x128xf32, #tpu.memory_space<vmem>> -> memref<1x16x128xf32, #tpu.memory_space<vmem>>
        %dma_wait3A_211 = tpu.memref_squeeze %dma_wait3A_210 : memref<1x16x128xf32, #tpu.memory_space<vmem>> -> memref<16x128xf32, #tpu.memory_space<vmem>>
        tpu.wait_dma2 semaphore(%run_scoped3A_183 : memref<!tpu.dma_semaphore, #tpu.memory_space<semaphore_mem>>) src(%dma_wait3A_211 : memref<16x128xf32, #tpu.memory_space<vmem>>) dst(%dma_wait3A_207 : memref<16x128xf32, #tpu.memory_space<vmem_shared>>)
        tpu.yield
      }) : () -> ()
    } else {
    }
    %dma_wait3A = arith.constant 0 : i32
    %dma_wait3A_56 = arith.constant 0 : i32
    %dma_wait3A_57 = arith.constant 0 : i32
    %dma_wait3A_58 = arith.constant 0 : i32
    %dma_wait3A_59 = tpu.memref_slice %arg7[%dma_wait3A, %dma_wait3A_57, %dma_wait3A_58] : memref<2x16x64xi32, #tpu.memory_space<vmem>> -> memref<1x16x64xi32, #tpu.memory_space<vmem>>
    %dma_wait3A_60 = tpu.memref_squeeze %dma_wait3A_59 : memref<1x16x64xi32, #tpu.memory_space<vmem>> -> memref<16x64xi32, #tpu.memory_space<vmem>>
    %dma_wait3A_61 = arith.constant 0 : i32
    %dma_wait3A_62 = arith.constant 0 : i32
    %dma_wait3A_63 = tpu.memref_slice %arg2[%add3A, %dma_wait3A_61, %dma_wait3A_62] : memref<32x160x64xi32, #tpu.memory_space<hbm>> -> memref<1x16x64xi32, #tpu.memory_space<hbm>>
    %dma_wait3A_64 = tpu.memref_squeeze %dma_wait3A_63 : memref<1x16x64xi32, #tpu.memory_space<hbm>> -> memref<16x64xi32, #tpu.memory_space<hbm>>
    %dma_wait3A_65 = tpu.memref_slice %arg11[%dma_wait3A_56] : memref<2x!tpu.dma_semaphore, #tpu.memory_space<semaphore_mem>> -> memref<1x!tpu.dma_semaphore, #tpu.memory_space<semaphore_mem>>
    %dma_wait3A_66 = tpu.memref_squeeze %dma_wait3A_65 : memref<1x!tpu.dma_semaphore, #tpu.memory_space<semaphore_mem>> -> memref<!tpu.dma_semaphore, #tpu.memory_space<semaphore_mem>>
    %dma_wait3A_67 = arith.constant 0 : i32
    %dma_wait3A_68 = arith.constant 0 : i32
    %dma_wait3A_69 = tpu.memref_slice %arg7[%dma_wait3A, %dma_wait3A_67, %dma_wait3A_68] : memref<2x16x64xi32, #tpu.memory_space<vmem>> -> memref<1x16x64xi32, #tpu.memory_space<vmem>>
    %dma_wait3A_70 = tpu.memref_squeeze %dma_wait3A_69 : memref<1x16x64xi32, #tpu.memory_space<vmem>> -> memref<16x64xi32, #tpu.memory_space<vmem>>
    %dma_wait3A_71 = arith.constant 0 : i32
    %dma_wait3A_72 = arith.constant 0 : i32
    %dma_wait3A_73 = tpu.memref_slice %arg2[%add3A, %dma_wait3A_71, %dma_wait3A_72] : memref<32x160x64xi32, #tpu.memory_space<hbm>> -> memref<1x16x64xi32, #tpu.memory_space<hbm>>
    %dma_wait3A_74 = tpu.memref_squeeze %dma_wait3A_73 : memref<1x16x64xi32, #tpu.memory_space<hbm>> -> memref<16x64xi32, #tpu.memory_space<hbm>>
    tpu.wait_dma2 semaphore(%dma_wait3A_66 : memref<!tpu.dma_semaphore, #tpu.memory_space<semaphore_mem>>) src(%dma_wait3A_74 : memref<16x64xi32, #tpu.memory_space<hbm>>) dst(%dma_wait3A_70 : memref<16x64xi32, #tpu.memory_space<vmem>>)
    %dma_wait3A_75 = arith.constant 0 : i32
    %dma_wait3A_76 = arith.constant 0 : i32
    %dma_wait3A_77 = arith.constant 0 : i32
    %dma_wait3A_78 = arith.constant 0 : i32
    %dma_wait3A_79 = tpu.memref_slice %arg8[%dma_wait3A_75, %dma_wait3A_77, %dma_wait3A_78] : memref<2x16x64xi32, #tpu.memory_space<vmem>> -> memref<1x16x64xi32, #tpu.memory_space<vmem>>
    %dma_wait3A_80 = tpu.memref_squeeze %dma_wait3A_79 : memref<1x16x64xi32, #tpu.memory_space<vmem>> -> memref<16x64xi32, #tpu.memory_space<vmem>>
    %dma_wait3A_81 = arith.constant 0 : i32
    %dma_wait3A_82 = arith.constant 0 : i32
    %dma_wait3A_83 = tpu.memref_slice %arg3[%add3A, %dma_wait3A_81, %dma_wait3A_82] : memref<32x160x64xi32, #tpu.memory_space<hbm>> -> memref<1x16x64xi32, #tpu.memory_space<hbm>>
    %dma_wait3A_84 = tpu.memref_squeeze %dma_wait3A_83 : memref<1x16x64xi32, #tpu.memory_space<hbm>> -> memref<16x64xi32, #tpu.memory_space<hbm>>
    %dma_wait3A_85 = tpu.memref_slice %arg11[%dma_wait3A_76] : memref<2x!tpu.dma_semaphore, #tpu.memory_space<semaphore_mem>> -> memref<1x!tpu.dma_semaphore, #tpu.memory_space<semaphore_mem>>
    %dma_wait3A_86 = tpu.memref_squeeze %dma_wait3A_85 : memref<1x!tpu.dma_semaphore, #tpu.memory_space<semaphore_mem>> -> memref<!tpu.dma_semaphore, #tpu.memory_space<semaphore_mem>>
    %dma_wait3A_87 = arith.constant 0 : i32
    %dma_wait3A_88 = arith.constant 0 : i32
    %dma_wait3A_89 = tpu.memref_slice %arg8[%dma_wait3A_75, %dma_wait3A_87, %dma_wait3A_88] : memref<2x16x64xi32, #tpu.memory_space<vmem>> -> memref<1x16x64xi32, #tpu.memory_space<vmem>>
    %dma_wait3A_90 = tpu.memref_squeeze %dma_wait3A_89 : memref<1x16x64xi32, #tpu.memory_space<vmem>> -> memref<16x64xi32, #tpu.memory_space<vmem>>
    %dma_wait3A_91 = arith.constant 0 : i32
    %dma_wait3A_92 = arith.constant 0 : i32
    %dma_wait3A_93 = tpu.memref_slice %arg3[%add3A, %dma_wait3A_91, %dma_wait3A_92] : memref<32x160x64xi32, #tpu.memory_space<hbm>> -> memref<1x16x64xi32, #tpu.memory_space<hbm>>
    %dma_wait3A_94 = tpu.memref_squeeze %dma_wait3A_93 : memref<1x16x64xi32, #tpu.memory_space<hbm>> -> memref<16x64xi32, #tpu.memory_space<hbm>>
    tpu.wait_dma2 semaphore(%dma_wait3A_86 : memref<!tpu.dma_semaphore, #tpu.memory_space<semaphore_mem>>) src(%dma_wait3A_94 : memref<16x64xi32, #tpu.memory_space<hbm>>) dst(%dma_wait3A_90 : memref<16x64xi32, #tpu.memory_space<vmem>>)
    %barrier3A = arith.constant 0 : index
    tpu.barrier barrier_id(%barrier3A)
    %rem3A = arith.constant 0 : i32
    %rem3A_95 = arith.constant 2 : i32
    %rem3A_96 = arith.remsi %rem3A, %rem3A_95 : i32
    %rem3A_97 = arith.constant 0 : i32
    %rem3A_98 = arith.constant 16 : i32
    %rem3A_99 = arith.remsi %rem3A_97, %rem3A_98 : i32
    %rem3A_100 = arith.constant 0 : i32
    %rem3A_101 = arith.constant 4 : i32
    %rem3A_102 = arith.remsi %rem3A_100, %rem3A_101 : i32
    %rem3A_103 = arith.constant 0 : i32
    %rem3A_104 = arith.constant 4 : i32
    %rem3A_105 = arith.remsi %rem3A_103, %rem3A_104 : i32
    %dma_start3A_106 = arith.constant 0 : i32
    %dma_start3A_107 = arith.constant 0 : i32
    %dma_start3A_108 = tpu.memref_slice %arg9[%rem3A_102, %dma_start3A_106, %dma_start3A_107] : memref<4x64x128xf32, #tpu.memory_space<vmem>> -> memref<1x64x128xf32, #tpu.memory_space<vmem>>
    %dma_start3A_109 = tpu.memref_squeeze %dma_start3A_108 : memref<1x64x128xf32, #tpu.memory_space<vmem>> -> memref<64x128xf32, #tpu.memory_space<vmem>>
    %dma_start3A_110 = arith.constant 0 : i32
    %dma_start3A_111 = tpu.memref_slice %arg7[%rem3A_96, %rem3A_99, %dma_start3A_110] : memref<2x16x64xi32, #tpu.memory_space<vmem>> -> memref<1x1x64xi32, #tpu.memory_space<vmem>>
    %dma_start3A_112 = tpu.memref_squeeze %dma_start3A_111 : memref<1x1x64xi32, #tpu.memory_space<vmem>> -> memref<64xi32, #tpu.memory_space<vmem>>
    %dma_start3A_113 = arith.constant 0 : i32
    %dma_start3A_114 = arith.constant 0 : i32
    %dma_start3A_115 = tpu.memref_slice %arg4[%dma_start3A_113, %dma_start3A_114] : memref<10000x128xf32, #tpu.memory_space<hbm>> -> memref<10000x128xf32, #tpu.memory_space<hbm>>
    %dma_start3A_116 = tpu.memref_slice %arg10[%rem3A_105] : memref<4x!tpu.dma_semaphore, #tpu.memory_space<semaphore_mem>> -> memref<1x!tpu.dma_semaphore, #tpu.memory_space<semaphore_mem>>
    %dma_start3A_117 = tpu.memref_squeeze %dma_start3A_116 : memref<1x!tpu.dma_semaphore, #tpu.memory_space<semaphore_mem>> -> memref<!tpu.dma_semaphore, #tpu.memory_space<semaphore_mem>>
    tpu.enqueue_indirect_dma source(%dma_start3A_115 : memref<10000x128xf32, #tpu.memory_space<hbm>>) target(%dma_start3A_109 : memref<64x128xf32, #tpu.memory_space<vmem>>) offsets(%dma_start3A_112 : memref<64xi32, #tpu.memory_space<vmem>>) semaphore(%dma_start3A_117 : memref<!tpu.dma_semaphore, #tpu.memory_space<semaphore_mem>>)
    %rem3A_118 = arith.constant 0 : i32
    %rem3A_119 = arith.constant 2 : i32
    %rem3A_120 = arith.remsi %rem3A_118, %rem3A_119 : i32
    %rem3A_121 = arith.constant 1 : i32
    %rem3A_122 = arith.constant 16 : i32
    %rem3A_123 = arith.remsi %rem3A_121, %rem3A_122 : i32
    %rem3A_124 = arith.constant 1 : i32
    %rem3A_125 = arith.constant 4 : i32
    %rem3A_126 = arith.remsi %rem3A_124, %rem3A_125 : i32
    %rem3A_127 = arith.constant 1 : i32
    %rem3A_128 = arith.constant 4 : i32
    %rem3A_129 = arith.remsi %rem3A_127, %rem3A_128 : i32
    %dma_start3A_130 = arith.constant 0 : i32
    %dma_start3A_131 = arith.constant 0 : i32
    %dma_start3A_132 = tpu.memref_slice %arg9[%rem3A_126, %dma_start3A_130, %dma_start3A_131] : memref<4x64x128xf32, #tpu.memory_space<vmem>> -> memref<1x64x128xf32, #tpu.memory_space<vmem>>
    %dma_start3A_133 = tpu.memref_squeeze %dma_start3A_132 : memref<1x64x128xf32, #tpu.memory_space<vmem>> -> memref<64x128xf32, #tpu.memory_space<vmem>>
    %dma_start3A_134 = arith.constant 0 : i32
    %dma_start3A_135 = tpu.memref_slice %arg7[%rem3A_120, %rem3A_123, %dma_start3A_134] : memref<2x16x64xi32, #tpu.memory_space<vmem>> -> memref<1x1x64xi32, #tpu.memory_space<vmem>>
    %dma_start3A_136 = tpu.memref_squeeze %dma_start3A_135 : memref<1x1x64xi32, #tpu.memory_space<vmem>> -> memref<64xi32, #tpu.memory_space<vmem>>
    %dma_start3A_137 = arith.constant 0 : i32
    %dma_start3A_138 = arith.constant 0 : i32
    %dma_start3A_139 = tpu.memref_slice %arg4[%dma_start3A_137, %dma_start3A_138] : memref<10000x128xf32, #tpu.memory_space<hbm>> -> memref<10000x128xf32, #tpu.memory_space<hbm>>
    %dma_start3A_140 = tpu.memref_slice %arg10[%rem3A_129] : memref<4x!tpu.dma_semaphore, #tpu.memory_space<semaphore_mem>> -> memref<1x!tpu.dma_semaphore, #tpu.memory_space<semaphore_mem>>
    %dma_start3A_141 = tpu.memref_squeeze %dma_start3A_140 : memref<1x!tpu.dma_semaphore, #tpu.memory_space<semaphore_mem>> -> memref<!tpu.dma_semaphore, #tpu.memory_space<semaphore_mem>>
    tpu.enqueue_indirect_dma source(%dma_start3A_139 : memref<10000x128xf32, #tpu.memory_space<hbm>>) target(%dma_start3A_133 : memref<64x128xf32, #tpu.memory_space<vmem>>) offsets(%dma_start3A_136 : memref<64xi32, #tpu.memory_space<vmem>>) semaphore(%dma_start3A_141 : memref<!tpu.dma_semaphore, #tpu.memory_space<semaphore_mem>>)
    %rem3A_142 = arith.constant 0 : i32
    %rem3A_143 = arith.constant 2 : i32
    %rem3A_144 = arith.remsi %rem3A_142, %rem3A_143 : i32
    %rem3A_145 = arith.constant 2 : i32
    %rem3A_146 = arith.constant 16 : i32
    %rem3A_147 = arith.remsi %rem3A_145, %rem3A_146 : i32
    %rem3A_148 = arith.constant 2 : i32
    %rem3A_149 = arith.constant 4 : i32
    %rem3A_150 = arith.remsi %rem3A_148, %rem3A_149 : i32
    %rem3A_151 = arith.constant 2 : i32
    %rem3A_152 = arith.constant 4 : i32
    %rem3A_153 = arith.remsi %rem3A_151, %rem3A_152 : i32
    %dma_start3A_154 = arith.constant 0 : i32
    %dma_start3A_155 = arith.constant 0 : i32
    %dma_start3A_156 = tpu.memref_slice %arg9[%rem3A_150, %dma_start3A_154, %dma_start3A_155] : memref<4x64x128xf32, #tpu.memory_space<vmem>> -> memref<1x64x128xf32, #tpu.memory_space<vmem>>
    %dma_start3A_157 = tpu.memref_squeeze %dma_start3A_156 : memref<1x64x128xf32, #tpu.memory_space<vmem>> -> memref<64x128xf32, #tpu.memory_space<vmem>>
    %dma_start3A_158 = arith.constant 0 : i32
    %dma_start3A_159 = tpu.memref_slice %arg7[%rem3A_144, %rem3A_147, %dma_start3A_158] : memref<2x16x64xi32, #tpu.memory_space<vmem>> -> memref<1x1x64xi32, #tpu.memory_space<vmem>>
    %dma_start3A_160 = tpu.memref_squeeze %dma_start3A_159 : memref<1x1x64xi32, #tpu.memory_space<vmem>> -> memref<64xi32, #tpu.memory_space<vmem>>
    %dma_start3A_161 = arith.constant 0 : i32
    %dma_start3A_162 = arith.constant 0 : i32
    %dma_start3A_163 = tpu.memref_slice %arg4[%dma_start3A_161, %dma_start3A_162] : memref<10000x128xf32, #tpu.memory_space<hbm>> -> memref<10000x128xf32, #tpu.memory_space<hbm>>
    %dma_start3A_164 = tpu.memref_slice %arg10[%rem3A_153] : memref<4x!tpu.dma_semaphore, #tpu.memory_space<semaphore_mem>> -> memref<1x!tpu.dma_semaphore, #tpu.memory_space<semaphore_mem>>
    %dma_start3A_165 = tpu.memref_squeeze %dma_start3A_164 : memref<1x!tpu.dma_semaphore, #tpu.memory_space<semaphore_mem>> -> memref<!tpu.dma_semaphore, #tpu.memory_space<semaphore_mem>>
    tpu.enqueue_indirect_dma source(%dma_start3A_163 : memref<10000x128xf32, #tpu.memory_space<hbm>>) target(%dma_start3A_157 : memref<64x128xf32, #tpu.memory_space<vmem>>) offsets(%dma_start3A_160 : memref<64xi32, #tpu.memory_space<vmem>>) semaphore(%dma_start3A_165 : memref<!tpu.dma_semaphore, #tpu.memory_space<semaphore_mem>>)
    %scan3A_166 = arith.constant 0 : i32
    %scan3A_167 = arith.constant 0 : i32
    %scan3A_168 = arith.constant 160 : i32
    %scan3A_169 = arith.addi %scan3A_167, %scan3A_168 : i32
    %scan3A_170 = arith.constant 1 : i32
    %scan3A_171 = scf.for %scan3A_183 = %scan3A_167 to %scan3A_169 step %scan3A_170 iter_args(%scan3A_184 = %scan3A_166) -> (i32)  : i32 {
      %jit3A = arith.constant 16 : i32
      %div3A = arith.divsi %scan3A_183, %jit3A : i32
      %sign3A = arith.constant 0 : i32
      %sign3A_185 = arith.cmpi sgt, %scan3A_183, %sign3A : i32
      %sign3A_186 = arith.extui %sign3A_185 : i1 to i32
      %sign3A_187 = arith.constant 0 : i32
      %sign3A_188 = arith.cmpi slt, %scan3A_183, %sign3A_187 : i32
      %sign3A_189 = arith.extui %sign3A_188 : i1 to i32
      %sign3A_190 = arith.subi %sign3A_186, %sign3A_189 : i32
      %sign3A_191 = arith.constant 0 : i32
      %sign3A_192 = arith.cmpi sgt, %jit3A, %sign3A_191 : i32
      %sign3A_193 = arith.extui %sign3A_192 : i1 to i32
      %sign3A_194 = arith.constant 0 : i32
      %sign3A_195 = arith.cmpi slt, %jit3A, %sign3A_194 : i32
      %sign3A_196 = arith.extui %sign3A_195 : i1 to i32
      %sign3A_197 = arith.subi %sign3A_193, %sign3A_196 : i32
      %ne3A = arith.cmpi ne, %sign3A_190, %sign3A_197 : i32
      %rem3A_198 = arith.remsi %scan3A_183, %jit3A : i32
      %ne3A_199 = arith.constant 0 : i32
      %ne3A_200 = arith.cmpi ne, %rem3A_198, %ne3A_199 : i32
      %and3A = arith.andi %ne3A, %ne3A_200 : i1
      %sub3A = arith.constant 1 : i32
      %sub3A_201 = arith.subi %div3A, %sub3A : i32
      %select_n3A = arith.select %and3A, %sub3A_201, %div3A : i32
      %rem3A_202 = arith.constant 16 : i32
      %rem3A_203 = arith.remsi %scan3A_183, %rem3A_202 : i32
      %rem3A_204 = arith.constant 2 : i32
      %rem3A_205 = arith.remsi %select_n3A, %rem3A_204 : i32
      %rem3A_206 = arith.constant 4 : i32
      %rem3A_207 = arith.remsi %scan3A_183, %rem3A_206 : i32
      %dma_wait3A_208 = arith.constant 0 : i32
      %dma_wait3A_209 = arith.constant 0 : i32
      %dma_wait3A_210 = tpu.memref_slice %arg9[%rem3A_207, %dma_wait3A_208, %dma_wait3A_209] : memref<4x64x128xf32, #tpu.memory_space<vmem>> -> memref<1x64x128xf32, #tpu.memory_space<vmem>>
      %dma_wait3A_211 = tpu.memref_squeeze %dma_wait3A_210 : memref<1x64x128xf32, #tpu.memory_space<vmem>> -> memref<64x128xf32, #tpu.memory_space<vmem>>
      %dma_wait3A_212 = arith.constant 0 : i32
      %dma_wait3A_213 = tpu.memref_slice %arg7[%rem3A_205, %rem3A_203, %dma_wait3A_212] : memref<2x16x64xi32, #tpu.memory_space<vmem>> -> memref<1x1x64xi32, #tpu.memory_space<vmem>>
      %dma_wait3A_214 = tpu.memref_squeeze %dma_wait3A_213 : memref<1x1x64xi32, #tpu.memory_space<vmem>> -> memref<64xi32, #tpu.memory_space<vmem>>
      %dma_wait3A_215 = arith.constant 0 : i32
      %dma_wait3A_216 = arith.constant 0 : i32
      %dma_wait3A_217 = tpu.memref_slice %arg4[%dma_wait3A_215, %dma_wait3A_216] : memref<10000x128xf32, #tpu.memory_space<hbm>> -> memref<10000x128xf32, #tpu.memory_space<hbm>>
      %dma_wait3A_218 = tpu.memref_slice %arg10[%rem3A_207] : memref<4x!tpu.dma_semaphore, #tpu.memory_space<semaphore_mem>> -> memref<1x!tpu.dma_semaphore, #tpu.memory_space<semaphore_mem>>
      %dma_wait3A_219 = tpu.memref_squeeze %dma_wait3A_218 : memref<1x!tpu.dma_semaphore, #tpu.memory_space<semaphore_mem>> -> memref<!tpu.dma_semaphore, #tpu.memory_space<semaphore_mem>>
      tpu.wait_indirect_dma semaphore(%dma_wait3A_219 : memref<!tpu.dma_semaphore, #tpu.memory_space<semaphore_mem>>) src(%dma_wait3A_217 : memref<10000x128xf32, #tpu.memory_space<hbm>>) dst(%dma_wait3A_211 : memref<64x128xf32, #tpu.memory_space<vmem>>)
      %eq3A_220 = arith.constant 0 : i32
      %eq3A_221 = arith.cmpi eq, %rem3A_203, %eq3A_220 : i32
      %add3A_222 = arith.constant 1 : i32
      %add3A_223 = arith.addi %select_n3A, %add3A_222 : i32
      %lt3A = arith.constant 10 : i32
      %lt3A_224 = arith.cmpi slt, %add3A_223, %lt3A : i32
      %and3A_225 = arith.andi %eq3A_221, %lt3A_224 : i1
      %convert_element_type3A_226 = arith.extui %and3A_225 : i1 to i32
      %cond3A_227 = arith.constant 0 : i32
      %cond3A_228 = arith.cmpi ne, %convert_element_type3A_226, %cond3A_227 : i32
      scf.if %cond3A_228 {
        %add3A_249 = arith.constant 1 : i32
        %add3A_250 = arith.addi %select_n3A, %add3A_249 : i32
        %sub3A_251 = arith.constant 1 : i32
        %sub3A_252 = arith.subi %sub3A_251, %rem3A_205 : i32
        %mul3A_253 = arith.constant 16 : i32
        %mul3A_254 = arith.muli %add3A_250, %mul3A_253 : i32
        %dma_start3A_255 = arith.constant 0 : i32
        %dma_start3A_256 = arith.constant 0 : i32
        %dma_start3A_257 = tpu.memref_slice %arg7[%sub3A_252, %dma_start3A_255, %dma_start3A_256] : memref<2x16x64xi32, #tpu.memory_space<vmem>> -> memref<1x16x64xi32, #tpu.memory_space<vmem>>
        %dma_start3A_258 = tpu.memref_squeeze %dma_start3A_257 : memref<1x16x64xi32, #tpu.memory_space<vmem>> -> memref<16x64xi32, #tpu.memory_space<vmem>>
        %dma_start3A_259 = arith.constant 0 : i32
        %dma_start3A_260 = tpu.memref_slice %arg2[%add3A, %mul3A_254, %dma_start3A_259] : memref<32x160x64xi32, #tpu.memory_space<hbm>> -> memref<1x16x64xi32, #tpu.memory_space<hbm>>
        %dma_start3A_261 = tpu.memref_squeeze %dma_start3A_260 : memref<1x16x64xi32, #tpu.memory_space<hbm>> -> memref<16x64xi32, #tpu.memory_space<hbm>>
        %dma_start3A_262 = tpu.memref_slice %arg11[%sub3A_252] : memref<2x!tpu.dma_semaphore, #tpu.memory_space<semaphore_mem>> -> memref<1x!tpu.dma_semaphore, #tpu.memory_space<semaphore_mem>>
        %dma_start3A_263 = tpu.memref_squeeze %dma_start3A_262 : memref<1x!tpu.dma_semaphore, #tpu.memory_space<semaphore_mem>> -> memref<!tpu.dma_semaphore, #tpu.memory_space<semaphore_mem>>
        %dma_start3A_264 = arith.constant 0 : i32
        %dma_start3A_265 = arith.constant 0 : i32
        %dma_start3A_266 = tpu.memref_slice %arg7[%sub3A_252, %dma_start3A_264, %dma_start3A_265] : memref<2x16x64xi32, #tpu.memory_space<vmem>> -> memref<1x16x64xi32, #tpu.memory_space<vmem>>
        %dma_start3A_267 = tpu.memref_squeeze %dma_start3A_266 : memref<1x16x64xi32, #tpu.memory_space<vmem>> -> memref<16x64xi32, #tpu.memory_space<vmem>>
        %dma_start3A_268 = arith.constant 0 : i32
        %dma_start3A_269 = tpu.memref_slice %arg2[%add3A, %mul3A_254, %dma_start3A_268] : memref<32x160x64xi32, #tpu.memory_space<hbm>> -> memref<1x16x64xi32, #tpu.memory_space<hbm>>
        %dma_start3A_270 = tpu.memref_squeeze %dma_start3A_269 : memref<1x16x64xi32, #tpu.memory_space<hbm>> -> memref<16x64xi32, #tpu.memory_space<hbm>>
        tpu.enqueue_dma source(%dma_start3A_270 : memref<16x64xi32, #tpu.memory_space<hbm>>) target(%dma_start3A_267 : memref<16x64xi32, #tpu.memory_space<vmem>>) target_semaphore(%dma_start3A_263 : memref<!tpu.dma_semaphore, #tpu.memory_space<semaphore_mem>>)
        %mul3A_271 = arith.constant 16 : i32
        %mul3A_272 = arith.muli %add3A_250, %mul3A_271 : i32
        %dma_start3A_273 = arith.constant 0 : i32
        %dma_start3A_274 = arith.constant 0 : i32
        %dma_start3A_275 = tpu.memref_slice %arg8[%sub3A_252, %dma_start3A_273, %dma_start3A_274] : memref<2x16x64xi32, #tpu.memory_space<vmem>> -> memref<1x16x64xi32, #tpu.memory_space<vmem>>
        %dma_start3A_276 = tpu.memref_squeeze %dma_start3A_275 : memref<1x16x64xi32, #tpu.memory_space<vmem>> -> memref<16x64xi32, #tpu.memory_space<vmem>>
        %dma_start3A_277 = arith.constant 0 : i32
        %dma_start3A_278 = tpu.memref_slice %arg3[%add3A, %mul3A_272, %dma_start3A_277] : memref<32x160x64xi32, #tpu.memory_space<hbm>> -> memref<1x16x64xi32, #tpu.memory_space<hbm>>
        %dma_start3A_279 = tpu.memref_squeeze %dma_start3A_278 : memref<1x16x64xi32, #tpu.memory_space<hbm>> -> memref<16x64xi32, #tpu.memory_space<hbm>>
        %dma_start3A_280 = tpu.memref_slice %arg11[%sub3A_252] : memref<2x!tpu.dma_semaphore, #tpu.memory_space<semaphore_mem>> -> memref<1x!tpu.dma_semaphore, #tpu.memory_space<semaphore_mem>>
        %dma_start3A_281 = tpu.memref_squeeze %dma_start3A_280 : memref<1x!tpu.dma_semaphore, #tpu.memory_space<semaphore_mem>> -> memref<!tpu.dma_semaphore, #tpu.memory_space<semaphore_mem>>
        %dma_start3A_282 = arith.constant 0 : i32
        %dma_start3A_283 = arith.constant 0 : i32
        %dma_start3A_284 = tpu.memref_slice %arg8[%sub3A_252, %dma_start3A_282, %dma_start3A_283] : memref<2x16x64xi32, #tpu.memory_space<vmem>> -> memref<1x16x64xi32, #tpu.memory_space<vmem>>
        %dma_start3A_285 = tpu.memref_squeeze %dma_start3A_284 : memref<1x16x64xi32, #tpu.memory_space<vmem>> -> memref<16x64xi32, #tpu.memory_space<vmem>>
        %dma_start3A_286 = arith.constant 0 : i32
        %dma_start3A_287 = tpu.memref_slice %arg3[%add3A, %mul3A_272, %dma_start3A_286] : memref<32x160x64xi32, #tpu.memory_space<hbm>> -> memref<1x16x64xi32, #tpu.memory_space<hbm>>
        %dma_start3A_288 = tpu.memref_squeeze %dma_start3A_287 : memref<1x16x64xi32, #tpu.memory_space<hbm>> -> memref<16x64xi32, #tpu.memory_space<hbm>>
        tpu.enqueue_dma source(%dma_start3A_288 : memref<16x64xi32, #tpu.memory_space<hbm>>) target(%dma_start3A_285 : memref<16x64xi32, #tpu.memory_space<vmem>>) target_semaphore(%dma_start3A_281 : memref<!tpu.dma_semaphore, #tpu.memory_space<semaphore_mem>>)
      } else {
      }
      %eq3A_229 = arith.constant 12 : i32
      %eq3A_230 = arith.cmpi eq, %rem3A_203, %eq3A_229 : i32
      %add3A_231 = arith.constant 1 : i32
      %add3A_232 = arith.addi %select_n3A, %add3A_231 : i32
      %lt3A_233 = arith.constant 10 : i32
      %lt3A_234 = arith.cmpi slt, %add3A_232, %lt3A_233 : i32
      %and3A_235 = arith.andi %eq3A_230, %lt3A_234 : i1
      %convert_element_type3A_236 = arith.extui %and3A_235 : i1 to i32
      %cond3A_237 = arith.constant 0 : i32
      %cond3A_238 = arith.cmpi ne, %convert_element_type3A_236, %cond3A_237 : i32
      scf.if %cond3A_238 {
        %sub3A_249 = arith.constant 1 : i32
        %sub3A_250 = arith.subi %sub3A_249, %rem3A_205 : i32
        %dma_wait3A_251 = arith.constant 0 : i32
        %dma_wait3A_252 = arith.constant 0 : i32
        %dma_wait3A_253 = tpu.memref_slice %arg7[%sub3A_250, %dma_wait3A_251, %dma_wait3A_252] : memref<2x16x64xi32, #tpu.memory_space<vmem>> -> memref<1x16x64xi32, #tpu.memory_space<vmem>>
        %dma_wait3A_254 = tpu.memref_squeeze %dma_wait3A_253 : memref<1x16x64xi32, #tpu.memory_space<vmem>> -> memref<16x64xi32, #tpu.memory_space<vmem>>
        %dma_wait3A_255 = arith.constant 0 : i32
        %dma_wait3A_256 = arith.constant 0 : i32
        %dma_wait3A_257 = tpu.memref_slice %arg2[%add3A, %dma_wait3A_255, %dma_wait3A_256] : memref<32x160x64xi32, #tpu.memory_space<hbm>> -> memref<1x16x64xi32, #tpu.memory_space<hbm>>
        %dma_wait3A_258 = tpu.memref_squeeze %dma_wait3A_257 : memref<1x16x64xi32, #tpu.memory_space<hbm>> -> memref<16x64xi32, #tpu.memory_space<hbm>>
        %dma_wait3A_259 = tpu.memref_slice %arg11[%sub3A_250] : memref<2x!tpu.dma_semaphore, #tpu.memory_space<semaphore_mem>> -> memref<1x!tpu.dma_semaphore, #tpu.memory_space<semaphore_mem>>
        %dma_wait3A_260 = tpu.memref_squeeze %dma_wait3A_259 : memref<1x!tpu.dma_semaphore, #tpu.memory_space<semaphore_mem>> -> memref<!tpu.dma_semaphore, #tpu.memory_space<semaphore_mem>>
        %dma_wait3A_261 = arith.constant 0 : i32
        %dma_wait3A_262 = arith.constant 0 : i32
        %dma_wait3A_263 = tpu.memref_slice %arg7[%sub3A_250, %dma_wait3A_261, %dma_wait3A_262] : memref<2x16x64xi32, #tpu.memory_space<vmem>> -> memref<1x16x64xi32, #tpu.memory_space<vmem>>
        %dma_wait3A_264 = tpu.memref_squeeze %dma_wait3A_263 : memref<1x16x64xi32, #tpu.memory_space<vmem>> -> memref<16x64xi32, #tpu.memory_space<vmem>>
        %dma_wait3A_265 = arith.constant 0 : i32
        %dma_wait3A_266 = arith.constant 0 : i32
        %dma_wait3A_267 = tpu.memref_slice %arg2[%add3A, %dma_wait3A_265, %dma_wait3A_266] : memref<32x160x64xi32, #tpu.memory_space<hbm>> -> memref<1x16x64xi32, #tpu.memory_space<hbm>>
        %dma_wait3A_268 = tpu.memref_squeeze %dma_wait3A_267 : memref<1x16x64xi32, #tpu.memory_space<hbm>> -> memref<16x64xi32, #tpu.memory_space<hbm>>
        tpu.wait_dma2 semaphore(%dma_wait3A_260 : memref<!tpu.dma_semaphore, #tpu.memory_space<semaphore_mem>>) src(%dma_wait3A_268 : memref<16x64xi32, #tpu.memory_space<hbm>>) dst(%dma_wait3A_264 : memref<16x64xi32, #tpu.memory_space<vmem>>)
        %dma_wait3A_269 = arith.constant 0 : i32
        %dma_wait3A_270 = arith.constant 0 : i32
        %dma_wait3A_271 = tpu.memref_slice %arg8[%sub3A_250, %dma_wait3A_269, %dma_wait3A_270] : memref<2x16x64xi32, #tpu.memory_space<vmem>> -> memref<1x16x64xi32, #tpu.memory_space<vmem>>
        %dma_wait3A_272 = tpu.memref_squeeze %dma_wait3A_271 : memref<1x16x64xi32, #tpu.memory_space<vmem>> -> memref<16x64xi32, #tpu.memory_space<vmem>>
        %dma_wait3A_273 = arith.constant 0 : i32
        %dma_wait3A_274 = arith.constant 0 : i32
        %dma_wait3A_275 = tpu.memref_slice %arg3[%add3A, %dma_wait3A_273, %dma_wait3A_274] : memref<32x160x64xi32, #tpu.memory_space<hbm>> -> memref<1x16x64xi32, #tpu.memory_space<hbm>>
        %dma_wait3A_276 = tpu.memref_squeeze %dma_wait3A_275 : memref<1x16x64xi32, #tpu.memory_space<hbm>> -> memref<16x64xi32, #tpu.memory_space<hbm>>
        %dma_wait3A_277 = tpu.memref_slice %arg11[%sub3A_250] : memref<2x!tpu.dma_semaphore, #tpu.memory_space<semaphore_mem>> -> memref<1x!tpu.dma_semaphore, #tpu.memory_space<semaphore_mem>>
        %dma_wait3A_278 = tpu.memref_squeeze %dma_wait3A_277 : memref<1x!tpu.dma_semaphore, #tpu.memory_space<semaphore_mem>> -> memref<!tpu.dma_semaphore, #tpu.memory_space<semaphore_mem>>
        %dma_wait3A_279 = arith.constant 0 : i32
        %dma_wait3A_280 = arith.constant 0 : i32
        %dma_wait3A_281 = tpu.memref_slice %arg8[%sub3A_250, %dma_wait3A_279, %dma_wait3A_280] : memref<2x16x64xi32, #tpu.memory_space<vmem>> -> memref<1x16x64xi32, #tpu.memory_space<vmem>>
        %dma_wait3A_282 = tpu.memref_squeeze %dma_wait3A_281 : memref<1x16x64xi32, #tpu.memory_space<vmem>> -> memref<16x64xi32, #tpu.memory_space<vmem>>
        %dma_wait3A_283 = arith.constant 0 : i32
        %dma_wait3A_284 = arith.constant 0 : i32
        %dma_wait3A_285 = tpu.memref_slice %arg3[%add3A, %dma_wait3A_283, %dma_wait3A_284] : memref<32x160x64xi32, #tpu.memory_space<hbm>> -> memref<1x16x64xi32, #tpu.memory_space<hbm>>
        %dma_wait3A_286 = tpu.memref_squeeze %dma_wait3A_285 : memref<1x16x64xi32, #tpu.memory_space<hbm>> -> memref<16x64xi32, #tpu.memory_space<hbm>>
        tpu.wait_dma2 semaphore(%dma_wait3A_278 : memref<!tpu.dma_semaphore, #tpu.memory_space<semaphore_mem>>) src(%dma_wait3A_286 : memref<16x64xi32, #tpu.memory_space<hbm>>) dst(%dma_wait3A_282 : memref<16x64xi32, #tpu.memory_space<vmem>>)
      } else {
      }
      %add3A_239 = arith.constant 4 : i32
      %add3A_240 = arith.addi %scan3A_183, %add3A_239 : i32
      %sub3A_241 = arith.constant 1 : i32
      %sub3A_242 = arith.subi %add3A_240, %sub3A_241 : i32
      %lt3A_243 = arith.constant 160 : i32
      %lt3A_244 = arith.cmpi slt, %sub3A_242, %lt3A_243 : i32
      %convert_element_type3A_245 = arith.extui %lt3A_244 : i1 to i32
      %cond3A_246 = arith.constant 0 : i32
      %cond3A_247 = arith.cmpi ne, %convert_element_type3A_245, %cond3A_246 : i32
      scf.if %cond3A_247 {
        %add3A_249 = arith.constant 4 : i32
        %add3A_250 = arith.addi %scan3A_183, %add3A_249 : i32
        %sub3A_251 = arith.constant 1 : i32
        %sub3A_252 = arith.subi %add3A_250, %sub3A_251 : i32
        %jit3A_253 = arith.constant 16 : i32
        %div3A_254 = arith.divsi %sub3A_252, %jit3A_253 : i32
        %sign3A_255 = arith.constant 0 : i32
        %sign3A_256 = arith.cmpi sgt, %sub3A_252, %sign3A_255 : i32
        %sign3A_257 = arith.extui %sign3A_256 : i1 to i32
        %sign3A_258 = arith.constant 0 : i32
        %sign3A_259 = arith.cmpi slt, %sub3A_252, %sign3A_258 : i32
        %sign3A_260 = arith.extui %sign3A_259 : i1 to i32
        %sign3A_261 = arith.subi %sign3A_257, %sign3A_260 : i32
        %sign3A_262 = arith.constant 0 : i32
        %sign3A_263 = arith.cmpi sgt, %jit3A_253, %sign3A_262 : i32
        %sign3A_264 = arith.extui %sign3A_263 : i1 to i32
        %sign3A_265 = arith.constant 0 : i32
        %sign3A_266 = arith.cmpi slt, %jit3A_253, %sign3A_265 : i32
        %sign3A_267 = arith.extui %sign3A_266 : i1 to i32
        %sign3A_268 = arith.subi %sign3A_264, %sign3A_267 : i32
        %ne3A_269 = arith.cmpi ne, %sign3A_261, %sign3A_268 : i32
        %rem3A_270 = arith.remsi %sub3A_252, %jit3A_253 : i32
        %ne3A_271 = arith.constant 0 : i32
        %ne3A_272 = arith.cmpi ne, %rem3A_270, %ne3A_271 : i32
        %and3A_273 = arith.andi %ne3A_269, %ne3A_272 : i1
        %sub3A_274 = arith.constant 1 : i32
        %sub3A_275 = arith.subi %div3A_254, %sub3A_274 : i32
        %select_n3A_276 = arith.select %and3A_273, %sub3A_275, %div3A_254 : i32
        %rem3A_277 = arith.constant 2 : i32
        %rem3A_278 = arith.remsi %select_n3A_276, %rem3A_277 : i32
        %rem3A_279 = arith.constant 16 : i32
        %rem3A_280 = arith.remsi %sub3A_252, %rem3A_279 : i32
        %rem3A_281 = arith.constant 4 : i32
        %rem3A_282 = arith.remsi %sub3A_252, %rem3A_281 : i32
        %rem3A_283 = arith.constant 4 : i32
        %rem3A_284 = arith.remsi %sub3A_252, %rem3A_283 : i32
        %dma_start3A_285 = arith.constant 0 : i32
        %dma_start3A_286 = arith.constant 0 : i32
        %dma_start3A_287 = tpu.memref_slice %arg9[%rem3A_282, %dma_start3A_285, %dma_start3A_286] : memref<4x64x128xf32, #tpu.memory_space<vmem>> -> memref<1x64x128xf32, #tpu.memory_space<vmem>>
        %dma_start3A_288 = tpu.memref_squeeze %dma_start3A_287 : memref<1x64x128xf32, #tpu.memory_space<vmem>> -> memref<64x128xf32, #tpu.memory_space<vmem>>
        %dma_start3A_289 = arith.constant 0 : i32
        %dma_start3A_290 = tpu.memref_slice %arg7[%rem3A_278, %rem3A_280, %dma_start3A_289] : memref<2x16x64xi32, #tpu.memory_space<vmem>> -> memref<1x1x64xi32, #tpu.memory_space<vmem>>
        %dma_start3A_291 = tpu.memref_squeeze %dma_start3A_290 : memref<1x1x64xi32, #tpu.memory_space<vmem>> -> memref<64xi32, #tpu.memory_space<vmem>>
        %dma_start3A_292 = arith.constant 0 : i32
        %dma_start3A_293 = arith.constant 0 : i32
        %dma_start3A_294 = tpu.memref_slice %arg4[%dma_start3A_292, %dma_start3A_293] : memref<10000x128xf32, #tpu.memory_space<hbm>> -> memref<10000x128xf32, #tpu.memory_space<hbm>>
        %dma_start3A_295 = tpu.memref_slice %arg10[%rem3A_284] : memref<4x!tpu.dma_semaphore, #tpu.memory_space<semaphore_mem>> -> memref<1x!tpu.dma_semaphore, #tpu.memory_space<semaphore_mem>>
        %dma_start3A_296 = tpu.memref_squeeze %dma_start3A_295 : memref<1x!tpu.dma_semaphore, #tpu.memory_space<semaphore_mem>> -> memref<!tpu.dma_semaphore, #tpu.memory_space<semaphore_mem>>
        tpu.enqueue_indirect_dma source(%dma_start3A_294 : memref<10000x128xf32, #tpu.memory_space<hbm>>) target(%dma_start3A_288 : memref<64x128xf32, #tpu.memory_space<vmem>>) offsets(%dma_start3A_291 : memref<64xi32, #tpu.memory_space<vmem>>) semaphore(%dma_start3A_296 : memref<!tpu.dma_semaphore, #tpu.memory_space<semaphore_mem>>)
      } else {
      }
      "tpu.region"() ({
        %run_scoped3A = tpu.sem_alloc : memref<!tpu.dma_semaphore, #tpu.memory_space<semaphore_mem>>
        %dma_start3A_249 = arith.constant 0 : i32
        %dma_start3A_250 = arith.constant 0 : i32
        %dma_start3A_251 = tpu.memref_slice %arg9[%rem3A_207, %dma_start3A_249, %dma_start3A_250] : memref<4x64x128xf32, #tpu.memory_space<vmem>> -> memref<1x64x128xf32, #tpu.memory_space<vmem>>
        %dma_start3A_252 = tpu.memref_squeeze %dma_start3A_251 : memref<1x64x128xf32, #tpu.memory_space<vmem>> -> memref<64x128xf32, #tpu.memory_space<vmem>>
        %dma_start3A_253 = arith.constant 0 : i32
        %dma_start3A_254 = tpu.memref_slice %arg8[%rem3A_205, %rem3A_203, %dma_start3A_253] : memref<2x16x64xi32, #tpu.memory_space<vmem>> -> memref<1x1x64xi32, #tpu.memory_space<vmem>>
        %dma_start3A_255 = tpu.memref_squeeze %dma_start3A_254 : memref<1x1x64xi32, #tpu.memory_space<vmem>> -> memref<64xi32, #tpu.memory_space<vmem>>
        %dma_start3A_256 = arith.constant 0 : i32
        %dma_start3A_257 = arith.constant 0 : i32
        %dma_start3A_258 = tpu.memref_slice %arg6[%dma_start3A_256, %dma_start3A_257] : memref<10128x128xf32, #tpu.memory_space<vmem_shared>> -> memref<10128x128xf32, #tpu.memory_space<vmem_shared>>
        tpu.enqueue_indirect_dma source(%dma_start3A_252 : memref<64x128xf32, #tpu.memory_space<vmem>>) target(%dma_start3A_258 : memref<10128x128xf32, #tpu.memory_space<vmem_shared>>) offsets(%dma_start3A_255 : memref<64xi32, #tpu.memory_space<vmem>>) semaphore(%run_scoped3A : memref<!tpu.dma_semaphore, #tpu.memory_space<semaphore_mem>>) {add = true}
        %dma_wait3A_259 = arith.constant 0 : i32
        %dma_wait3A_260 = arith.constant 0 : i32
        %dma_wait3A_261 = tpu.memref_slice %arg9[%rem3A_207, %dma_wait3A_259, %dma_wait3A_260] : memref<4x64x128xf32, #tpu.memory_space<vmem>> -> memref<1x64x128xf32, #tpu.memory_space<vmem>>
        %dma_wait3A_262 = tpu.memref_squeeze %dma_wait3A_261 : memref<1x64x128xf32, #tpu.memory_space<vmem>> -> memref<64x128xf32, #tpu.memory_space<vmem>>
        %dma_wait3A_263 = arith.constant 0 : i32
        %dma_wait3A_264 = tpu.memref_slice %arg8[%rem3A_205, %rem3A_203, %dma_wait3A_263] : memref<2x16x64xi32, #tpu.memory_space<vmem>> -> memref<1x1x64xi32, #tpu.memory_space<vmem>>
        %dma_wait3A_265 = tpu.memref_squeeze %dma_wait3A_264 : memref<1x1x64xi32, #tpu.memory_space<vmem>> -> memref<64xi32, #tpu.memory_space<vmem>>
        %dma_wait3A_266 = arith.constant 0 : i32
        %dma_wait3A_267 = arith.constant 0 : i32
        %dma_wait3A_268 = tpu.memref_slice %arg6[%dma_wait3A_266, %dma_wait3A_267] : memref<10128x128xf32, #tpu.memory_space<vmem_shared>> -> memref<10128x128xf32, #tpu.memory_space<vmem_shared>>
        tpu.wait_indirect_dma semaphore(%run_scoped3A : memref<!tpu.dma_semaphore, #tpu.memory_space<semaphore_mem>>) src(%dma_wait3A_262 : memref<64x128xf32, #tpu.memory_space<vmem>>) dst(%dma_wait3A_268 : memref<10128x128xf32, #tpu.memory_space<vmem_shared>>)
        tpu.yield
      }) : () -> ()
      %scan3A_248 = arith.constant 0 : i32
      scf.yield %scan3A_248 : i32
    }
    %scan3A_172 = arith.constant 160 : i32
    %barrier3A_173 = arith.constant 0 : index
    tpu.barrier barrier_id(%barrier3A_173)
    %mul3A_174 = arith.constant 624 : i32
    %mul3A_175 = arith.muli %arg1, %mul3A_174 : i32
    %mul3A_176 = arith.constant 624 : i32
    %mul3A_177 = arith.muli %arg1, %mul3A_176 : i32
    "tpu.region"() ({
      %run_scoped3A = tpu.sem_alloc : memref<!tpu.dma_semaphore, #tpu.memory_space<semaphore_mem>>
      %dma_start3A_183 = arith.constant 0 : i32
      %dma_start3A_184 = tpu.memref_slice %arg5[%arg0, %mul3A_177, %dma_start3A_183] : memref<2x10000x128xf32, #tpu.memory_space<hbm>> -> memref<1x624x128xf32, #tpu.memory_space<hbm>>
      %dma_start3A_185 = tpu.memref_squeeze %dma_start3A_184 : memref<1x624x128xf32, #tpu.memory_space<hbm>> -> memref<624x128xf32, #tpu.memory_space<hbm>>
      %dma_start3A_186 = arith.constant 0 : i32
      %dma_start3A_187 = tpu.memref_slice %arg6[%mul3A_175, %dma_start3A_186] : memref<10128x128xf32, #tpu.memory_space<vmem_shared>> -> memref<624x128xf32, #tpu.memory_space<vmem_shared>>
      tpu.enqueue_dma source(%dma_start3A_187 : memref<624x128xf32, #tpu.memory_space<vmem_shared>>) target(%dma_start3A_185 : memref<624x128xf32, #tpu.memory_space<hbm>>) target_semaphore(%run_scoped3A : memref<!tpu.dma_semaphore, #tpu.memory_space<semaphore_mem>>)
      %dma_wait3A_188 = arith.constant 0 : i32
      %dma_wait3A_189 = tpu.memref_slice %arg5[%arg0, %mul3A_177, %dma_wait3A_188] : memref<2x10000x128xf32, #tpu.memory_space<hbm>> -> memref<1x624x128xf32, #tpu.memory_space<hbm>>
      %dma_wait3A_190 = tpu.memref_squeeze %dma_wait3A_189 : memref<1x624x128xf32, #tpu.memory_space<hbm>> -> memref<624x128xf32, #tpu.memory_space<hbm>>
      %dma_wait3A_191 = arith.constant 0 : i32
      %dma_wait3A_192 = tpu.memref_slice %arg6[%mul3A_175, %dma_wait3A_191] : memref<10128x128xf32, #tpu.memory_space<vmem_shared>> -> memref<624x128xf32, #tpu.memory_space<vmem_shared>>
      tpu.wait_dma2 semaphore(%run_scoped3A : memref<!tpu.dma_semaphore, #tpu.memory_space<semaphore_mem>>) src(%dma_wait3A_192 : memref<624x128xf32, #tpu.memory_space<vmem_shared>>) dst(%dma_wait3A_190 : memref<624x128xf32, #tpu.memory_space<hbm>>)
      tpu.yield
    }) : () -> ()
    %eq3A_178 = arith.constant 0 : i32
    %eq3A_179 = arith.cmpi eq, %arg1, %eq3A_178 : i32
    %convert_element_type3A_180 = arith.extui %eq3A_179 : i1 to i32
    %cond3A_181 = arith.constant 0 : i32
    %cond3A_182 = arith.cmpi ne, %convert_element_type3A_180, %cond3A_181 : i32
    scf.if %cond3A_182 {
      "tpu.region"() ({
        %run_scoped3A = tpu.sem_alloc : memref<!tpu.dma_semaphore, #tpu.memory_space<semaphore_mem>>
        %dma_start3A_183 = arith.constant 9984 : i32
        %dma_start3A_184 = arith.constant 0 : i32
        %dma_start3A_185 = tpu.memref_slice %arg5[%arg0, %dma_start3A_183, %dma_start3A_184] : memref<2x10000x128xf32, #tpu.memory_space<hbm>> -> memref<1x16x128xf32, #tpu.memory_space<hbm>>
        %dma_start3A_186 = tpu.memref_squeeze %dma_start3A_185 : memref<1x16x128xf32, #tpu.memory_space<hbm>> -> memref<16x128xf32, #tpu.memory_space<hbm>>
        %dma_start3A_187 = arith.constant 9984 : i32
        %dma_start3A_188 = arith.constant 0 : i32
        %dma_start3A_189 = tpu.memref_slice %arg6[%dma_start3A_187, %dma_start3A_188] : memref<10128x128xf32, #tpu.memory_space<vmem_shared>> -> memref<16x128xf32, #tpu.memory_space<vmem_shared>>
        tpu.enqueue_dma source(%dma_start3A_189 : memref<16x128xf32, #tpu.memory_space<vmem_shared>>) target(%dma_start3A_186 : memref<16x128xf32, #tpu.memory_space<hbm>>) target_semaphore(%run_scoped3A : memref<!tpu.dma_semaphore, #tpu.memory_space<semaphore_mem>>)
        %dma_wait3A_190 = arith.constant 9984 : i32
        %dma_wait3A_191 = arith.constant 0 : i32
        %dma_wait3A_192 = tpu.memref_slice %arg5[%arg0, %dma_wait3A_190, %dma_wait3A_191] : memref<2x10000x128xf32, #tpu.memory_space<hbm>> -> memref<1x16x128xf32, #tpu.memory_space<hbm>>
        %dma_wait3A_193 = tpu.memref_squeeze %dma_wait3A_192 : memref<1x16x128xf32, #tpu.memory_space<hbm>> -> memref<16x128xf32, #tpu.memory_space<hbm>>
        %dma_wait3A_194 = arith.constant 9984 : i32
        %dma_wait3A_195 = arith.constant 0 : i32
        %dma_wait3A_196 = tpu.memref_slice %arg6[%dma_wait3A_194, %dma_wait3A_195] : memref<10128x128xf32, #tpu.memory_space<vmem_shared>> -> memref<16x128xf32, #tpu.memory_space<vmem_shared>>
        tpu.wait_dma2 semaphore(%run_scoped3A : memref<!tpu.dma_semaphore, #tpu.memory_space<semaphore_mem>>) src(%dma_wait3A_196 : memref<16x128xf32, #tpu.memory_space<vmem_shared>>) dst(%dma_wait3A_193 : memref<16x128xf32, #tpu.memory_space<hbm>>)
        tpu.yield
      }) : () -> ()
    } else {
    }
    return
  }
}

#map = affine_map<(d0, d1) -> (0, 0, 0)>
#map1 = affine_map<(d0, d1) -> (0, 0)>
module attributes {stable_mosaic.version = 14 : i64} {
  func.func @k(%arg0: i32, %arg1: i32, %arg2: memref<32x160x64xi32, #tpu.memory_space<hbm>>, %arg3: memref<32x160x64xi32, #tpu.memory_space<hbm>>, %arg4: memref<10000x128xf32, #tpu.memory_space<hbm>>, %arg5: memref<2x10000x128xf32, #tpu.memory_space<hbm>>, %arg6: memref<10128x128xf32, #tpu.memory_space<vmem_shared>>, %arg7: memref<2x16x64xi32, #tpu.memory_space<vmem>>, %arg8: memref<2x16x64xi32, #tpu.memory_space<vmem>>, %arg9: memref<4x64x128xf32, #tpu.memory_space<vmem>>, %arg10: memref<4x!tpu.dma_semaphore, #tpu.memory_space<semaphore_mem>>, %arg11: memref<2x!tpu.dma_semaphore, #tpu.memory_space<semaphore_mem>>) attributes {dimension_semantics = [#tpu.dimension_semantics<core_parallel>, #tpu.dimension_semantics<subcore_parallel>], iteration_bounds = array<i64: 2, 16>, scalar_prefetch = 0 : i64, scratch_operands = 6 : i64, tpu.core_type = #tpu.core_type<sc_vector_subcore>, window_params = [{transform_indices = #map}, {transform_indices = #map}, {transform_indices = #map1}, {transform_indices = #map}]} {
    %mul3A = arith.constant 16 : i32
    %mul3A_0 = arith.muli %arg0, %mul3A : i32
    %add3A = arith.addi %mul3A_0, %arg1 : i32
    %dma_start3A = arith.constant 0 : i32
    %dma_start3A_1 = arith.constant 0 : i32
    %dma_start3A_2 = arith.constant 0 : i32
    %dma_start3A_3 = arith.constant 0 : i32
    %dma_start3A_4 = tpu.memref_slice %arg8[%dma_start3A, %dma_start3A_2, %dma_start3A_3] : memref<2x16x64xi32, #tpu.memory_space<vmem>> -> memref<1x16x64xi32, #tpu.memory_space<vmem>>
    %dma_start3A_5 = tpu.memref_squeeze %dma_start3A_4 : memref<1x16x64xi32, #tpu.memory_space<vmem>> -> memref<16x64xi32, #tpu.memory_space<vmem>>
    %dma_start3A_6 = arith.constant 0 : i32
    %dma_start3A_7 = arith.constant 0 : i32
    %dma_start3A_8 = tpu.memref_slice %arg3[%add3A, %dma_start3A_6, %dma_start3A_7] : memref<32x160x64xi32, #tpu.memory_space<hbm>> -> memref<1x16x64xi32, #tpu.memory_space<hbm>>
    %dma_start3A_9 = tpu.memref_squeeze %dma_start3A_8 : memref<1x16x64xi32, #tpu.memory_space<hbm>> -> memref<16x64xi32, #tpu.memory_space<hbm>>
    %dma_start3A_10 = tpu.memref_slice %arg11[%dma_start3A_1] : memref<2x!tpu.dma_semaphore, #tpu.memory_space<semaphore_mem>> -> memref<1x!tpu.dma_semaphore, #tpu.memory_space<semaphore_mem>>
    %dma_start3A_11 = tpu.memref_squeeze %dma_start3A_10 : memref<1x!tpu.dma_semaphore, #tpu.memory_space<semaphore_mem>> -> memref<!tpu.dma_semaphore, #tpu.memory_space<semaphore_mem>>
    %dma_start3A_12 = arith.constant 0 : i32
    %dma_start3A_13 = arith.constant 0 : i32
    %dma_start3A_14 = tpu.memref_slice %arg8[%dma_start3A, %dma_start3A_12, %dma_start3A_13] : memref<2x16x64xi32, #tpu.memory_space<vmem>> -> memref<1x16x64xi32, #tpu.memory_space<vmem>>
    %dma_start3A_15 = tpu.memref_squeeze %dma_start3A_14 : memref<1x16x64xi32, #tpu.memory_space<vmem>> -> memref<16x64xi32, #tpu.memory_space<vmem>>
    %dma_start3A_16 = arith.constant 0 : i32
    %dma_start3A_17 = arith.constant 0 : i32
    %dma_start3A_18 = tpu.memref_slice %arg3[%add3A, %dma_start3A_16, %dma_start3A_17] : memref<32x160x64xi32, #tpu.memory_space<hbm>> -> memref<1x16x64xi32, #tpu.memory_space<hbm>>
    %dma_start3A_19 = tpu.memref_squeeze %dma_start3A_18 : memref<1x16x64xi32, #tpu.memory_space<hbm>> -> memref<16x64xi32, #tpu.memory_space<hbm>>
    tpu.enqueue_dma source(%dma_start3A_19 : memref<16x64xi32, #tpu.memory_space<hbm>>) target(%dma_start3A_15 : memref<16x64xi32, #tpu.memory_space<vmem>>) target_semaphore(%dma_start3A_11 : memref<!tpu.dma_semaphore, #tpu.memory_space<semaphore_mem>>)
    %scan3A = arith.constant 0 : i32
    %scan3A_20 = arith.constant 0 : i32
    %scan3A_21 = arith.constant 0 : i32
    %scan3A_22 = arith.constant 16 : i32
    %scan3A_23 = arith.addi %scan3A_21, %scan3A_22 : i32
    %scan3A_24 = arith.constant 1 : i32
    %scan3A_25 = scf.for %scan3A_80 = %scan3A_21 to %scan3A_23 step %scan3A_24 iter_args(%scan3A_81 = %scan3A_20) -> (i32)  : i32 {
      %scan3A_82 = arith.constant 0 : i32
      %scan3A_83 = arith.constant 0 : i32
      %scan3A_84 = arith.constant 8 : i32
      %scan3A_85 = arith.addi %scan3A_83, %scan3A_84 : i32
      %scan3A_86 = arith.constant 1 : i32
      %scan3A_87 = scf.for %scan3A_90 = %scan3A_83 to %scan3A_85 step %scan3A_86 iter_args(%scan3A_91 = %scan3A_82) -> (i32)  : i32 {
        %broadcast_in_dim3A = arith.constant 0.000000e+00 : f32
        %broadcast_in_dim3A_92 = vector.broadcast %broadcast_in_dim3A : f32 to vector<16xf32>
        %mul3A_93 = arith.constant 16 : i32
        %mul3A_94 = arith.muli %scan3A_90, %mul3A_93 : i32
        %swap3A = arith.constant 0 : i32
        %swap3A_95 = arith.constant 0 : i32
        %swap3A_96 = tpu.memref_slice %arg9[%scan3A, %swap3A, %swap3A_95] : memref<4x64x128xf32, #tpu.memory_space<vmem>> -> memref<1x64x128xf32, #tpu.memory_space<vmem>>
        %swap3A_97 = tpu.memref_squeeze %swap3A_96 : memref<1x64x128xf32, #tpu.memory_space<vmem>> -> memref<64x128xf32, #tpu.memory_space<vmem>>
        %swap3A_98 = arith.index_cast %scan3A_80 : i32 to index
        %swap3A_99 = arith.index_cast %mul3A_94 : i32 to index
        %swap3A_100 = tpu.vector_load %swap3A_97[%swap3A_98, %swap3A_99] {strides = array<i32>} : memref<64x128xf32, #tpu.memory_space<vmem>>, vector<1x16xf32>,
        %swap3A_101 = vector.shape_cast %swap3A_100 : vector<1x16xf32> to vector<16xf32>
        %swap3A_102 = vector.shape_cast %broadcast_in_dim3A_92 : vector<16xf32> to vector<1x16xf32>
        tpu.vector_store %swap3A_97[%swap3A_98, %swap3A_99], %swap3A_102 {strides = array<i32>} : memref<64x128xf32, #tpu.memory_space<vmem>>, vector<1x16xf32>,
        %scan3A_103 = arith.constant 0 : i32
        scf.yield %scan3A_103 : i32
      }
      %scan3A_88 = arith.constant 8 : i32
      %scan3A_89 = arith.constant 0 : i32
      scf.yield %scan3A_89 : i32
    }
    %scan3A_26 = arith.constant 16 : i32
    %scan3A_27 = arith.constant 0 : i32
    %scan3A_28 = arith.constant 0 : i32
    %scan3A_29 = arith.constant 39 : i32
    %scan3A_30 = arith.addi %scan3A_28, %scan3A_29 : i32
    %scan3A_31 = arith.constant 1 : i32
    %scan3A_32 = scf.for %scan3A_80 = %scan3A_28 to %scan3A_30 step %scan3A_31 iter_args(%scan3A_81 = %scan3A_27) -> (i32)  : i32 {
      %mul3A_82 = arith.constant 624 : i32
      %mul3A_83 = arith.muli %arg1, %mul3A_82 : i32
      %mul3A_84 = arith.constant 16 : i32
      %mul3A_85 = arith.muli %scan3A_80, %mul3A_84 : i32
      %add3A_86 = arith.addi %mul3A_83, %mul3A_85 : i32
      %run_scoped3A = arith.constant 0 : i32
      "tpu.region"() ({
        %run_scoped3A_88 = tpu.sem_alloc : memref<!tpu.dma_semaphore, #tpu.memory_space<semaphore_mem>>
        %dma_start3A_89 = arith.constant 0 : i32
        %dma_start3A_90 = arith.constant 0 : i32
        %dma_start3A_91 = tpu.memref_slice %arg9[%run_scoped3A, %dma_start3A_89, %dma_start3A_90] : memref<4x64x128xf32, #tpu.memory_space<vmem>> -> memref<1x16x128xf32, #tpu.memory_space<vmem>>
        %dma_start3A_92 = tpu.memref_squeeze %dma_start3A_91 : memref<1x16x128xf32, #tpu.memory_space<vmem>> -> memref<16x128xf32, #tpu.memory_space<vmem>>
        %dma_start3A_93 = arith.constant 0 : i32
        %dma_start3A_94 = tpu.memref_slice %arg6[%add3A_86, %dma_start3A_93] : memref<10128x128xf32, #tpu.memory_space<vmem_shared>> -> memref<16x128xf32, #tpu.memory_space<vmem_shared>>
        %dma_start3A_95 = arith.constant 0 : i32
        %dma_start3A_96 = tpu.memref_slice %arg6[%add3A_86, %dma_start3A_95] : memref<10128x128xf32, #tpu.memory_space<vmem_shared>> -> memref<16x128xf32, #tpu.memory_space<vmem_shared>>
        %dma_start3A_97 = arith.constant 0 : i32
        %dma_start3A_98 = arith.constant 0 : i32
        %dma_start3A_99 = tpu.memref_slice %arg9[%run_scoped3A, %dma_start3A_97, %dma_start3A_98] : memref<4x64x128xf32, #tpu.memory_space<vmem>> -> memref<1x16x128xf32, #tpu.memory_space<vmem>>
        %dma_start3A_100 = tpu.memref_squeeze %dma_start3A_99 : memref<1x16x128xf32, #tpu.memory_space<vmem>> -> memref<16x128xf32, #tpu.memory_space<vmem>>
        tpu.enqueue_dma source(%dma_start3A_100 : memref<16x128xf32, #tpu.memory_space<vmem>>) target(%dma_start3A_96 : memref<16x128xf32, #tpu.memory_space<vmem_shared>>) target_semaphore(%run_scoped3A_88 : memref<!tpu.dma_semaphore, #tpu.memory_space<semaphore_mem>>)
        %dma_wait3A_101 = arith.constant 0 : i32
        %dma_wait3A_102 = arith.constant 0 : i32
        %dma_wait3A_103 = tpu.memref_slice %arg9[%run_scoped3A, %dma_wait3A_101, %dma_wait3A_102] : memref<4x64x128xf32, #tpu.memory_space<vmem>> -> memref<1x16x128xf32, #tpu.memory_space<vmem>>
        %dma_wait3A_104 = tpu.memref_squeeze %dma_wait3A_103 : memref<1x16x128xf32, #tpu.memory_space<vmem>> -> memref<16x128xf32, #tpu.memory_space<vmem>>
        %dma_wait3A_105 = arith.constant 0 : i32
        %dma_wait3A_106 = tpu.memref_slice %arg6[%add3A_86, %dma_wait3A_105] : memref<10128x128xf32, #tpu.memory_space<vmem_shared>> -> memref<16x128xf32, #tpu.memory_space<vmem_shared>>
        %dma_wait3A_107 = arith.constant 0 : i32
        %dma_wait3A_108 = tpu.memref_slice %arg6[%add3A_86, %dma_wait3A_107] : memref<10128x128xf32, #tpu.memory_space<vmem_shared>> -> memref<16x128xf32, #tpu.memory_space<vmem_shared>>
        %dma_wait3A_109 = arith.constant 0 : i32
        %dma_wait3A_110 = arith.constant 0 : i32
        %dma_wait3A_111 = tpu.memref_slice %arg9[%run_scoped3A, %dma_wait3A_109, %dma_wait3A_110] : memref<4x64x128xf32, #tpu.memory_space<vmem>> -> memref<1x16x128xf32, #tpu.memory_space<vmem>>
        %dma_wait3A_112 = tpu.memref_squeeze %dma_wait3A_111 : memref<1x16x128xf32, #tpu.memory_space<vmem>> -> memref<16x128xf32, #tpu.memory_space<vmem>>
        tpu.wait_dma2 semaphore(%run_scoped3A_88 : memref<!tpu.dma_semaphore, #tpu.memory_space<semaphore_mem>>) src(%dma_wait3A_112 : memref<16x128xf32, #tpu.memory_space<vmem>>) dst(%dma_wait3A_108 : memref<16x128xf32, #tpu.memory_space<vmem_shared>>)
        tpu.yield
      }) : () -> ()
      %scan3A_87 = arith.constant 0 : i32
      scf.yield %scan3A_87 : i32
    }
    %scan3A_33 = arith.constant 39 : i32
    %eq3A = arith.constant 0 : i32
    %eq3A_34 = arith.cmpi eq, %arg1, %eq3A : i32
    %convert_element_type3A = arith.extui %eq3A_34 : i1 to i32
    %cond3A = arith.constant 0 : i32
    %cond3A_35 = arith.cmpi ne, %convert_element_type3A, %cond3A : i32
    scf.if %cond3A_35 {
      %run_scoped3A = arith.constant 0 : i32
      "tpu.region"() ({
        %run_scoped3A_80 = tpu.sem_alloc : memref<!tpu.dma_semaphore, #tpu.memory_space<semaphore_mem>>
        %dma_start3A_81 = arith.constant 0 : i32
        %dma_start3A_82 = arith.constant 0 : i32
        %dma_start3A_83 = tpu.memref_slice %arg9[%run_scoped3A, %dma_start3A_81, %dma_start3A_82] : memref<4x64x128xf32, #tpu.memory_space<vmem>> -> memref<1x16x128xf32, #tpu.memory_space<vmem>>
        %dma_start3A_84 = tpu.memref_squeeze %dma_start3A_83 : memref<1x16x128xf32, #tpu.memory_space<vmem>> -> memref<16x128xf32, #tpu.memory_space<vmem>>
        %dma_start3A_85 = arith.constant 9984 : i32
        %dma_start3A_86 = arith.constant 0 : i32
        %dma_start3A_87 = tpu.memref_slice %arg6[%dma_start3A_85, %dma_start3A_86] : memref<10128x128xf32, #tpu.memory_space<vmem_shared>> -> memref<16x128xf32, #tpu.memory_space<vmem_shared>>
        %dma_start3A_88 = arith.constant 9984 : i32
        %dma_start3A_89 = arith.constant 0 : i32
        %dma_start3A_90 = tpu.memref_slice %arg6[%dma_start3A_88, %dma_start3A_89] : memref<10128x128xf32, #tpu.memory_space<vmem_shared>> -> memref<16x128xf32, #tpu.memory_space<vmem_shared>>
        %dma_start3A_91 = arith.constant 0 : i32
        %dma_start3A_92 = arith.constant 0 : i32
        %dma_start3A_93 = tpu.memref_slice %arg9[%run_scoped3A, %dma_start3A_91, %dma_start3A_92] : memref<4x64x128xf32, #tpu.memory_space<vmem>> -> memref<1x16x128xf32, #tpu.memory_space<vmem>>
        %dma_start3A_94 = tpu.memref_squeeze %dma_start3A_93 : memref<1x16x128xf32, #tpu.memory_space<vmem>> -> memref<16x128xf32, #tpu.memory_space<vmem>>
        tpu.enqueue_dma source(%dma_start3A_94 : memref<16x128xf32, #tpu.memory_space<vmem>>) target(%dma_start3A_90 : memref<16x128xf32, #tpu.memory_space<vmem_shared>>) target_semaphore(%run_scoped3A_80 : memref<!tpu.dma_semaphore, #tpu.memory_space<semaphore_mem>>)
        %dma_wait3A_95 = arith.constant 0 : i32
        %dma_wait3A_96 = arith.constant 0 : i32
        %dma_wait3A_97 = tpu.memref_slice %arg9[%run_scoped3A, %dma_wait3A_95, %dma_wait3A_96] : memref<4x64x128xf32, #tpu.memory_space<vmem>> -> memref<1x16x128xf32, #tpu.memory_space<vmem>>
        %dma_wait3A_98 = tpu.memref_squeeze %dma_wait3A_97 : memref<1x16x128xf32, #tpu.memory_space<vmem>> -> memref<16x128xf32, #tpu.memory_space<vmem>>
        %dma_wait3A_99 = arith.constant 9984 : i32
        %dma_wait3A_100 = arith.constant 0 : i32
        %dma_wait3A_101 = tpu.memref_slice %arg6[%dma_wait3A_99, %dma_wait3A_100] : memref<10128x128xf32, #tpu.memory_space<vmem_shared>> -> memref<16x128xf32, #tpu.memory_space<vmem_shared>>
        %dma_wait3A_102 = arith.constant 9984 : i32
        %dma_wait3A_103 = arith.constant 0 : i32
        %dma_wait3A_104 = tpu.memref_slice %arg6[%dma_wait3A_102, %dma_wait3A_103] : memref<10128x128xf32, #tpu.memory_space<vmem_shared>> -> memref<16x128xf32, #tpu.memory_space<vmem_shared>>
        %dma_wait3A_105 = arith.constant 0 : i32
        %dma_wait3A_106 = arith.constant 0 : i32
        %dma_wait3A_107 = tpu.memref_slice %arg9[%run_scoped3A, %dma_wait3A_105, %dma_wait3A_106] : memref<4x64x128xf32, #tpu.memory_space<vmem>> -> memref<1x16x128xf32, #tpu.memory_space<vmem>>
        %dma_wait3A_108 = tpu.memref_squeeze %dma_wait3A_107 : memref<1x16x128xf32, #tpu.memory_space<vmem>> -> memref<16x128xf32, #tpu.memory_space<vmem>>
        tpu.wait_dma2 semaphore(%run_scoped3A_80 : memref<!tpu.dma_semaphore, #tpu.memory_space<semaphore_mem>>) src(%dma_wait3A_108 : memref<16x128xf32, #tpu.memory_space<vmem>>) dst(%dma_wait3A_104 : memref<16x128xf32, #tpu.memory_space<vmem_shared>>)
        tpu.yield
      }) : () -> ()
    } else {
    }
    %scan3A_36 = arith.constant 0 : i32
    %scan3A_37 = arith.constant 0 : i32
    %scan3A_38 = arith.constant 0 : i32
    %scan3A_39 = arith.constant 64 : i32
    %scan3A_40 = arith.addi %scan3A_38, %scan3A_39 : i32
    %scan3A_41 = arith.constant 1 : i32
    %scan3A_42 = scf.for %scan3A_80 = %scan3A_38 to %scan3A_40 step %scan3A_41 iter_args(%scan3A_81 = %scan3A_37) -> (i32)  : i32 {
      %scan3A_82 = arith.constant 0 : i32
      %scan3A_83 = arith.constant 0 : i32
      %scan3A_84 = arith.constant 8 : i32
      %scan3A_85 = arith.addi %scan3A_83, %scan3A_84 : i32
      %scan3A_86 = arith.constant 1 : i32
      %scan3A_87 = scf.for %scan3A_90 = %scan3A_83 to %scan3A_85 step %scan3A_86 iter_args(%scan3A_91 = %scan3A_82) -> (i32)  : i32 {
        %broadcast_in_dim3A = arith.constant 1.000000e+00 : f32
        %broadcast_in_dim3A_92 = vector.broadcast %broadcast_in_dim3A : f32 to vector<16xf32>
        %mul3A_93 = arith.constant 16 : i32
        %mul3A_94 = arith.muli %scan3A_90, %mul3A_93 : i32
        %swap3A = arith.constant 0 : i32
        %swap3A_95 = arith.constant 0 : i32
        %swap3A_96 = tpu.memref_slice %arg9[%scan3A_36, %swap3A, %swap3A_95] : memref<4x64x128xf32, #tpu.memory_space<vmem>> -> memref<1x64x128xf32, #tpu.memory_space<vmem>>
        %swap3A_97 = tpu.memref_squeeze %swap3A_96 : memref<1x64x128xf32, #tpu.memory_space<vmem>> -> memref<64x128xf32, #tpu.memory_space<vmem>>
        %swap3A_98 = arith.index_cast %scan3A_80 : i32 to index
        %swap3A_99 = arith.index_cast %mul3A_94 : i32 to index
        %swap3A_100 = tpu.vector_load %swap3A_97[%swap3A_98, %swap3A_99] {strides = array<i32>} : memref<64x128xf32, #tpu.memory_space<vmem>>, vector<1x16xf32>,
        %swap3A_101 = vector.shape_cast %swap3A_100 : vector<1x16xf32> to vector<16xf32>
        %swap3A_102 = vector.shape_cast %broadcast_in_dim3A_92 : vector<16xf32> to vector<1x16xf32>
        tpu.vector_store %swap3A_97[%swap3A_98, %swap3A_99], %swap3A_102 {strides = array<i32>} : memref<64x128xf32, #tpu.memory_space<vmem>>, vector<1x16xf32>,
        %scan3A_103 = arith.constant 0 : i32
        scf.yield %scan3A_103 : i32
      }
      %scan3A_88 = arith.constant 8 : i32
      %scan3A_89 = arith.constant 0 : i32
      scf.yield %scan3A_89 : i32
    }
    %scan3A_43 = arith.constant 64 : i32
    %dma_wait3A = arith.constant 0 : i32
    %dma_wait3A_44 = arith.constant 0 : i32
    %dma_wait3A_45 = arith.constant 0 : i32
    %dma_wait3A_46 = arith.constant 0 : i32
    %dma_wait3A_47 = tpu.memref_slice %arg8[%dma_wait3A, %dma_wait3A_45, %dma_wait3A_46] : memref<2x16x64xi32, #tpu.memory_space<vmem>> -> memref<1x16x64xi32, #tpu.memory_space<vmem>>
    %dma_wait3A_48 = tpu.memref_squeeze %dma_wait3A_47 : memref<1x16x64xi32, #tpu.memory_space<vmem>> -> memref<16x64xi32, #tpu.memory_space<vmem>>
    %dma_wait3A_49 = arith.constant 0 : i32
    %dma_wait3A_50 = arith.constant 0 : i32
    %dma_wait3A_51 = tpu.memref_slice %arg3[%add3A, %dma_wait3A_49, %dma_wait3A_50] : memref<32x160x64xi32, #tpu.memory_space<hbm>> -> memref<1x16x64xi32, #tpu.memory_space<hbm>>
    %dma_wait3A_52 = tpu.memref_squeeze %dma_wait3A_51 : memref<1x16x64xi32, #tpu.memory_space<hbm>> -> memref<16x64xi32, #tpu.memory_space<hbm>>
    %dma_wait3A_53 = tpu.memref_slice %arg11[%dma_wait3A_44] : memref<2x!tpu.dma_semaphore, #tpu.memory_space<semaphore_mem>> -> memref<1x!tpu.dma_semaphore, #tpu.memory_space<semaphore_mem>>
    %dma_wait3A_54 = tpu.memref_squeeze %dma_wait3A_53 : memref<1x!tpu.dma_semaphore, #tpu.memory_space<semaphore_mem>> -> memref<!tpu.dma_semaphore, #tpu.memory_space<semaphore_mem>>
    %dma_wait3A_55 = arith.constant 0 : i32
    %dma_wait3A_56 = arith.constant 0 : i32
    %dma_wait3A_57 = tpu.memref_slice %arg8[%dma_wait3A, %dma_wait3A_55, %dma_wait3A_56] : memref<2x16x64xi32, #tpu.memory_space<vmem>> -> memref<1x16x64xi32, #tpu.memory_space<vmem>>
    %dma_wait3A_58 = tpu.memref_squeeze %dma_wait3A_57 : memref<1x16x64xi32, #tpu.memory_space<vmem>> -> memref<16x64xi32, #tpu.memory_space<vmem>>
    %dma_wait3A_59 = arith.constant 0 : i32
    %dma_wait3A_60 = arith.constant 0 : i32
    %dma_wait3A_61 = tpu.memref_slice %arg3[%add3A, %dma_wait3A_59, %dma_wait3A_60] : memref<32x160x64xi32, #tpu.memory_space<hbm>> -> memref<1x16x64xi32, #tpu.memory_space<hbm>>
    %dma_wait3A_62 = tpu.memref_squeeze %dma_wait3A_61 : memref<1x16x64xi32, #tpu.memory_space<hbm>> -> memref<16x64xi32, #tpu.memory_space<hbm>>
    tpu.wait_dma2 semaphore(%dma_wait3A_54 : memref<!tpu.dma_semaphore, #tpu.memory_space<semaphore_mem>>) src(%dma_wait3A_62 : memref<16x64xi32, #tpu.memory_space<hbm>>) dst(%dma_wait3A_58 : memref<16x64xi32, #tpu.memory_space<vmem>>)
    %barrier3A = arith.constant 0 : index
    tpu.barrier barrier_id(%barrier3A)
    %scan3A_63 = arith.constant 0 : i32
    %scan3A_64 = arith.constant 0 : i32
    %scan3A_65 = arith.constant 160 : i32
    %scan3A_66 = arith.addi %scan3A_64, %scan3A_65 : i32
    %scan3A_67 = arith.constant 1 : i32
    %scan3A_68 = scf.for %scan3A_80 = %scan3A_64 to %scan3A_66 step %scan3A_67 iter_args(%scan3A_81 = %scan3A_63) -> (i32)  : i32 {
      %jit3A = arith.constant 16 : i32
      %div3A = arith.divsi %scan3A_80, %jit3A : i32
      %sign3A = arith.constant 0 : i32
      %sign3A_82 = arith.cmpi sgt, %scan3A_80, %sign3A : i32
      %sign3A_83 = arith.extui %sign3A_82 : i1 to i32
      %sign3A_84 = arith.constant 0 : i32
      %sign3A_85 = arith.cmpi slt, %scan3A_80, %sign3A_84 : i32
      %sign3A_86 = arith.extui %sign3A_85 : i1 to i32
      %sign3A_87 = arith.subi %sign3A_83, %sign3A_86 : i32
      %sign3A_88 = arith.constant 0 : i32
      %sign3A_89 = arith.cmpi sgt, %jit3A, %sign3A_88 : i32
      %sign3A_90 = arith.extui %sign3A_89 : i1 to i32
      %sign3A_91 = arith.constant 0 : i32
      %sign3A_92 = arith.cmpi slt, %jit3A, %sign3A_91 : i32
      %sign3A_93 = arith.extui %sign3A_92 : i1 to i32
      %sign3A_94 = arith.subi %sign3A_90, %sign3A_93 : i32
      %ne3A = arith.cmpi ne, %sign3A_87, %sign3A_94 : i32
      %rem3A = arith.remsi %scan3A_80, %jit3A : i32
      %ne3A_95 = arith.constant 0 : i32
      %ne3A_96 = arith.cmpi ne, %rem3A, %ne3A_95 : i32
      %and3A = arith.andi %ne3A, %ne3A_96 : i1
      %sub3A = arith.constant 1 : i32
      %sub3A_97 = arith.subi %div3A, %sub3A : i32
      %select_n3A = arith.select %and3A, %sub3A_97, %div3A : i32
      %rem3A_98 = arith.constant 16 : i32
      %rem3A_99 = arith.remsi %scan3A_80, %rem3A_98 : i32
      %rem3A_100 = arith.constant 2 : i32
      %rem3A_101 = arith.remsi %select_n3A, %rem3A_100 : i32
      %rem3A_102 = arith.constant 4 : i32
      %rem3A_103 = arith.remsi %scan3A_80, %rem3A_102 : i32
      %eq3A_104 = arith.constant 0 : i32
      %eq3A_105 = arith.cmpi eq, %rem3A_99, %eq3A_104 : i32
      %add3A_106 = arith.constant 1 : i32
      %add3A_107 = arith.addi %select_n3A, %add3A_106 : i32
      %lt3A = arith.constant 10 : i32
      %lt3A_108 = arith.cmpi slt, %add3A_107, %lt3A : i32
      %and3A_109 = arith.andi %eq3A_105, %lt3A_108 : i1
      %convert_element_type3A_110 = arith.extui %and3A_109 : i1 to i32
      %cond3A_111 = arith.constant 0 : i32
      %cond3A_112 = arith.cmpi ne, %convert_element_type3A_110, %cond3A_111 : i32
      scf.if %cond3A_112 {
        %add3A_124 = arith.constant 1 : i32
        %add3A_125 = arith.addi %select_n3A, %add3A_124 : i32
        %sub3A_126 = arith.constant 1 : i32
        %sub3A_127 = arith.subi %sub3A_126, %rem3A_101 : i32
        %mul3A_128 = arith.constant 16 : i32
        %mul3A_129 = arith.muli %add3A_125, %mul3A_128 : i32
        %dma_start3A_130 = arith.constant 0 : i32
        %dma_start3A_131 = arith.constant 0 : i32
        %dma_start3A_132 = tpu.memref_slice %arg8[%sub3A_127, %dma_start3A_130, %dma_start3A_131] : memref<2x16x64xi32, #tpu.memory_space<vmem>> -> memref<1x16x64xi32, #tpu.memory_space<vmem>>
        %dma_start3A_133 = tpu.memref_squeeze %dma_start3A_132 : memref<1x16x64xi32, #tpu.memory_space<vmem>> -> memref<16x64xi32, #tpu.memory_space<vmem>>
        %dma_start3A_134 = arith.constant 0 : i32
        %dma_start3A_135 = tpu.memref_slice %arg3[%add3A, %mul3A_129, %dma_start3A_134] : memref<32x160x64xi32, #tpu.memory_space<hbm>> -> memref<1x16x64xi32, #tpu.memory_space<hbm>>
        %dma_start3A_136 = tpu.memref_squeeze %dma_start3A_135 : memref<1x16x64xi32, #tpu.memory_space<hbm>> -> memref<16x64xi32, #tpu.memory_space<hbm>>
        %dma_start3A_137 = tpu.memref_slice %arg11[%sub3A_127] : memref<2x!tpu.dma_semaphore, #tpu.memory_space<semaphore_mem>> -> memref<1x!tpu.dma_semaphore, #tpu.memory_space<semaphore_mem>>
        %dma_start3A_138 = tpu.memref_squeeze %dma_start3A_137 : memref<1x!tpu.dma_semaphore, #tpu.memory_space<semaphore_mem>> -> memref<!tpu.dma_semaphore, #tpu.memory_space<semaphore_mem>>
        %dma_start3A_139 = arith.constant 0 : i32
        %dma_start3A_140 = arith.constant 0 : i32
        %dma_start3A_141 = tpu.memref_slice %arg8[%sub3A_127, %dma_start3A_139, %dma_start3A_140] : memref<2x16x64xi32, #tpu.memory_space<vmem>> -> memref<1x16x64xi32, #tpu.memory_space<vmem>>
        %dma_start3A_142 = tpu.memref_squeeze %dma_start3A_141 : memref<1x16x64xi32, #tpu.memory_space<vmem>> -> memref<16x64xi32, #tpu.memory_space<vmem>>
        %dma_start3A_143 = arith.constant 0 : i32
        %dma_start3A_144 = tpu.memref_slice %arg3[%add3A, %mul3A_129, %dma_start3A_143] : memref<32x160x64xi32, #tpu.memory_space<hbm>> -> memref<1x16x64xi32, #tpu.memory_space<hbm>>
        %dma_start3A_145 = tpu.memref_squeeze %dma_start3A_144 : memref<1x16x64xi32, #tpu.memory_space<hbm>> -> memref<16x64xi32, #tpu.memory_space<hbm>>
        tpu.enqueue_dma source(%dma_start3A_145 : memref<16x64xi32, #tpu.memory_space<hbm>>) target(%dma_start3A_142 : memref<16x64xi32, #tpu.memory_space<vmem>>) target_semaphore(%dma_start3A_138 : memref<!tpu.dma_semaphore, #tpu.memory_space<semaphore_mem>>)
      } else {
      }
      %eq3A_113 = arith.constant 12 : i32
      %eq3A_114 = arith.cmpi eq, %rem3A_99, %eq3A_113 : i32
      %add3A_115 = arith.constant 1 : i32
      %add3A_116 = arith.addi %select_n3A, %add3A_115 : i32
      %lt3A_117 = arith.constant 10 : i32
      %lt3A_118 = arith.cmpi slt, %add3A_116, %lt3A_117 : i32
      %and3A_119 = arith.andi %eq3A_114, %lt3A_118 : i1
      %convert_element_type3A_120 = arith.extui %and3A_119 : i1 to i32
      %cond3A_121 = arith.constant 0 : i32
      %cond3A_122 = arith.cmpi ne, %convert_element_type3A_120, %cond3A_121 : i32
      scf.if %cond3A_122 {
        %sub3A_124 = arith.constant 1 : i32
        %sub3A_125 = arith.subi %sub3A_124, %rem3A_101 : i32
        %dma_wait3A_126 = arith.constant 0 : i32
        %dma_wait3A_127 = arith.constant 0 : i32
        %dma_wait3A_128 = tpu.memref_slice %arg8[%sub3A_125, %dma_wait3A_126, %dma_wait3A_127] : memref<2x16x64xi32, #tpu.memory_space<vmem>> -> memref<1x16x64xi32, #tpu.memory_space<vmem>>
        %dma_wait3A_129 = tpu.memref_squeeze %dma_wait3A_128 : memref<1x16x64xi32, #tpu.memory_space<vmem>> -> memref<16x64xi32, #tpu.memory_space<vmem>>
        %dma_wait3A_130 = arith.constant 0 : i32
        %dma_wait3A_131 = arith.constant 0 : i32
        %dma_wait3A_132 = tpu.memref_slice %arg3[%add3A, %dma_wait3A_130, %dma_wait3A_131] : memref<32x160x64xi32, #tpu.memory_space<hbm>> -> memref<1x16x64xi32, #tpu.memory_space<hbm>>
        %dma_wait3A_133 = tpu.memref_squeeze %dma_wait3A_132 : memref<1x16x64xi32, #tpu.memory_space<hbm>> -> memref<16x64xi32, #tpu.memory_space<hbm>>
        %dma_wait3A_134 = tpu.memref_slice %arg11[%sub3A_125] : memref<2x!tpu.dma_semaphore, #tpu.memory_space<semaphore_mem>> -> memref<1x!tpu.dma_semaphore, #tpu.memory_space<semaphore_mem>>
        %dma_wait3A_135 = tpu.memref_squeeze %dma_wait3A_134 : memref<1x!tpu.dma_semaphore, #tpu.memory_space<semaphore_mem>> -> memref<!tpu.dma_semaphore, #tpu.memory_space<semaphore_mem>>
        %dma_wait3A_136 = arith.constant 0 : i32
        %dma_wait3A_137 = arith.constant 0 : i32
        %dma_wait3A_138 = tpu.memref_slice %arg8[%sub3A_125, %dma_wait3A_136, %dma_wait3A_137] : memref<2x16x64xi32, #tpu.memory_space<vmem>> -> memref<1x16x64xi32, #tpu.memory_space<vmem>>
        %dma_wait3A_139 = tpu.memref_squeeze %dma_wait3A_138 : memref<1x16x64xi32, #tpu.memory_space<vmem>> -> memref<16x64xi32, #tpu.memory_space<vmem>>
        %dma_wait3A_140 = arith.constant 0 : i32
        %dma_wait3A_141 = arith.constant 0 : i32
        %dma_wait3A_142 = tpu.memref_slice %arg3[%add3A, %dma_wait3A_140, %dma_wait3A_141] : memref<32x160x64xi32, #tpu.memory_space<hbm>> -> memref<1x16x64xi32, #tpu.memory_space<hbm>>
        %dma_wait3A_143 = tpu.memref_squeeze %dma_wait3A_142 : memref<1x16x64xi32, #tpu.memory_space<hbm>> -> memref<16x64xi32, #tpu.memory_space<hbm>>
        tpu.wait_dma2 semaphore(%dma_wait3A_135 : memref<!tpu.dma_semaphore, #tpu.memory_space<semaphore_mem>>) src(%dma_wait3A_143 : memref<16x64xi32, #tpu.memory_space<hbm>>) dst(%dma_wait3A_139 : memref<16x64xi32, #tpu.memory_space<vmem>>)
      } else {
      }
      %run_scoped3A = arith.constant 0 : i32
      "tpu.region"() ({
        %run_scoped3A_124 = tpu.sem_alloc : memref<!tpu.dma_semaphore, #tpu.memory_space<semaphore_mem>>
        %dma_start3A_125 = arith.constant 0 : i32
        %dma_start3A_126 = arith.constant 0 : i32
        %dma_start3A_127 = tpu.memref_slice %arg9[%run_scoped3A, %dma_start3A_125, %dma_start3A_126] : memref<4x64x128xf32, #tpu.memory_space<vmem>> -> memref<1x64x128xf32, #tpu.memory_space<vmem>>
        %dma_start3A_128 = tpu.memref_squeeze %dma_start3A_127 : memref<1x64x128xf32, #tpu.memory_space<vmem>> -> memref<64x128xf32, #tpu.memory_space<vmem>>
        %dma_start3A_129 = arith.constant 0 : i32
        %dma_start3A_130 = tpu.memref_slice %arg8[%rem3A_101, %rem3A_99, %dma_start3A_129] : memref<2x16x64xi32, #tpu.memory_space<vmem>> -> memref<1x1x64xi32, #tpu.memory_space<vmem>>
        %dma_start3A_131 = tpu.memref_squeeze %dma_start3A_130 : memref<1x1x64xi32, #tpu.memory_space<vmem>> -> memref<64xi32, #tpu.memory_space<vmem>>
        %dma_start3A_132 = arith.constant 0 : i32
        %dma_start3A_133 = arith.constant 0 : i32
        %dma_start3A_134 = tpu.memref_slice %arg6[%dma_start3A_132, %dma_start3A_133] : memref<10128x128xf32, #tpu.memory_space<vmem_shared>> -> memref<10128x128xf32, #tpu.memory_space<vmem_shared>>
        tpu.enqueue_indirect_dma source(%dma_start3A_128 : memref<64x128xf32, #tpu.memory_space<vmem>>) target(%dma_start3A_134 : memref<10128x128xf32, #tpu.memory_space<vmem_shared>>) offsets(%dma_start3A_131 : memref<64xi32, #tpu.memory_space<vmem>>) semaphore(%run_scoped3A_124 : memref<!tpu.dma_semaphore, #tpu.memory_space<semaphore_mem>>) {add = true}
        %dma_wait3A_135 = arith.constant 0 : i32
        %dma_wait3A_136 = arith.constant 0 : i32
        %dma_wait3A_137 = tpu.memref_slice %arg9[%run_scoped3A, %dma_wait3A_135, %dma_wait3A_136] : memref<4x64x128xf32, #tpu.memory_space<vmem>> -> memref<1x64x128xf32, #tpu.memory_space<vmem>>
        %dma_wait3A_138 = tpu.memref_squeeze %dma_wait3A_137 : memref<1x64x128xf32, #tpu.memory_space<vmem>> -> memref<64x128xf32, #tpu.memory_space<vmem>>
        %dma_wait3A_139 = arith.constant 0 : i32
        %dma_wait3A_140 = tpu.memref_slice %arg8[%rem3A_101, %rem3A_99, %dma_wait3A_139] : memref<2x16x64xi32, #tpu.memory_space<vmem>> -> memref<1x1x64xi32, #tpu.memory_space<vmem>>
        %dma_wait3A_141 = tpu.memref_squeeze %dma_wait3A_140 : memref<1x1x64xi32, #tpu.memory_space<vmem>> -> memref<64xi32, #tpu.memory_space<vmem>>
        %dma_wait3A_142 = arith.constant 0 : i32
        %dma_wait3A_143 = arith.constant 0 : i32
        %dma_wait3A_144 = tpu.memref_slice %arg6[%dma_wait3A_142, %dma_wait3A_143] : memref<10128x128xf32, #tpu.memory_space<vmem_shared>> -> memref<10128x128xf32, #tpu.memory_space<vmem_shared>>
        tpu.wait_indirect_dma semaphore(%run_scoped3A_124 : memref<!tpu.dma_semaphore, #tpu.memory_space<semaphore_mem>>) src(%dma_wait3A_138 : memref<64x128xf32, #tpu.memory_space<vmem>>) dst(%dma_wait3A_144 : memref<10128x128xf32, #tpu.memory_space<vmem_shared>>)
        tpu.yield
      }) : () -> ()
      %scan3A_123 = arith.constant 0 : i32
      scf.yield %scan3A_123 : i32
    }
    %scan3A_69 = arith.constant 160 : i32
    %barrier3A_70 = arith.constant 0 : index
    tpu.barrier barrier_id(%barrier3A_70)
    %mul3A_71 = arith.constant 624 : i32
    %mul3A_72 = arith.muli %arg1, %mul3A_71 : i32
    %mul3A_73 = arith.constant 624 : i32
    %mul3A_74 = arith.muli %arg1, %mul3A_73 : i32
    "tpu.region"() ({
      %run_scoped3A = tpu.sem_alloc : memref<!tpu.dma_semaphore, #tpu.memory_space<semaphore_mem>>
      %dma_start3A_80 = arith.constant 0 : i32
      %dma_start3A_81 = tpu.memref_slice %arg5[%arg0, %mul3A_74, %dma_start3A_80] : memref<2x10000x128xf32, #tpu.memory_space<hbm>> -> memref<1x624x128xf32, #tpu.memory_space<hbm>>
      %dma_start3A_82 = tpu.memref_squeeze %dma_start3A_81 : memref<1x624x128xf32, #tpu.memory_space<hbm>> -> memref<624x128xf32, #tpu.memory_space<hbm>>
      %dma_start3A_83 = arith.constant 0 : i32
      %dma_start3A_84 = tpu.memref_slice %arg6[%mul3A_72, %dma_start3A_83] : memref<10128x128xf32, #tpu.memory_space<vmem_shared>> -> memref<624x128xf32, #tpu.memory_space<vmem_shared>>
      tpu.enqueue_dma source(%dma_start3A_84 : memref<624x128xf32, #tpu.memory_space<vmem_shared>>) target(%dma_start3A_82 : memref<624x128xf32, #tpu.memory_space<hbm>>) target_semaphore(%run_scoped3A : memref<!tpu.dma_semaphore, #tpu.memory_space<semaphore_mem>>)
      %dma_wait3A_85 = arith.constant 0 : i32
      %dma_wait3A_86 = tpu.memref_slice %arg5[%arg0, %mul3A_74, %dma_wait3A_85] : memref<2x10000x128xf32, #tpu.memory_space<hbm>> -> memref<1x624x128xf32, #tpu.memory_space<hbm>>
      %dma_wait3A_87 = tpu.memref_squeeze %dma_wait3A_86 : memref<1x624x128xf32, #tpu.memory_space<hbm>> -> memref<624x128xf32, #tpu.memory_space<hbm>>
      %dma_wait3A_88 = arith.constant 0 : i32
      %dma_wait3A_89 = tpu.memref_slice %arg6[%mul3A_72, %dma_wait3A_88] : memref<10128x128xf32, #tpu.memory_space<vmem_shared>> -> memref<624x128xf32, #tpu.memory_space<vmem_shared>>
      tpu.wait_dma2 semaphore(%run_scoped3A : memref<!tpu.dma_semaphore, #tpu.memory_space<semaphore_mem>>) src(%dma_wait3A_89 : memref<624x128xf32, #tpu.memory_space<vmem_shared>>) dst(%dma_wait3A_87 : memref<624x128xf32, #tpu.memory_space<hbm>>)
      tpu.yield
    }) : () -> ()
    %eq3A_75 = arith.constant 0 : i32
    %eq3A_76 = arith.cmpi eq, %arg1, %eq3A_75 : i32
    %convert_element_type3A_77 = arith.extui %eq3A_76 : i1 to i32
    %cond3A_78 = arith.constant 0 : i32
    %cond3A_79 = arith.cmpi ne, %convert_element_type3A_77, %cond3A_78 : i32
    scf.if %cond3A_79 {
      "tpu.region"() ({
        %run_scoped3A = tpu.sem_alloc : memref<!tpu.dma_semaphore, #tpu.memory_space<semaphore_mem>>
        %dma_start3A_80 = arith.constant 9984 : i32
        %dma_start3A_81 = arith.constant 0 : i32
        %dma_start3A_82 = tpu.memref_slice %arg5[%arg0, %dma_start3A_80, %dma_start3A_81] : memref<2x10000x128xf32, #tpu.memory_space<hbm>> -> memref<1x16x128xf32, #tpu.memory_space<hbm>>
        %dma_start3A_83 = tpu.memref_squeeze %dma_start3A_82 : memref<1x16x128xf32, #tpu.memory_space<hbm>> -> memref<16x128xf32, #tpu.memory_space<hbm>>
        %dma_start3A_84 = arith.constant 9984 : i32
        %dma_start3A_85 = arith.constant 0 : i32
        %dma_start3A_86 = tpu.memref_slice %arg6[%dma_start3A_84, %dma_start3A_85] : memref<10128x128xf32, #tpu.memory_space<vmem_shared>> -> memref<16x128xf32, #tpu.memory_space<vmem_shared>>
        tpu.enqueue_dma source(%dma_start3A_86 : memref<16x128xf32, #tpu.memory_space<vmem_shared>>) target(%dma_start3A_83 : memref<16x128xf32, #tpu.memory_space<hbm>>) target_semaphore(%run_scoped3A : memref<!tpu.dma_semaphore, #tpu.memory_space<semaphore_mem>>)
        %dma_wait3A_87 = arith.constant 9984 : i32
        %dma_wait3A_88 = arith.constant 0 : i32
        %dma_wait3A_89 = tpu.memref_slice %arg5[%arg0, %dma_wait3A_87, %dma_wait3A_88] : memref<2x10000x128xf32, #tpu.memory_space<hbm>> -> memref<1x16x128xf32, #tpu.memory_space<hbm>>
        %dma_wait3A_90 = tpu.memref_squeeze %dma_wait3A_89 : memref<1x16x128xf32, #tpu.memory_space<hbm>> -> memref<16x128xf32, #tpu.memory_space<hbm>>
        %dma_wait3A_91 = arith.constant 9984 : i32
        %dma_wait3A_92 = arith.constant 0 : i32
        %dma_wait3A_93 = tpu.memref_slice %arg6[%dma_wait3A_91, %dma_wait3A_92] : memref<10128x128xf32, #tpu.memory_space<vmem_shared>> -> memref<16x128xf32, #tpu.memory_space<vmem_shared>>
        tpu.wait_dma2 semaphore(%run_scoped3A : memref<!tpu.dma_semaphore, #tpu.memory_space<semaphore_mem>>) src(%dma_wait3A_93 : memref<16x128xf32, #tpu.memory_space<vmem_shared>>) dst(%dma_wait3A_90 : memref<16x128xf32, #tpu.memory_space<hbm>>)
        tpu.yield
      }) : () -> ()
    } else {
    }
    return
  }
}

#map = affine_map<(d0, d1) -> (0, 0, 0)>
#map1 = affine_map<(d0, d1) -> (0, 0)>
module attributes {stable_mosaic.version = 14 : i64} {
  func.func @k(%arg0: i32, %arg1: i32, %arg2: memref<32x160x64xi32, #tpu.memory_space<hbm>>, %arg3: memref<32x160x64xi32, #tpu.memory_space<hbm>>, %arg4: memref<10000x128xf32, #tpu.memory_space<hbm>>, %arg5: memref<2x10000x128xf32, #tpu.memory_space<hbm>>, %arg6: memref<10128x128xf32, #tpu.memory_space<vmem_shared>>, %arg7: memref<2x16x64xi32, #tpu.memory_space<vmem>>, %arg8: memref<2x16x64xi32, #tpu.memory_space<vmem>>, %arg9: memref<4x64x128xf32, #tpu.memory_space<vmem>>, %arg10: memref<4x!tpu.dma_semaphore, #tpu.memory_space<semaphore_mem>>, %arg11: memref<2x!tpu.dma_semaphore, #tpu.memory_space<semaphore_mem>>) attributes {dimension_semantics = [#tpu.dimension_semantics<core_parallel>, #tpu.dimension_semantics<subcore_parallel>], iteration_bounds = array<i64: 2, 16>, scalar_prefetch = 0 : i64, scratch_operands = 6 : i64, tpu.core_type = #tpu.core_type<sc_vector_subcore>, window_params = [{transform_indices = #map}, {transform_indices = #map}, {transform_indices = #map1}, {transform_indices = #map}]} {
    %mul3A = arith.constant 16 : i32
    %mul3A_0 = arith.muli %arg0, %mul3A : i32
    %add3A = arith.addi %mul3A_0, %arg1 : i32
    %dma_start3A = arith.constant 0 : i32
    %dma_start3A_1 = arith.constant 0 : i32
    %dma_start3A_2 = arith.constant 0 : i32
    %dma_start3A_3 = arith.constant 0 : i32
    %dma_start3A_4 = tpu.memref_slice %arg7[%dma_start3A, %dma_start3A_2, %dma_start3A_3] : memref<2x16x64xi32, #tpu.memory_space<vmem>> -> memref<1x16x64xi32, #tpu.memory_space<vmem>>
    %dma_start3A_5 = tpu.memref_squeeze %dma_start3A_4 : memref<1x16x64xi32, #tpu.memory_space<vmem>> -> memref<16x64xi32, #tpu.memory_space<vmem>>
    %dma_start3A_6 = arith.constant 0 : i32
    %dma_start3A_7 = arith.constant 0 : i32
    %dma_start3A_8 = tpu.memref_slice %arg2[%add3A, %dma_start3A_6, %dma_start3A_7] : memref<32x160x64xi32, #tpu.memory_space<hbm>> -> memref<1x16x64xi32, #tpu.memory_space<hbm>>
    %dma_start3A_9 = tpu.memref_squeeze %dma_start3A_8 : memref<1x16x64xi32, #tpu.memory_space<hbm>> -> memref<16x64xi32, #tpu.memory_space<hbm>>
    %dma_start3A_10 = tpu.memref_slice %arg11[%dma_start3A_1] : memref<2x!tpu.dma_semaphore, #tpu.memory_space<semaphore_mem>> -> memref<1x!tpu.dma_semaphore, #tpu.memory_space<semaphore_mem>>
    %dma_start3A_11 = tpu.memref_squeeze %dma_start3A_10 : memref<1x!tpu.dma_semaphore, #tpu.memory_space<semaphore_mem>> -> memref<!tpu.dma_semaphore, #tpu.memory_space<semaphore_mem>>
    %dma_start3A_12 = arith.constant 0 : i32
    %dma_start3A_13 = arith.constant 0 : i32
    %dma_start3A_14 = tpu.memref_slice %arg7[%dma_start3A, %dma_start3A_12, %dma_start3A_13] : memref<2x16x64xi32, #tpu.memory_space<vmem>> -> memref<1x16x64xi32, #tpu.memory_space<vmem>>
    %dma_start3A_15 = tpu.memref_squeeze %dma_start3A_14 : memref<1x16x64xi32, #tpu.memory_space<vmem>> -> memref<16x64xi32, #tpu.memory_space<vmem>>
    %dma_start3A_16 = arith.constant 0 : i32
    %dma_start3A_17 = arith.constant 0 : i32
    %dma_start3A_18 = tpu.memref_slice %arg2[%add3A, %dma_start3A_16, %dma_start3A_17] : memref<32x160x64xi32, #tpu.memory_space<hbm>> -> memref<1x16x64xi32, #tpu.memory_space<hbm>>
    %dma_start3A_19 = tpu.memref_squeeze %dma_start3A_18 : memref<1x16x64xi32, #tpu.memory_space<hbm>> -> memref<16x64xi32, #tpu.memory_space<hbm>>
    tpu.enqueue_dma source(%dma_start3A_19 : memref<16x64xi32, #tpu.memory_space<hbm>>) target(%dma_start3A_15 : memref<16x64xi32, #tpu.memory_space<vmem>>) target_semaphore(%dma_start3A_11 : memref<!tpu.dma_semaphore, #tpu.memory_space<semaphore_mem>>)
    %dma_start3A_20 = arith.constant 0 : i32
    %dma_start3A_21 = arith.constant 0 : i32
    %dma_start3A_22 = arith.constant 0 : i32
    %dma_start3A_23 = arith.constant 0 : i32
    %dma_start3A_24 = tpu.memref_slice %arg8[%dma_start3A_20, %dma_start3A_22, %dma_start3A_23] : memref<2x16x64xi32, #tpu.memory_space<vmem>> -> memref<1x16x64xi32, #tpu.memory_space<vmem>>
    %dma_start3A_25 = tpu.memref_squeeze %dma_start3A_24 : memref<1x16x64xi32, #tpu.memory_space<vmem>> -> memref<16x64xi32, #tpu.memory_space<vmem>>
    %dma_start3A_26 = arith.constant 0 : i32
    %dma_start3A_27 = arith.constant 0 : i32
    %dma_start3A_28 = tpu.memref_slice %arg3[%add3A, %dma_start3A_26, %dma_start3A_27] : memref<32x160x64xi32, #tpu.memory_space<hbm>> -> memref<1x16x64xi32, #tpu.memory_space<hbm>>
    %dma_start3A_29 = tpu.memref_squeeze %dma_start3A_28 : memref<1x16x64xi32, #tpu.memory_space<hbm>> -> memref<16x64xi32, #tpu.memory_space<hbm>>
    %dma_start3A_30 = tpu.memref_slice %arg11[%dma_start3A_21] : memref<2x!tpu.dma_semaphore, #tpu.memory_space<semaphore_mem>> -> memref<1x!tpu.dma_semaphore, #tpu.memory_space<semaphore_mem>>
    %dma_start3A_31 = tpu.memref_squeeze %dma_start3A_30 : memref<1x!tpu.dma_semaphore, #tpu.memory_space<semaphore_mem>> -> memref<!tpu.dma_semaphore, #tpu.memory_space<semaphore_mem>>
    %dma_start3A_32 = arith.constant 0 : i32
    %dma_start3A_33 = arith.constant 0 : i32
    %dma_start3A_34 = tpu.memref_slice %arg8[%dma_start3A_20, %dma_start3A_32, %dma_start3A_33] : memref<2x16x64xi32, #tpu.memory_space<vmem>> -> memref<1x16x64xi32, #tpu.memory_space<vmem>>
    %dma_start3A_35 = tpu.memref_squeeze %dma_start3A_34 : memref<1x16x64xi32, #tpu.memory_space<vmem>> -> memref<16x64xi32, #tpu.memory_space<vmem>>
    %dma_start3A_36 = arith.constant 0 : i32
    %dma_start3A_37 = arith.constant 0 : i32
    %dma_start3A_38 = tpu.memref_slice %arg3[%add3A, %dma_start3A_36, %dma_start3A_37] : memref<32x160x64xi32, #tpu.memory_space<hbm>> -> memref<1x16x64xi32, #tpu.memory_space<hbm>>
    %dma_start3A_39 = tpu.memref_squeeze %dma_start3A_38 : memref<1x16x64xi32, #tpu.memory_space<hbm>> -> memref<16x64xi32, #tpu.memory_space<hbm>>
    tpu.enqueue_dma source(%dma_start3A_39 : memref<16x64xi32, #tpu.memory_space<hbm>>) target(%dma_start3A_35 : memref<16x64xi32, #tpu.memory_space<vmem>>) target_semaphore(%dma_start3A_31 : memref<!tpu.dma_semaphore, #tpu.memory_space<semaphore_mem>>)
    %scan3A = arith.constant 0 : i32
    %scan3A_40 = arith.constant 0 : i32
    %scan3A_41 = arith.constant 0 : i32
    %scan3A_42 = arith.constant 16 : i32
    %scan3A_43 = arith.addi %scan3A_41, %scan3A_42 : i32
    %scan3A_44 = arith.constant 1 : i32
    %scan3A_45 = scf.for %scan3A_183 = %scan3A_41 to %scan3A_43 step %scan3A_44 iter_args(%scan3A_184 = %scan3A_40) -> (i32)  : i32 {
      %scan3A_185 = arith.constant 0 : i32
      %scan3A_186 = arith.constant 0 : i32
      %scan3A_187 = arith.constant 8 : i32
      %scan3A_188 = arith.addi %scan3A_186, %scan3A_187 : i32
      %scan3A_189 = arith.constant 1 : i32
      %scan3A_190 = scf.for %scan3A_193 = %scan3A_186 to %scan3A_188 step %scan3A_189 iter_args(%scan3A_194 = %scan3A_185) -> (i32)  : i32 {
        %broadcast_in_dim3A = arith.constant 0.000000e+00 : f32
        %broadcast_in_dim3A_195 = vector.broadcast %broadcast_in_dim3A : f32 to vector<16xf32>
        %mul3A_196 = arith.constant 16 : i32
        %mul3A_197 = arith.muli %scan3A_193, %mul3A_196 : i32
        %swap3A = arith.constant 0 : i32
        %swap3A_198 = arith.constant 0 : i32
        %swap3A_199 = tpu.memref_slice %arg9[%scan3A, %swap3A, %swap3A_198] : memref<4x64x128xf32, #tpu.memory_space<vmem>> -> memref<1x64x128xf32, #tpu.memory_space<vmem>>
        %swap3A_200 = tpu.memref_squeeze %swap3A_199 : memref<1x64x128xf32, #tpu.memory_space<vmem>> -> memref<64x128xf32, #tpu.memory_space<vmem>>
        %swap3A_201 = arith.index_cast %scan3A_183 : i32 to index
        %swap3A_202 = arith.index_cast %mul3A_197 : i32 to index
        %swap3A_203 = tpu.vector_load %swap3A_200[%swap3A_201, %swap3A_202] {strides = array<i32>} : memref<64x128xf32, #tpu.memory_space<vmem>>, vector<1x16xf32>,
        %swap3A_204 = vector.shape_cast %swap3A_203 : vector<1x16xf32> to vector<16xf32>
        %swap3A_205 = vector.shape_cast %broadcast_in_dim3A_195 : vector<16xf32> to vector<1x16xf32>
        tpu.vector_store %swap3A_200[%swap3A_201, %swap3A_202], %swap3A_205 {strides = array<i32>} : memref<64x128xf32, #tpu.memory_space<vmem>>, vector<1x16xf32>,
        %scan3A_206 = arith.constant 0 : i32
        scf.yield %scan3A_206 : i32
      }
      %scan3A_191 = arith.constant 8 : i32
      %scan3A_192 = arith.constant 0 : i32
      scf.yield %scan3A_192 : i32
    }
    %scan3A_46 = arith.constant 16 : i32
    %scan3A_47 = arith.constant 0 : i32
    %scan3A_48 = arith.constant 0 : i32
    %scan3A_49 = arith.constant 39 : i32
    %scan3A_50 = arith.addi %scan3A_48, %scan3A_49 : i32
    %scan3A_51 = arith.constant 1 : i32
    %scan3A_52 = scf.for %scan3A_183 = %scan3A_48 to %scan3A_50 step %scan3A_51 iter_args(%scan3A_184 = %scan3A_47) -> (i32)  : i32 {
      %mul3A_185 = arith.constant 624 : i32
      %mul3A_186 = arith.muli %arg1, %mul3A_185 : i32
      %mul3A_187 = arith.constant 16 : i32
      %mul3A_188 = arith.muli %scan3A_183, %mul3A_187 : i32
      %add3A_189 = arith.addi %mul3A_186, %mul3A_188 : i32
      %run_scoped3A = arith.constant 0 : i32
      "tpu.region"() ({
        %run_scoped3A_191 = tpu.sem_alloc : memref<!tpu.dma_semaphore, #tpu.memory_space<semaphore_mem>>
        %dma_start3A_192 = arith.constant 0 : i32
        %dma_start3A_193 = arith.constant 0 : i32
        %dma_start3A_194 = tpu.memref_slice %arg9[%run_scoped3A, %dma_start3A_192, %dma_start3A_193] : memref<4x64x128xf32, #tpu.memory_space<vmem>> -> memref<1x16x128xf32, #tpu.memory_space<vmem>>
        %dma_start3A_195 = tpu.memref_squeeze %dma_start3A_194 : memref<1x16x128xf32, #tpu.memory_space<vmem>> -> memref<16x128xf32, #tpu.memory_space<vmem>>
        %dma_start3A_196 = arith.constant 0 : i32
        %dma_start3A_197 = tpu.memref_slice %arg6[%add3A_189, %dma_start3A_196] : memref<10128x128xf32, #tpu.memory_space<vmem_shared>> -> memref<16x128xf32, #tpu.memory_space<vmem_shared>>
        %dma_start3A_198 = arith.constant 0 : i32
        %dma_start3A_199 = tpu.memref_slice %arg6[%add3A_189, %dma_start3A_198] : memref<10128x128xf32, #tpu.memory_space<vmem_shared>> -> memref<16x128xf32, #tpu.memory_space<vmem_shared>>
        %dma_start3A_200 = arith.constant 0 : i32
        %dma_start3A_201 = arith.constant 0 : i32
        %dma_start3A_202 = tpu.memref_slice %arg9[%run_scoped3A, %dma_start3A_200, %dma_start3A_201] : memref<4x64x128xf32, #tpu.memory_space<vmem>> -> memref<1x16x128xf32, #tpu.memory_space<vmem>>
        %dma_start3A_203 = tpu.memref_squeeze %dma_start3A_202 : memref<1x16x128xf32, #tpu.memory_space<vmem>> -> memref<16x128xf32, #tpu.memory_space<vmem>>
        tpu.enqueue_dma source(%dma_start3A_203 : memref<16x128xf32, #tpu.memory_space<vmem>>) target(%dma_start3A_199 : memref<16x128xf32, #tpu.memory_space<vmem_shared>>) target_semaphore(%run_scoped3A_191 : memref<!tpu.dma_semaphore, #tpu.memory_space<semaphore_mem>>)
        %dma_wait3A_204 = arith.constant 0 : i32
        %dma_wait3A_205 = arith.constant 0 : i32
        %dma_wait3A_206 = tpu.memref_slice %arg9[%run_scoped3A, %dma_wait3A_204, %dma_wait3A_205] : memref<4x64x128xf32, #tpu.memory_space<vmem>> -> memref<1x16x128xf32, #tpu.memory_space<vmem>>
        %dma_wait3A_207 = tpu.memref_squeeze %dma_wait3A_206 : memref<1x16x128xf32, #tpu.memory_space<vmem>> -> memref<16x128xf32, #tpu.memory_space<vmem>>
        %dma_wait3A_208 = arith.constant 0 : i32
        %dma_wait3A_209 = tpu.memref_slice %arg6[%add3A_189, %dma_wait3A_208] : memref<10128x128xf32, #tpu.memory_space<vmem_shared>> -> memref<16x128xf32, #tpu.memory_space<vmem_shared>>
        %dma_wait3A_210 = arith.constant 0 : i32
        %dma_wait3A_211 = tpu.memref_slice %arg6[%add3A_189, %dma_wait3A_210] : memref<10128x128xf32, #tpu.memory_space<vmem_shared>> -> memref<16x128xf32, #tpu.memory_space<vmem_shared>>
        %dma_wait3A_212 = arith.constant 0 : i32
        %dma_wait3A_213 = arith.constant 0 : i32
        %dma_wait3A_214 = tpu.memref_slice %arg9[%run_scoped3A, %dma_wait3A_212, %dma_wait3A_213] : memref<4x64x128xf32, #tpu.memory_space<vmem>> -> memref<1x16x128xf32, #tpu.memory_space<vmem>>
        %dma_wait3A_215 = tpu.memref_squeeze %dma_wait3A_214 : memref<1x16x128xf32, #tpu.memory_space<vmem>> -> memref<16x128xf32, #tpu.memory_space<vmem>>
        tpu.wait_dma2 semaphore(%run_scoped3A_191 : memref<!tpu.dma_semaphore, #tpu.memory_space<semaphore_mem>>) src(%dma_wait3A_215 : memref<16x128xf32, #tpu.memory_space<vmem>>) dst(%dma_wait3A_211 : memref<16x128xf32, #tpu.memory_space<vmem_shared>>)
        tpu.yield
      }) : () -> ()
      %scan3A_190 = arith.constant 0 : i32
      scf.yield %scan3A_190 : i32
    }
    %scan3A_53 = arith.constant 39 : i32
    %eq3A = arith.constant 0 : i32
    %eq3A_54 = arith.cmpi eq, %arg1, %eq3A : i32
    %convert_element_type3A = arith.extui %eq3A_54 : i1 to i32
    %cond3A = arith.constant 0 : i32
    %cond3A_55 = arith.cmpi ne, %convert_element_type3A, %cond3A : i32
    scf.if %cond3A_55 {
      %run_scoped3A = arith.constant 0 : i32
      "tpu.region"() ({
        %run_scoped3A_183 = tpu.sem_alloc : memref<!tpu.dma_semaphore, #tpu.memory_space<semaphore_mem>>
        %dma_start3A_184 = arith.constant 0 : i32
        %dma_start3A_185 = arith.constant 0 : i32
        %dma_start3A_186 = tpu.memref_slice %arg9[%run_scoped3A, %dma_start3A_184, %dma_start3A_185] : memref<4x64x128xf32, #tpu.memory_space<vmem>> -> memref<1x16x128xf32, #tpu.memory_space<vmem>>
        %dma_start3A_187 = tpu.memref_squeeze %dma_start3A_186 : memref<1x16x128xf32, #tpu.memory_space<vmem>> -> memref<16x128xf32, #tpu.memory_space<vmem>>
        %dma_start3A_188 = arith.constant 9984 : i32
        %dma_start3A_189 = arith.constant 0 : i32
        %dma_start3A_190 = tpu.memref_slice %arg6[%dma_start3A_188, %dma_start3A_189] : memref<10128x128xf32, #tpu.memory_space<vmem_shared>> -> memref<16x128xf32, #tpu.memory_space<vmem_shared>>
        %dma_start3A_191 = arith.constant 9984 : i32
        %dma_start3A_192 = arith.constant 0 : i32
        %dma_start3A_193 = tpu.memref_slice %arg6[%dma_start3A_191, %dma_start3A_192] : memref<10128x128xf32, #tpu.memory_space<vmem_shared>> -> memref<16x128xf32, #tpu.memory_space<vmem_shared>>
        %dma_start3A_194 = arith.constant 0 : i32
        %dma_start3A_195 = arith.constant 0 : i32
        %dma_start3A_196 = tpu.memref_slice %arg9[%run_scoped3A, %dma_start3A_194, %dma_start3A_195] : memref<4x64x128xf32, #tpu.memory_space<vmem>> -> memref<1x16x128xf32, #tpu.memory_space<vmem>>
        %dma_start3A_197 = tpu.memref_squeeze %dma_start3A_196 : memref<1x16x128xf32, #tpu.memory_space<vmem>> -> memref<16x128xf32, #tpu.memory_space<vmem>>
        tpu.enqueue_dma source(%dma_start3A_197 : memref<16x128xf32, #tpu.memory_space<vmem>>) target(%dma_start3A_193 : memref<16x128xf32, #tpu.memory_space<vmem_shared>>) target_semaphore(%run_scoped3A_183 : memref<!tpu.dma_semaphore, #tpu.memory_space<semaphore_mem>>)
        %dma_wait3A_198 = arith.constant 0 : i32
        %dma_wait3A_199 = arith.constant 0 : i32
        %dma_wait3A_200 = tpu.memref_slice %arg9[%run_scoped3A, %dma_wait3A_198, %dma_wait3A_199] : memref<4x64x128xf32, #tpu.memory_space<vmem>> -> memref<1x16x128xf32, #tpu.memory_space<vmem>>
        %dma_wait3A_201 = tpu.memref_squeeze %dma_wait3A_200 : memref<1x16x128xf32, #tpu.memory_space<vmem>> -> memref<16x128xf32, #tpu.memory_space<vmem>>
        %dma_wait3A_202 = arith.constant 9984 : i32
        %dma_wait3A_203 = arith.constant 0 : i32
        %dma_wait3A_204 = tpu.memref_slice %arg6[%dma_wait3A_202, %dma_wait3A_203] : memref<10128x128xf32, #tpu.memory_space<vmem_shared>> -> memref<16x128xf32, #tpu.memory_space<vmem_shared>>
        %dma_wait3A_205 = arith.constant 9984 : i32
        %dma_wait3A_206 = arith.constant 0 : i32
        %dma_wait3A_207 = tpu.memref_slice %arg6[%dma_wait3A_205, %dma_wait3A_206] : memref<10128x128xf32, #tpu.memory_space<vmem_shared>> -> memref<16x128xf32, #tpu.memory_space<vmem_shared>>
        %dma_wait3A_208 = arith.constant 0 : i32
        %dma_wait3A_209 = arith.constant 0 : i32
        %dma_wait3A_210 = tpu.memref_slice %arg9[%run_scoped3A, %dma_wait3A_208, %dma_wait3A_209] : memref<4x64x128xf32, #tpu.memory_space<vmem>> -> memref<1x16x128xf32, #tpu.memory_space<vmem>>
        %dma_wait3A_211 = tpu.memref_squeeze %dma_wait3A_210 : memref<1x16x128xf32, #tpu.memory_space<vmem>> -> memref<16x128xf32, #tpu.memory_space<vmem>>
        tpu.wait_dma2 semaphore(%run_scoped3A_183 : memref<!tpu.dma_semaphore, #tpu.memory_space<semaphore_mem>>) src(%dma_wait3A_211 : memref<16x128xf32, #tpu.memory_space<vmem>>) dst(%dma_wait3A_207 : memref<16x128xf32, #tpu.memory_space<vmem_shared>>)
        tpu.yield
      }) : () -> ()
    } else {
    }
    %dma_wait3A = arith.constant 0 : i32
    %dma_wait3A_56 = arith.constant 0 : i32
    %dma_wait3A_57 = arith.constant 0 : i32
    %dma_wait3A_58 = arith.constant 0 : i32
    %dma_wait3A_59 = tpu.memref_slice %arg7[%dma_wait3A, %dma_wait3A_57, %dma_wait3A_58] : memref<2x16x64xi32, #tpu.memory_space<vmem>> -> memref<1x16x64xi32, #tpu.memory_space<vmem>>
    %dma_wait3A_60 = tpu.memref_squeeze %dma_wait3A_59 : memref<1x16x64xi32, #tpu.memory_space<vmem>> -> memref<16x64xi32, #tpu.memory_space<vmem>>
    %dma_wait3A_61 = arith.constant 0 : i32
    %dma_wait3A_62 = arith.constant 0 : i32
    %dma_wait3A_63 = tpu.memref_slice %arg2[%add3A, %dma_wait3A_61, %dma_wait3A_62] : memref<32x160x64xi32, #tpu.memory_space<hbm>> -> memref<1x16x64xi32, #tpu.memory_space<hbm>>
    %dma_wait3A_64 = tpu.memref_squeeze %dma_wait3A_63 : memref<1x16x64xi32, #tpu.memory_space<hbm>> -> memref<16x64xi32, #tpu.memory_space<hbm>>
    %dma_wait3A_65 = tpu.memref_slice %arg11[%dma_wait3A_56] : memref<2x!tpu.dma_semaphore, #tpu.memory_space<semaphore_mem>> -> memref<1x!tpu.dma_semaphore, #tpu.memory_space<semaphore_mem>>
    %dma_wait3A_66 = tpu.memref_squeeze %dma_wait3A_65 : memref<1x!tpu.dma_semaphore, #tpu.memory_space<semaphore_mem>> -> memref<!tpu.dma_semaphore, #tpu.memory_space<semaphore_mem>>
    %dma_wait3A_67 = arith.constant 0 : i32
    %dma_wait3A_68 = arith.constant 0 : i32
    %dma_wait3A_69 = tpu.memref_slice %arg7[%dma_wait3A, %dma_wait3A_67, %dma_wait3A_68] : memref<2x16x64xi32, #tpu.memory_space<vmem>> -> memref<1x16x64xi32, #tpu.memory_space<vmem>>
    %dma_wait3A_70 = tpu.memref_squeeze %dma_wait3A_69 : memref<1x16x64xi32, #tpu.memory_space<vmem>> -> memref<16x64xi32, #tpu.memory_space<vmem>>
    %dma_wait3A_71 = arith.constant 0 : i32
    %dma_wait3A_72 = arith.constant 0 : i32
    %dma_wait3A_73 = tpu.memref_slice %arg2[%add3A, %dma_wait3A_71, %dma_wait3A_72] : memref<32x160x64xi32, #tpu.memory_space<hbm>> -> memref<1x16x64xi32, #tpu.memory_space<hbm>>
    %dma_wait3A_74 = tpu.memref_squeeze %dma_wait3A_73 : memref<1x16x64xi32, #tpu.memory_space<hbm>> -> memref<16x64xi32, #tpu.memory_space<hbm>>
    tpu.wait_dma2 semaphore(%dma_wait3A_66 : memref<!tpu.dma_semaphore, #tpu.memory_space<semaphore_mem>>) src(%dma_wait3A_74 : memref<16x64xi32, #tpu.memory_space<hbm>>) dst(%dma_wait3A_70 : memref<16x64xi32, #tpu.memory_space<vmem>>)
    %dma_wait3A_75 = arith.constant 0 : i32
    %dma_wait3A_76 = arith.constant 0 : i32
    %dma_wait3A_77 = arith.constant 0 : i32
    %dma_wait3A_78 = arith.constant 0 : i32
    %dma_wait3A_79 = tpu.memref_slice %arg8[%dma_wait3A_75, %dma_wait3A_77, %dma_wait3A_78] : memref<2x16x64xi32, #tpu.memory_space<vmem>> -> memref<1x16x64xi32, #tpu.memory_space<vmem>>
    %dma_wait3A_80 = tpu.memref_squeeze %dma_wait3A_79 : memref<1x16x64xi32, #tpu.memory_space<vmem>> -> memref<16x64xi32, #tpu.memory_space<vmem>>
    %dma_wait3A_81 = arith.constant 0 : i32
    %dma_wait3A_82 = arith.constant 0 : i32
    %dma_wait3A_83 = tpu.memref_slice %arg3[%add3A, %dma_wait3A_81, %dma_wait3A_82] : memref<32x160x64xi32, #tpu.memory_space<hbm>> -> memref<1x16x64xi32, #tpu.memory_space<hbm>>
    %dma_wait3A_84 = tpu.memref_squeeze %dma_wait3A_83 : memref<1x16x64xi32, #tpu.memory_space<hbm>> -> memref<16x64xi32, #tpu.memory_space<hbm>>
    %dma_wait3A_85 = tpu.memref_slice %arg11[%dma_wait3A_76] : memref<2x!tpu.dma_semaphore, #tpu.memory_space<semaphore_mem>> -> memref<1x!tpu.dma_semaphore, #tpu.memory_space<semaphore_mem>>
    %dma_wait3A_86 = tpu.memref_squeeze %dma_wait3A_85 : memref<1x!tpu.dma_semaphore, #tpu.memory_space<semaphore_mem>> -> memref<!tpu.dma_semaphore, #tpu.memory_space<semaphore_mem>>
    %dma_wait3A_87 = arith.constant 0 : i32
    %dma_wait3A_88 = arith.constant 0 : i32
    %dma_wait3A_89 = tpu.memref_slice %arg8[%dma_wait3A_75, %dma_wait3A_87, %dma_wait3A_88] : memref<2x16x64xi32, #tpu.memory_space<vmem>> -> memref<1x16x64xi32, #tpu.memory_space<vmem>>
    %dma_wait3A_90 = tpu.memref_squeeze %dma_wait3A_89 : memref<1x16x64xi32, #tpu.memory_space<vmem>> -> memref<16x64xi32, #tpu.memory_space<vmem>>
    %dma_wait3A_91 = arith.constant 0 : i32
    %dma_wait3A_92 = arith.constant 0 : i32
    %dma_wait3A_93 = tpu.memref_slice %arg3[%add3A, %dma_wait3A_91, %dma_wait3A_92] : memref<32x160x64xi32, #tpu.memory_space<hbm>> -> memref<1x16x64xi32, #tpu.memory_space<hbm>>
    %dma_wait3A_94 = tpu.memref_squeeze %dma_wait3A_93 : memref<1x16x64xi32, #tpu.memory_space<hbm>> -> memref<16x64xi32, #tpu.memory_space<hbm>>
    tpu.wait_dma2 semaphore(%dma_wait3A_86 : memref<!tpu.dma_semaphore, #tpu.memory_space<semaphore_mem>>) src(%dma_wait3A_94 : memref<16x64xi32, #tpu.memory_space<hbm>>) dst(%dma_wait3A_90 : memref<16x64xi32, #tpu.memory_space<vmem>>)
    %barrier3A = arith.constant 0 : index
    tpu.barrier barrier_id(%barrier3A)
    %rem3A = arith.constant 0 : i32
    %rem3A_95 = arith.constant 2 : i32
    %rem3A_96 = arith.remsi %rem3A, %rem3A_95 : i32
    %rem3A_97 = arith.constant 0 : i32
    %rem3A_98 = arith.constant 16 : i32
    %rem3A_99 = arith.remsi %rem3A_97, %rem3A_98 : i32
    %rem3A_100 = arith.constant 0 : i32
    %rem3A_101 = arith.constant 4 : i32
    %rem3A_102 = arith.remsi %rem3A_100, %rem3A_101 : i32
    %rem3A_103 = arith.constant 0 : i32
    %rem3A_104 = arith.constant 4 : i32
    %rem3A_105 = arith.remsi %rem3A_103, %rem3A_104 : i32
    %dma_start3A_106 = arith.constant 0 : i32
    %dma_start3A_107 = arith.constant 0 : i32
    %dma_start3A_108 = tpu.memref_slice %arg9[%rem3A_102, %dma_start3A_106, %dma_start3A_107] : memref<4x64x128xf32, #tpu.memory_space<vmem>> -> memref<1x64x128xf32, #tpu.memory_space<vmem>>
    %dma_start3A_109 = tpu.memref_squeeze %dma_start3A_108 : memref<1x64x128xf32, #tpu.memory_space<vmem>> -> memref<64x128xf32, #tpu.memory_space<vmem>>
    %dma_start3A_110 = arith.constant 0 : i32
    %dma_start3A_111 = tpu.memref_slice %arg7[%rem3A_96, %rem3A_99, %dma_start3A_110] : memref<2x16x64xi32, #tpu.memory_space<vmem>> -> memref<1x1x64xi32, #tpu.memory_space<vmem>>
    %dma_start3A_112 = tpu.memref_squeeze %dma_start3A_111 : memref<1x1x64xi32, #tpu.memory_space<vmem>> -> memref<64xi32, #tpu.memory_space<vmem>>
    %dma_start3A_113 = arith.constant 0 : i32
    %dma_start3A_114 = arith.constant 0 : i32
    %dma_start3A_115 = tpu.memref_slice %arg4[%dma_start3A_113, %dma_start3A_114] : memref<10000x128xf32, #tpu.memory_space<hbm>> -> memref<10000x128xf32, #tpu.memory_space<hbm>>
    %dma_start3A_116 = tpu.memref_slice %arg10[%rem3A_105] : memref<4x!tpu.dma_semaphore, #tpu.memory_space<semaphore_mem>> -> memref<1x!tpu.dma_semaphore, #tpu.memory_space<semaphore_mem>>
    %dma_start3A_117 = tpu.memref_squeeze %dma_start3A_116 : memref<1x!tpu.dma_semaphore, #tpu.memory_space<semaphore_mem>> -> memref<!tpu.dma_semaphore, #tpu.memory_space<semaphore_mem>>
    tpu.enqueue_indirect_dma source(%dma_start3A_115 : memref<10000x128xf32, #tpu.memory_space<hbm>>) target(%dma_start3A_109 : memref<64x128xf32, #tpu.memory_space<vmem>>) offsets(%dma_start3A_112 : memref<64xi32, #tpu.memory_space<vmem>>) semaphore(%dma_start3A_117 : memref<!tpu.dma_semaphore, #tpu.memory_space<semaphore_mem>>)
    %rem3A_118 = arith.constant 0 : i32
    %rem3A_119 = arith.constant 2 : i32
    %rem3A_120 = arith.remsi %rem3A_118, %rem3A_119 : i32
    %rem3A_121 = arith.constant 1 : i32
    %rem3A_122 = arith.constant 16 : i32
    %rem3A_123 = arith.remsi %rem3A_121, %rem3A_122 : i32
    %rem3A_124 = arith.constant 1 : i32
    %rem3A_125 = arith.constant 4 : i32
    %rem3A_126 = arith.remsi %rem3A_124, %rem3A_125 : i32
    %rem3A_127 = arith.constant 1 : i32
    %rem3A_128 = arith.constant 4 : i32
    %rem3A_129 = arith.remsi %rem3A_127, %rem3A_128 : i32
    %dma_start3A_130 = arith.constant 0 : i32
    %dma_start3A_131 = arith.constant 0 : i32
    %dma_start3A_132 = tpu.memref_slice %arg9[%rem3A_126, %dma_start3A_130, %dma_start3A_131] : memref<4x64x128xf32, #tpu.memory_space<vmem>> -> memref<1x64x128xf32, #tpu.memory_space<vmem>>
    %dma_start3A_133 = tpu.memref_squeeze %dma_start3A_132 : memref<1x64x128xf32, #tpu.memory_space<vmem>> -> memref<64x128xf32, #tpu.memory_space<vmem>>
    %dma_start3A_134 = arith.constant 0 : i32
    %dma_start3A_135 = tpu.memref_slice %arg7[%rem3A_120, %rem3A_123, %dma_start3A_134] : memref<2x16x64xi32, #tpu.memory_space<vmem>> -> memref<1x1x64xi32, #tpu.memory_space<vmem>>
    %dma_start3A_136 = tpu.memref_squeeze %dma_start3A_135 : memref<1x1x64xi32, #tpu.memory_space<vmem>> -> memref<64xi32, #tpu.memory_space<vmem>>
    %dma_start3A_137 = arith.constant 0 : i32
    %dma_start3A_138 = arith.constant 0 : i32
    %dma_start3A_139 = tpu.memref_slice %arg4[%dma_start3A_137, %dma_start3A_138] : memref<10000x128xf32, #tpu.memory_space<hbm>> -> memref<10000x128xf32, #tpu.memory_space<hbm>>
    %dma_start3A_140 = tpu.memref_slice %arg10[%rem3A_129] : memref<4x!tpu.dma_semaphore, #tpu.memory_space<semaphore_mem>> -> memref<1x!tpu.dma_semaphore, #tpu.memory_space<semaphore_mem>>
    %dma_start3A_141 = tpu.memref_squeeze %dma_start3A_140 : memref<1x!tpu.dma_semaphore, #tpu.memory_space<semaphore_mem>> -> memref<!tpu.dma_semaphore, #tpu.memory_space<semaphore_mem>>
    tpu.enqueue_indirect_dma source(%dma_start3A_139 : memref<10000x128xf32, #tpu.memory_space<hbm>>) target(%dma_start3A_133 : memref<64x128xf32, #tpu.memory_space<vmem>>) offsets(%dma_start3A_136 : memref<64xi32, #tpu.memory_space<vmem>>) semaphore(%dma_start3A_141 : memref<!tpu.dma_semaphore, #tpu.memory_space<semaphore_mem>>)
    %rem3A_142 = arith.constant 0 : i32
    %rem3A_143 = arith.constant 2 : i32
    %rem3A_144 = arith.remsi %rem3A_142, %rem3A_143 : i32
    %rem3A_145 = arith.constant 2 : i32
    %rem3A_146 = arith.constant 16 : i32
    %rem3A_147 = arith.remsi %rem3A_145, %rem3A_146 : i32
    %rem3A_148 = arith.constant 2 : i32
    %rem3A_149 = arith.constant 4 : i32
    %rem3A_150 = arith.remsi %rem3A_148, %rem3A_149 : i32
    %rem3A_151 = arith.constant 2 : i32
    %rem3A_152 = arith.constant 4 : i32
    %rem3A_153 = arith.remsi %rem3A_151, %rem3A_152 : i32
    %dma_start3A_154 = arith.constant 0 : i32
    %dma_start3A_155 = arith.constant 0 : i32
    %dma_start3A_156 = tpu.memref_slice %arg9[%rem3A_150, %dma_start3A_154, %dma_start3A_155] : memref<4x64x128xf32, #tpu.memory_space<vmem>> -> memref<1x64x128xf32, #tpu.memory_space<vmem>>
    %dma_start3A_157 = tpu.memref_squeeze %dma_start3A_156 : memref<1x64x128xf32, #tpu.memory_space<vmem>> -> memref<64x128xf32, #tpu.memory_space<vmem>>
    %dma_start3A_158 = arith.constant 0 : i32
    %dma_start3A_159 = tpu.memref_slice %arg7[%rem3A_144, %rem3A_147, %dma_start3A_158] : memref<2x16x64xi32, #tpu.memory_space<vmem>> -> memref<1x1x64xi32, #tpu.memory_space<vmem>>
    %dma_start3A_160 = tpu.memref_squeeze %dma_start3A_159 : memref<1x1x64xi32, #tpu.memory_space<vmem>> -> memref<64xi32, #tpu.memory_space<vmem>>
    %dma_start3A_161 = arith.constant 0 : i32
    %dma_start3A_162 = arith.constant 0 : i32
    %dma_start3A_163 = tpu.memref_slice %arg4[%dma_start3A_161, %dma_start3A_162] : memref<10000x128xf32, #tpu.memory_space<hbm>> -> memref<10000x128xf32, #tpu.memory_space<hbm>>
    %dma_start3A_164 = tpu.memref_slice %arg10[%rem3A_153] : memref<4x!tpu.dma_semaphore, #tpu.memory_space<semaphore_mem>> -> memref<1x!tpu.dma_semaphore, #tpu.memory_space<semaphore_mem>>
    %dma_start3A_165 = tpu.memref_squeeze %dma_start3A_164 : memref<1x!tpu.dma_semaphore, #tpu.memory_space<semaphore_mem>> -> memref<!tpu.dma_semaphore, #tpu.memory_space<semaphore_mem>>
    tpu.enqueue_indirect_dma source(%dma_start3A_163 : memref<10000x128xf32, #tpu.memory_space<hbm>>) target(%dma_start3A_157 : memref<64x128xf32, #tpu.memory_space<vmem>>) offsets(%dma_start3A_160 : memref<64xi32, #tpu.memory_space<vmem>>) semaphore(%dma_start3A_165 : memref<!tpu.dma_semaphore, #tpu.memory_space<semaphore_mem>>)
    %scan3A_166 = arith.constant 0 : i32
    %scan3A_167 = arith.constant 0 : i32
    %scan3A_168 = arith.constant 160 : i32
    %scan3A_169 = arith.addi %scan3A_167, %scan3A_168 : i32
    %scan3A_170 = arith.constant 1 : i32
    %scan3A_171 = scf.for %scan3A_183 = %scan3A_167 to %scan3A_169 step %scan3A_170 iter_args(%scan3A_184 = %scan3A_166) -> (i32)  : i32 {
      %jit3A = arith.constant 16 : i32
      %div3A = arith.divsi %scan3A_183, %jit3A : i32
      %sign3A = arith.constant 0 : i32
      %sign3A_185 = arith.cmpi sgt, %scan3A_183, %sign3A : i32
      %sign3A_186 = arith.extui %sign3A_185 : i1 to i32
      %sign3A_187 = arith.constant 0 : i32
      %sign3A_188 = arith.cmpi slt, %scan3A_183, %sign3A_187 : i32
      %sign3A_189 = arith.extui %sign3A_188 : i1 to i32
      %sign3A_190 = arith.subi %sign3A_186, %sign3A_189 : i32
      %sign3A_191 = arith.constant 0 : i32
      %sign3A_192 = arith.cmpi sgt, %jit3A, %sign3A_191 : i32
      %sign3A_193 = arith.extui %sign3A_192 : i1 to i32
      %sign3A_194 = arith.constant 0 : i32
      %sign3A_195 = arith.cmpi slt, %jit3A, %sign3A_194 : i32
      %sign3A_196 = arith.extui %sign3A_195 : i1 to i32
      %sign3A_197 = arith.subi %sign3A_193, %sign3A_196 : i32
      %ne3A = arith.cmpi ne, %sign3A_190, %sign3A_197 : i32
      %rem3A_198 = arith.remsi %scan3A_183, %jit3A : i32
      %ne3A_199 = arith.constant 0 : i32
      %ne3A_200 = arith.cmpi ne, %rem3A_198, %ne3A_199 : i32
      %and3A = arith.andi %ne3A, %ne3A_200 : i1
      %sub3A = arith.constant 1 : i32
      %sub3A_201 = arith.subi %div3A, %sub3A : i32
      %select_n3A = arith.select %and3A, %sub3A_201, %div3A : i32
      %rem3A_202 = arith.constant 16 : i32
      %rem3A_203 = arith.remsi %scan3A_183, %rem3A_202 : i32
      %rem3A_204 = arith.constant 2 : i32
      %rem3A_205 = arith.remsi %select_n3A, %rem3A_204 : i32
      %rem3A_206 = arith.constant 4 : i32
      %rem3A_207 = arith.remsi %scan3A_183, %rem3A_206 : i32
      %dma_wait3A_208 = arith.constant 0 : i32
      %dma_wait3A_209 = arith.constant 0 : i32
      %dma_wait3A_210 = tpu.memref_slice %arg9[%rem3A_207, %dma_wait3A_208, %dma_wait3A_209] : memref<4x64x128xf32, #tpu.memory_space<vmem>> -> memref<1x64x128xf32, #tpu.memory_space<vmem>>
      %dma_wait3A_211 = tpu.memref_squeeze %dma_wait3A_210 : memref<1x64x128xf32, #tpu.memory_space<vmem>> -> memref<64x128xf32, #tpu.memory_space<vmem>>
      %dma_wait3A_212 = arith.constant 0 : i32
      %dma_wait3A_213 = tpu.memref_slice %arg7[%rem3A_205, %rem3A_203, %dma_wait3A_212] : memref<2x16x64xi32, #tpu.memory_space<vmem>> -> memref<1x1x64xi32, #tpu.memory_space<vmem>>
      %dma_wait3A_214 = tpu.memref_squeeze %dma_wait3A_213 : memref<1x1x64xi32, #tpu.memory_space<vmem>> -> memref<64xi32, #tpu.memory_space<vmem>>
      %dma_wait3A_215 = arith.constant 0 : i32
      %dma_wait3A_216 = arith.constant 0 : i32
      %dma_wait3A_217 = tpu.memref_slice %arg4[%dma_wait3A_215, %dma_wait3A_216] : memref<10000x128xf32, #tpu.memory_space<hbm>> -> memref<10000x128xf32, #tpu.memory_space<hbm>>
      %dma_wait3A_218 = tpu.memref_slice %arg10[%rem3A_207] : memref<4x!tpu.dma_semaphore, #tpu.memory_space<semaphore_mem>> -> memref<1x!tpu.dma_semaphore, #tpu.memory_space<semaphore_mem>>
      %dma_wait3A_219 = tpu.memref_squeeze %dma_wait3A_218 : memref<1x!tpu.dma_semaphore, #tpu.memory_space<semaphore_mem>> -> memref<!tpu.dma_semaphore, #tpu.memory_space<semaphore_mem>>
      tpu.wait_indirect_dma semaphore(%dma_wait3A_219 : memref<!tpu.dma_semaphore, #tpu.memory_space<semaphore_mem>>) src(%dma_wait3A_217 : memref<10000x128xf32, #tpu.memory_space<hbm>>) dst(%dma_wait3A_211 : memref<64x128xf32, #tpu.memory_space<vmem>>)
      %eq3A_220 = arith.constant 0 : i32
      %eq3A_221 = arith.cmpi eq, %rem3A_203, %eq3A_220 : i32
      %add3A_222 = arith.constant 1 : i32
      %add3A_223 = arith.addi %select_n3A, %add3A_222 : i32
      %lt3A = arith.constant 10 : i32
      %lt3A_224 = arith.cmpi slt, %add3A_223, %lt3A : i32
      %and3A_225 = arith.andi %eq3A_221, %lt3A_224 : i1
      %convert_element_type3A_226 = arith.extui %and3A_225 : i1 to i32
      %cond3A_227 = arith.constant 0 : i32
      %cond3A_228 = arith.cmpi ne, %convert_element_type3A_226, %cond3A_227 : i32
      scf.if %cond3A_228 {
        %add3A_249 = arith.constant 1 : i32
        %add3A_250 = arith.addi %select_n3A, %add3A_249 : i32
        %sub3A_251 = arith.constant 1 : i32
        %sub3A_252 = arith.subi %sub3A_251, %rem3A_205 : i32
        %mul3A_253 = arith.constant 16 : i32
        %mul3A_254 = arith.muli %add3A_250, %mul3A_253 : i32
        %dma_start3A_255 = arith.constant 0 : i32
        %dma_start3A_256 = arith.constant 0 : i32
        %dma_start3A_257 = tpu.memref_slice %arg7[%sub3A_252, %dma_start3A_255, %dma_start3A_256] : memref<2x16x64xi32, #tpu.memory_space<vmem>> -> memref<1x16x64xi32, #tpu.memory_space<vmem>>
        %dma_start3A_258 = tpu.memref_squeeze %dma_start3A_257 : memref<1x16x64xi32, #tpu.memory_space<vmem>> -> memref<16x64xi32, #tpu.memory_space<vmem>>
        %dma_start3A_259 = arith.constant 0 : i32
        %dma_start3A_260 = tpu.memref_slice %arg2[%add3A, %mul3A_254, %dma_start3A_259] : memref<32x160x64xi32, #tpu.memory_space<hbm>> -> memref<1x16x64xi32, #tpu.memory_space<hbm>>
        %dma_start3A_261 = tpu.memref_squeeze %dma_start3A_260 : memref<1x16x64xi32, #tpu.memory_space<hbm>> -> memref<16x64xi32, #tpu.memory_space<hbm>>
        %dma_start3A_262 = tpu.memref_slice %arg11[%sub3A_252] : memref<2x!tpu.dma_semaphore, #tpu.memory_space<semaphore_mem>> -> memref<1x!tpu.dma_semaphore, #tpu.memory_space<semaphore_mem>>
        %dma_start3A_263 = tpu.memref_squeeze %dma_start3A_262 : memref<1x!tpu.dma_semaphore, #tpu.memory_space<semaphore_mem>> -> memref<!tpu.dma_semaphore, #tpu.memory_space<semaphore_mem>>
        %dma_start3A_264 = arith.constant 0 : i32
        %dma_start3A_265 = arith.constant 0 : i32
        %dma_start3A_266 = tpu.memref_slice %arg7[%sub3A_252, %dma_start3A_264, %dma_start3A_265] : memref<2x16x64xi32, #tpu.memory_space<vmem>> -> memref<1x16x64xi32, #tpu.memory_space<vmem>>
        %dma_start3A_267 = tpu.memref_squeeze %dma_start3A_266 : memref<1x16x64xi32, #tpu.memory_space<vmem>> -> memref<16x64xi32, #tpu.memory_space<vmem>>
        %dma_start3A_268 = arith.constant 0 : i32
        %dma_start3A_269 = tpu.memref_slice %arg2[%add3A, %mul3A_254, %dma_start3A_268] : memref<32x160x64xi32, #tpu.memory_space<hbm>> -> memref<1x16x64xi32, #tpu.memory_space<hbm>>
        %dma_start3A_270 = tpu.memref_squeeze %dma_start3A_269 : memref<1x16x64xi32, #tpu.memory_space<hbm>> -> memref<16x64xi32, #tpu.memory_space<hbm>>
        tpu.enqueue_dma source(%dma_start3A_270 : memref<16x64xi32, #tpu.memory_space<hbm>>) target(%dma_start3A_267 : memref<16x64xi32, #tpu.memory_space<vmem>>) target_semaphore(%dma_start3A_263 : memref<!tpu.dma_semaphore, #tpu.memory_space<semaphore_mem>>)
        %mul3A_271 = arith.constant 16 : i32
        %mul3A_272 = arith.muli %add3A_250, %mul3A_271 : i32
        %dma_start3A_273 = arith.constant 0 : i32
        %dma_start3A_274 = arith.constant 0 : i32
        %dma_start3A_275 = tpu.memref_slice %arg8[%sub3A_252, %dma_start3A_273, %dma_start3A_274] : memref<2x16x64xi32, #tpu.memory_space<vmem>> -> memref<1x16x64xi32, #tpu.memory_space<vmem>>
        %dma_start3A_276 = tpu.memref_squeeze %dma_start3A_275 : memref<1x16x64xi32, #tpu.memory_space<vmem>> -> memref<16x64xi32, #tpu.memory_space<vmem>>
        %dma_start3A_277 = arith.constant 0 : i32
        %dma_start3A_278 = tpu.memref_slice %arg3[%add3A, %mul3A_272, %dma_start3A_277] : memref<32x160x64xi32, #tpu.memory_space<hbm>> -> memref<1x16x64xi32, #tpu.memory_space<hbm>>
        %dma_start3A_279 = tpu.memref_squeeze %dma_start3A_278 : memref<1x16x64xi32, #tpu.memory_space<hbm>> -> memref<16x64xi32, #tpu.memory_space<hbm>>
        %dma_start3A_280 = tpu.memref_slice %arg11[%sub3A_252] : memref<2x!tpu.dma_semaphore, #tpu.memory_space<semaphore_mem>> -> memref<1x!tpu.dma_semaphore, #tpu.memory_space<semaphore_mem>>
        %dma_start3A_281 = tpu.memref_squeeze %dma_start3A_280 : memref<1x!tpu.dma_semaphore, #tpu.memory_space<semaphore_mem>> -> memref<!tpu.dma_semaphore, #tpu.memory_space<semaphore_mem>>
        %dma_start3A_282 = arith.constant 0 : i32
        %dma_start3A_283 = arith.constant 0 : i32
        %dma_start3A_284 = tpu.memref_slice %arg8[%sub3A_252, %dma_start3A_282, %dma_start3A_283] : memref<2x16x64xi32, #tpu.memory_space<vmem>> -> memref<1x16x64xi32, #tpu.memory_space<vmem>>
        %dma_start3A_285 = tpu.memref_squeeze %dma_start3A_284 : memref<1x16x64xi32, #tpu.memory_space<vmem>> -> memref<16x64xi32, #tpu.memory_space<vmem>>
        %dma_start3A_286 = arith.constant 0 : i32
        %dma_start3A_287 = tpu.memref_slice %arg3[%add3A, %mul3A_272, %dma_start3A_286] : memref<32x160x64xi32, #tpu.memory_space<hbm>> -> memref<1x16x64xi32, #tpu.memory_space<hbm>>
        %dma_start3A_288 = tpu.memref_squeeze %dma_start3A_287 : memref<1x16x64xi32, #tpu.memory_space<hbm>> -> memref<16x64xi32, #tpu.memory_space<hbm>>
        tpu.enqueue_dma source(%dma_start3A_288 : memref<16x64xi32, #tpu.memory_space<hbm>>) target(%dma_start3A_285 : memref<16x64xi32, #tpu.memory_space<vmem>>) target_semaphore(%dma_start3A_281 : memref<!tpu.dma_semaphore, #tpu.memory_space<semaphore_mem>>)
      } else {
      }
      %eq3A_229 = arith.constant 12 : i32
      %eq3A_230 = arith.cmpi eq, %rem3A_203, %eq3A_229 : i32
      %add3A_231 = arith.constant 1 : i32
      %add3A_232 = arith.addi %select_n3A, %add3A_231 : i32
      %lt3A_233 = arith.constant 10 : i32
      %lt3A_234 = arith.cmpi slt, %add3A_232, %lt3A_233 : i32
      %and3A_235 = arith.andi %eq3A_230, %lt3A_234 : i1
      %convert_element_type3A_236 = arith.extui %and3A_235 : i1 to i32
      %cond3A_237 = arith.constant 0 : i32
      %cond3A_238 = arith.cmpi ne, %convert_element_type3A_236, %cond3A_237 : i32
      scf.if %cond3A_238 {
        %sub3A_249 = arith.constant 1 : i32
        %sub3A_250 = arith.subi %sub3A_249, %rem3A_205 : i32
        %dma_wait3A_251 = arith.constant 0 : i32
        %dma_wait3A_252 = arith.constant 0 : i32
        %dma_wait3A_253 = tpu.memref_slice %arg7[%sub3A_250, %dma_wait3A_251, %dma_wait3A_252] : memref<2x16x64xi32, #tpu.memory_space<vmem>> -> memref<1x16x64xi32, #tpu.memory_space<vmem>>
        %dma_wait3A_254 = tpu.memref_squeeze %dma_wait3A_253 : memref<1x16x64xi32, #tpu.memory_space<vmem>> -> memref<16x64xi32, #tpu.memory_space<vmem>>
        %dma_wait3A_255 = arith.constant 0 : i32
        %dma_wait3A_256 = arith.constant 0 : i32
        %dma_wait3A_257 = tpu.memref_slice %arg2[%add3A, %dma_wait3A_255, %dma_wait3A_256] : memref<32x160x64xi32, #tpu.memory_space<hbm>> -> memref<1x16x64xi32, #tpu.memory_space<hbm>>
        %dma_wait3A_258 = tpu.memref_squeeze %dma_wait3A_257 : memref<1x16x64xi32, #tpu.memory_space<hbm>> -> memref<16x64xi32, #tpu.memory_space<hbm>>
        %dma_wait3A_259 = tpu.memref_slice %arg11[%sub3A_250] : memref<2x!tpu.dma_semaphore, #tpu.memory_space<semaphore_mem>> -> memref<1x!tpu.dma_semaphore, #tpu.memory_space<semaphore_mem>>
        %dma_wait3A_260 = tpu.memref_squeeze %dma_wait3A_259 : memref<1x!tpu.dma_semaphore, #tpu.memory_space<semaphore_mem>> -> memref<!tpu.dma_semaphore, #tpu.memory_space<semaphore_mem>>
        %dma_wait3A_261 = arith.constant 0 : i32
        %dma_wait3A_262 = arith.constant 0 : i32
        %dma_wait3A_263 = tpu.memref_slice %arg7[%sub3A_250, %dma_wait3A_261, %dma_wait3A_262] : memref<2x16x64xi32, #tpu.memory_space<vmem>> -> memref<1x16x64xi32, #tpu.memory_space<vmem>>
        %dma_wait3A_264 = tpu.memref_squeeze %dma_wait3A_263 : memref<1x16x64xi32, #tpu.memory_space<vmem>> -> memref<16x64xi32, #tpu.memory_space<vmem>>
        %dma_wait3A_265 = arith.constant 0 : i32
        %dma_wait3A_266 = arith.constant 0 : i32
        %dma_wait3A_267 = tpu.memref_slice %arg2[%add3A, %dma_wait3A_265, %dma_wait3A_266] : memref<32x160x64xi32, #tpu.memory_space<hbm>> -> memref<1x16x64xi32, #tpu.memory_space<hbm>>
        %dma_wait3A_268 = tpu.memref_squeeze %dma_wait3A_267 : memref<1x16x64xi32, #tpu.memory_space<hbm>> -> memref<16x64xi32, #tpu.memory_space<hbm>>
        tpu.wait_dma2 semaphore(%dma_wait3A_260 : memref<!tpu.dma_semaphore, #tpu.memory_space<semaphore_mem>>) src(%dma_wait3A_268 : memref<16x64xi32, #tpu.memory_space<hbm>>) dst(%dma_wait3A_264 : memref<16x64xi32, #tpu.memory_space<vmem>>)
        %dma_wait3A_269 = arith.constant 0 : i32
        %dma_wait3A_270 = arith.constant 0 : i32
        %dma_wait3A_271 = tpu.memref_slice %arg8[%sub3A_250, %dma_wait3A_269, %dma_wait3A_270] : memref<2x16x64xi32, #tpu.memory_space<vmem>> -> memref<1x16x64xi32, #tpu.memory_space<vmem>>
        %dma_wait3A_272 = tpu.memref_squeeze %dma_wait3A_271 : memref<1x16x64xi32, #tpu.memory_space<vmem>> -> memref<16x64xi32, #tpu.memory_space<vmem>>
        %dma_wait3A_273 = arith.constant 0 : i32
        %dma_wait3A_274 = arith.constant 0 : i32
        %dma_wait3A_275 = tpu.memref_slice %arg3[%add3A, %dma_wait3A_273, %dma_wait3A_274] : memref<32x160x64xi32, #tpu.memory_space<hbm>> -> memref<1x16x64xi32, #tpu.memory_space<hbm>>
        %dma_wait3A_276 = tpu.memref_squeeze %dma_wait3A_275 : memref<1x16x64xi32, #tpu.memory_space<hbm>> -> memref<16x64xi32, #tpu.memory_space<hbm>>
        %dma_wait3A_277 = tpu.memref_slice %arg11[%sub3A_250] : memref<2x!tpu.dma_semaphore, #tpu.memory_space<semaphore_mem>> -> memref<1x!tpu.dma_semaphore, #tpu.memory_space<semaphore_mem>>
        %dma_wait3A_278 = tpu.memref_squeeze %dma_wait3A_277 : memref<1x!tpu.dma_semaphore, #tpu.memory_space<semaphore_mem>> -> memref<!tpu.dma_semaphore, #tpu.memory_space<semaphore_mem>>
        %dma_wait3A_279 = arith.constant 0 : i32
        %dma_wait3A_280 = arith.constant 0 : i32
        %dma_wait3A_281 = tpu.memref_slice %arg8[%sub3A_250, %dma_wait3A_279, %dma_wait3A_280] : memref<2x16x64xi32, #tpu.memory_space<vmem>> -> memref<1x16x64xi32, #tpu.memory_space<vmem>>
        %dma_wait3A_282 = tpu.memref_squeeze %dma_wait3A_281 : memref<1x16x64xi32, #tpu.memory_space<vmem>> -> memref<16x64xi32, #tpu.memory_space<vmem>>
        %dma_wait3A_283 = arith.constant 0 : i32
        %dma_wait3A_284 = arith.constant 0 : i32
        %dma_wait3A_285 = tpu.memref_slice %arg3[%add3A, %dma_wait3A_283, %dma_wait3A_284] : memref<32x160x64xi32, #tpu.memory_space<hbm>> -> memref<1x16x64xi32, #tpu.memory_space<hbm>>
        %dma_wait3A_286 = tpu.memref_squeeze %dma_wait3A_285 : memref<1x16x64xi32, #tpu.memory_space<hbm>> -> memref<16x64xi32, #tpu.memory_space<hbm>>
        tpu.wait_dma2 semaphore(%dma_wait3A_278 : memref<!tpu.dma_semaphore, #tpu.memory_space<semaphore_mem>>) src(%dma_wait3A_286 : memref<16x64xi32, #tpu.memory_space<hbm>>) dst(%dma_wait3A_282 : memref<16x64xi32, #tpu.memory_space<vmem>>)
      } else {
      }
      %add3A_239 = arith.constant 4 : i32
      %add3A_240 = arith.addi %scan3A_183, %add3A_239 : i32
      %sub3A_241 = arith.constant 1 : i32
      %sub3A_242 = arith.subi %add3A_240, %sub3A_241 : i32
      %lt3A_243 = arith.constant 160 : i32
      %lt3A_244 = arith.cmpi slt, %sub3A_242, %lt3A_243 : i32
      %convert_element_type3A_245 = arith.extui %lt3A_244 : i1 to i32
      %cond3A_246 = arith.constant 0 : i32
      %cond3A_247 = arith.cmpi ne, %convert_element_type3A_245, %cond3A_246 : i32
      scf.if %cond3A_247 {
        %add3A_249 = arith.constant 4 : i32
        %add3A_250 = arith.addi %scan3A_183, %add3A_249 : i32
        %sub3A_251 = arith.constant 1 : i32
        %sub3A_252 = arith.subi %add3A_250, %sub3A_251 : i32
        %jit3A_253 = arith.constant 16 : i32
        %div3A_254 = arith.divsi %sub3A_252, %jit3A_253 : i32
        %sign3A_255 = arith.constant 0 : i32
        %sign3A_256 = arith.cmpi sgt, %sub3A_252, %sign3A_255 : i32
        %sign3A_257 = arith.extui %sign3A_256 : i1 to i32
        %sign3A_258 = arith.constant 0 : i32
        %sign3A_259 = arith.cmpi slt, %sub3A_252, %sign3A_258 : i32
        %sign3A_260 = arith.extui %sign3A_259 : i1 to i32
        %sign3A_261 = arith.subi %sign3A_257, %sign3A_260 : i32
        %sign3A_262 = arith.constant 0 : i32
        %sign3A_263 = arith.cmpi sgt, %jit3A_253, %sign3A_262 : i32
        %sign3A_264 = arith.extui %sign3A_263 : i1 to i32
        %sign3A_265 = arith.constant 0 : i32
        %sign3A_266 = arith.cmpi slt, %jit3A_253, %sign3A_265 : i32
        %sign3A_267 = arith.extui %sign3A_266 : i1 to i32
        %sign3A_268 = arith.subi %sign3A_264, %sign3A_267 : i32
        %ne3A_269 = arith.cmpi ne, %sign3A_261, %sign3A_268 : i32
        %rem3A_270 = arith.remsi %sub3A_252, %jit3A_253 : i32
        %ne3A_271 = arith.constant 0 : i32
        %ne3A_272 = arith.cmpi ne, %rem3A_270, %ne3A_271 : i32
        %and3A_273 = arith.andi %ne3A_269, %ne3A_272 : i1
        %sub3A_274 = arith.constant 1 : i32
        %sub3A_275 = arith.subi %div3A_254, %sub3A_274 : i32
        %select_n3A_276 = arith.select %and3A_273, %sub3A_275, %div3A_254 : i32
        %rem3A_277 = arith.constant 2 : i32
        %rem3A_278 = arith.remsi %select_n3A_276, %rem3A_277 : i32
        %rem3A_279 = arith.constant 16 : i32
        %rem3A_280 = arith.remsi %sub3A_252, %rem3A_279 : i32
        %rem3A_281 = arith.constant 4 : i32
        %rem3A_282 = arith.remsi %sub3A_252, %rem3A_281 : i32
        %rem3A_283 = arith.constant 4 : i32
        %rem3A_284 = arith.remsi %sub3A_252, %rem3A_283 : i32
        %dma_start3A_285 = arith.constant 0 : i32
        %dma_start3A_286 = arith.constant 0 : i32
        %dma_start3A_287 = tpu.memref_slice %arg9[%rem3A_282, %dma_start3A_285, %dma_start3A_286] : memref<4x64x128xf32, #tpu.memory_space<vmem>> -> memref<1x64x128xf32, #tpu.memory_space<vmem>>
        %dma_start3A_288 = tpu.memref_squeeze %dma_start3A_287 : memref<1x64x128xf32, #tpu.memory_space<vmem>> -> memref<64x128xf32, #tpu.memory_space<vmem>>
        %dma_start3A_289 = arith.constant 0 : i32
        %dma_start3A_290 = tpu.memref_slice %arg7[%rem3A_278, %rem3A_280, %dma_start3A_289] : memref<2x16x64xi32, #tpu.memory_space<vmem>> -> memref<1x1x64xi32, #tpu.memory_space<vmem>>
        %dma_start3A_291 = tpu.memref_squeeze %dma_start3A_290 : memref<1x1x64xi32, #tpu.memory_space<vmem>> -> memref<64xi32, #tpu.memory_space<vmem>>
        %dma_start3A_292 = arith.constant 0 : i32
        %dma_start3A_293 = arith.constant 0 : i32
        %dma_start3A_294 = tpu.memref_slice %arg4[%dma_start3A_292, %dma_start3A_293] : memref<10000x128xf32, #tpu.memory_space<hbm>> -> memref<10000x128xf32, #tpu.memory_space<hbm>>
        %dma_start3A_295 = tpu.memref_slice %arg10[%rem3A_284] : memref<4x!tpu.dma_semaphore, #tpu.memory_space<semaphore_mem>> -> memref<1x!tpu.dma_semaphore, #tpu.memory_space<semaphore_mem>>
        %dma_start3A_296 = tpu.memref_squeeze %dma_start3A_295 : memref<1x!tpu.dma_semaphore, #tpu.memory_space<semaphore_mem>> -> memref<!tpu.dma_semaphore, #tpu.memory_space<semaphore_mem>>
        tpu.enqueue_indirect_dma source(%dma_start3A_294 : memref<10000x128xf32, #tpu.memory_space<hbm>>) target(%dma_start3A_288 : memref<64x128xf32, #tpu.memory_space<vmem>>) offsets(%dma_start3A_291 : memref<64xi32, #tpu.memory_space<vmem>>) semaphore(%dma_start3A_296 : memref<!tpu.dma_semaphore, #tpu.memory_space<semaphore_mem>>)
      } else {
      }
      "tpu.region"() ({
        %run_scoped3A = tpu.sem_alloc : memref<!tpu.dma_semaphore, #tpu.memory_space<semaphore_mem>>
        %dma_start3A_249 = arith.constant 0 : i32
        %dma_start3A_250 = arith.constant 0 : i32
        %dma_start3A_251 = tpu.memref_slice %arg9[%rem3A_207, %dma_start3A_249, %dma_start3A_250] : memref<4x64x128xf32, #tpu.memory_space<vmem>> -> memref<1x64x128xf32, #tpu.memory_space<vmem>>
        %dma_start3A_252 = tpu.memref_squeeze %dma_start3A_251 : memref<1x64x128xf32, #tpu.memory_space<vmem>> -> memref<64x128xf32, #tpu.memory_space<vmem>>
        %dma_start3A_253 = arith.constant 0 : i32
        %dma_start3A_254 = tpu.memref_slice %arg8[%rem3A_205, %rem3A_203, %dma_start3A_253] : memref<2x16x64xi32, #tpu.memory_space<vmem>> -> memref<1x1x64xi32, #tpu.memory_space<vmem>>
        %dma_start3A_255 = tpu.memref_squeeze %dma_start3A_254 : memref<1x1x64xi32, #tpu.memory_space<vmem>> -> memref<64xi32, #tpu.memory_space<vmem>>
        %dma_start3A_256 = arith.constant 0 : i32
        %dma_start3A_257 = arith.constant 0 : i32
        %dma_start3A_258 = tpu.memref_slice %arg6[%dma_start3A_256, %dma_start3A_257] : memref<10128x128xf32, #tpu.memory_space<vmem_shared>> -> memref<10128x128xf32, #tpu.memory_space<vmem_shared>>
        tpu.enqueue_indirect_dma source(%dma_start3A_252 : memref<64x128xf32, #tpu.memory_space<vmem>>) target(%dma_start3A_258 : memref<10128x128xf32, #tpu.memory_space<vmem_shared>>) offsets(%dma_start3A_255 : memref<64xi32, #tpu.memory_space<vmem>>) semaphore(%run_scoped3A : memref<!tpu.dma_semaphore, #tpu.memory_space<semaphore_mem>>) {add = true}
        %dma_wait3A_259 = arith.constant 0 : i32
        %dma_wait3A_260 = arith.constant 0 : i32
        %dma_wait3A_261 = tpu.memref_slice %arg9[%rem3A_207, %dma_wait3A_259, %dma_wait3A_260] : memref<4x64x128xf32, #tpu.memory_space<vmem>> -> memref<1x64x128xf32, #tpu.memory_space<vmem>>
        %dma_wait3A_262 = tpu.memref_squeeze %dma_wait3A_261 : memref<1x64x128xf32, #tpu.memory_space<vmem>> -> memref<64x128xf32, #tpu.memory_space<vmem>>
        %dma_wait3A_263 = arith.constant 0 : i32
        %dma_wait3A_264 = tpu.memref_slice %arg8[%rem3A_205, %rem3A_203, %dma_wait3A_263] : memref<2x16x64xi32, #tpu.memory_space<vmem>> -> memref<1x1x64xi32, #tpu.memory_space<vmem>>
        %dma_wait3A_265 = tpu.memref_squeeze %dma_wait3A_264 : memref<1x1x64xi32, #tpu.memory_space<vmem>> -> memref<64xi32, #tpu.memory_space<vmem>>
        %dma_wait3A_266 = arith.constant 0 : i32
        %dma_wait3A_267 = arith.constant 0 : i32
        %dma_wait3A_268 = tpu.memref_slice %arg6[%dma_wait3A_266, %dma_wait3A_267] : memref<10128x128xf32, #tpu.memory_space<vmem_shared>> -> memref<10128x128xf32, #tpu.memory_space<vmem_shared>>
        tpu.wait_indirect_dma semaphore(%run_scoped3A : memref<!tpu.dma_semaphore, #tpu.memory_space<semaphore_mem>>) src(%dma_wait3A_262 : memref<64x128xf32, #tpu.memory_space<vmem>>) dst(%dma_wait3A_268 : memref<10128x128xf32, #tpu.memory_space<vmem_shared>>)
        tpu.yield
      }) : () -> ()
      %scan3A_248 = arith.constant 0 : i32
      scf.yield %scan3A_248 : i32
    }
    %scan3A_172 = arith.constant 160 : i32
    %barrier3A_173 = arith.constant 0 : index
    tpu.barrier barrier_id(%barrier3A_173)
    %mul3A_174 = arith.constant 624 : i32
    %mul3A_175 = arith.muli %arg1, %mul3A_174 : i32
    %mul3A_176 = arith.constant 624 : i32
    %mul3A_177 = arith.muli %arg1, %mul3A_176 : i32
    "tpu.region"() ({
      %run_scoped3A = tpu.sem_alloc : memref<!tpu.dma_semaphore, #tpu.memory_space<semaphore_mem>>
      %dma_start3A_183 = arith.constant 0 : i32
      %dma_start3A_184 = tpu.memref_slice %arg5[%arg0, %mul3A_177, %dma_start3A_183] : memref<2x10000x128xf32, #tpu.memory_space<hbm>> -> memref<1x624x128xf32, #tpu.memory_space<hbm>>
      %dma_start3A_185 = tpu.memref_squeeze %dma_start3A_184 : memref<1x624x128xf32, #tpu.memory_space<hbm>> -> memref<624x128xf32, #tpu.memory_space<hbm>>
      %dma_start3A_186 = arith.constant 0 : i32
      %dma_start3A_187 = tpu.memref_slice %arg6[%mul3A_175, %dma_start3A_186] : memref<10128x128xf32, #tpu.memory_space<vmem_shared>> -> memref<624x128xf32, #tpu.memory_space<vmem_shared>>
      tpu.enqueue_dma source(%dma_start3A_187 : memref<624x128xf32, #tpu.memory_space<vmem_shared>>) target(%dma_start3A_185 : memref<624x128xf32, #tpu.memory_space<hbm>>) target_semaphore(%run_scoped3A : memref<!tpu.dma_semaphore, #tpu.memory_space<semaphore_mem>>)
      %dma_wait3A_188 = arith.constant 0 : i32
      %dma_wait3A_189 = tpu.memref_slice %arg5[%arg0, %mul3A_177, %dma_wait3A_188] : memref<2x10000x128xf32, #tpu.memory_space<hbm>> -> memref<1x624x128xf32, #tpu.memory_space<hbm>>
      %dma_wait3A_190 = tpu.memref_squeeze %dma_wait3A_189 : memref<1x624x128xf32, #tpu.memory_space<hbm>> -> memref<624x128xf32, #tpu.memory_space<hbm>>
      %dma_wait3A_191 = arith.constant 0 : i32
      %dma_wait3A_192 = tpu.memref_slice %arg6[%mul3A_175, %dma_wait3A_191] : memref<10128x128xf32, #tpu.memory_space<vmem_shared>> -> memref<624x128xf32, #tpu.memory_space<vmem_shared>>
      tpu.wait_dma2 semaphore(%run_scoped3A : memref<!tpu.dma_semaphore, #tpu.memory_space<semaphore_mem>>) src(%dma_wait3A_192 : memref<624x128xf32, #tpu.memory_space<vmem_shared>>) dst(%dma_wait3A_190 : memref<624x128xf32, #tpu.memory_space<hbm>>)
      tpu.yield
    }) : () -> ()
    %eq3A_178 = arith.constant 0 : i32
    %eq3A_179 = arith.cmpi eq, %arg1, %eq3A_178 : i32
    %convert_element_type3A_180 = arith.extui %eq3A_179 : i1 to i32
    %cond3A_181 = arith.constant 0 : i32
    %cond3A_182 = arith.cmpi ne, %convert_element_type3A_180, %cond3A_181 : i32
    scf.if %cond3A_182 {
      "tpu.region"() ({
        %run_scoped3A = tpu.sem_alloc : memref<!tpu.dma_semaphore, #tpu.memory_space<semaphore_mem>>
        %dma_start3A_183 = arith.constant 9984 : i32
        %dma_start3A_184 = arith.constant 0 : i32
        %dma_start3A_185 = tpu.memref_slice %arg5[%arg0, %dma_start3A_183, %dma_start3A_184] : memref<2x10000x128xf32, #tpu.memory_space<hbm>> -> memref<1x16x128xf32, #tpu.memory_space<hbm>>
        %dma_start3A_186 = tpu.memref_squeeze %dma_start3A_185 : memref<1x16x128xf32, #tpu.memory_space<hbm>> -> memref<16x128xf32, #tpu.memory_space<hbm>>
        %dma_start3A_187 = arith.constant 9984 : i32
        %dma_start3A_188 = arith.constant 0 : i32
        %dma_start3A_189 = tpu.memref_slice %arg6[%dma_start3A_187, %dma_start3A_188] : memref<10128x128xf32, #tpu.memory_space<vmem_shared>> -> memref<16x128xf32, #tpu.memory_space<vmem_shared>>
        tpu.enqueue_dma source(%dma_start3A_189 : memref<16x128xf32, #tpu.memory_space<vmem_shared>>) target(%dma_start3A_186 : memref<16x128xf32, #tpu.memory_space<hbm>>) target_semaphore(%run_scoped3A : memref<!tpu.dma_semaphore, #tpu.memory_space<semaphore_mem>>)
        %dma_wait3A_190 = arith.constant 9984 : i32
        %dma_wait3A_191 = arith.constant 0 : i32
        %dma_wait3A_192 = tpu.memref_slice %arg5[%arg0, %dma_wait3A_190, %dma_wait3A_191] : memref<2x10000x128xf32, #tpu.memory_space<hbm>> -> memref<1x16x128xf32, #tpu.memory_space<hbm>>
        %dma_wait3A_193 = tpu.memref_squeeze %dma_wait3A_192 : memref<1x16x128xf32, #tpu.memory_space<hbm>> -> memref<16x128xf32, #tpu.memory_space<hbm>>
        %dma_wait3A_194 = arith.constant 9984 : i32
        %dma_wait3A_195 = arith.constant 0 : i32
        %dma_wait3A_196 = tpu.memref_slice %arg6[%dma_wait3A_194, %dma_wait3A_195] : memref<10128x128xf32, #tpu.memory_space<vmem_shared>> -> memref<16x128xf32, #tpu.memory_space<vmem_shared>>
        tpu.wait_dma2 semaphore(%run_scoped3A : memref<!tpu.dma_semaphore, #tpu.memory_space<semaphore_mem>>) src(%dma_wait3A_196 : memref<16x128xf32, #tpu.memory_space<vmem_shared>>) dst(%dma_wait3A_193 : memref<16x128xf32, #tpu.memory_space<hbm>>)
        tpu.yield
      }) : () -> ()
    } else {
    }
    return
  }
}

module attributes {stable_mosaic.version = 14 : i64} {
  func.func @body(%arg0: i32, %arg1: memref<2000x128xf32, #tpu.memory_space<vmem>>, %arg2: memref<2x2000x128xf32, #tpu.memory_space<vmem>>, %arg3: memref<128x128xf32, #tpu.memory_space<vmem>>, %arg4: memref<2000x128xf32, #tpu.memory_space<vmem>>, %arg5: memref<2000x128xf32, #tpu.memory_space<vmem>>) attributes {dimension_semantics = [#tpu.dimension_semantics<arbitrary>], iteration_bounds = array<i64: 5>, scalar_prefetch = 0 : i64, scratch_operands = 0 : i64, tpu.core_type = #tpu.core_type<tc>, window_params = [{transform_indices = @transform_0, window_bounds = array<i64: 2000, 128>}, {transform_indices = @transform_1, window_bounds = array<i64: 2, 2000, 128>}, {pipeline_mode = #tpu.pipeline_mode<synchronous>, transform_indices = @transform_2, window_bounds = array<i64: 128, 128>}, {transform_indices = @transform_3, window_bounds = array<i64: 2000, 128>}, {transform_indices = @transform_4, window_bounds = array<i64: 2000, 128>}]} {
    %get3A = arith.constant 0 : index
    %get3A_0 = arith.constant 0 : index
    %get3A_1 = arith.constant 0 : index
    %get3A_2 = vector.load %arg2[%get3A, %get3A_0, %get3A_1] : memref<2x2000x128xf32, #tpu.memory_space<vmem>>, vector<1x2000x128xf32>
    %get3A_3 = vector.shape_cast %get3A_2 : vector<1x2000x128xf32> to vector<2000x128xf32>
    %slice3A = vector.extract_strided_slice %get3A_3 {offsets = [0, 0], sizes = [2000, 1], strides = [1, 1]} : vector<2000x128xf32> to vector<2000x1xf32>
    %get3A_4 = arith.constant 1 : index
    %get3A_5 = arith.constant 0 : index
    %get3A_6 = arith.constant 0 : index
    %get3A_7 = vector.load %arg2[%get3A_4, %get3A_5, %get3A_6] : memref<2x2000x128xf32, #tpu.memory_space<vmem>>, vector<1x2000x128xf32>
    %get3A_8 = vector.shape_cast %get3A_7 : vector<1x2000x128xf32> to vector<2000x128xf32>
    %slice3A_9 = vector.extract_strided_slice %get3A_8 {offsets = [0, 0], sizes = [2000, 1], strides = [1, 1]} : vector<2000x128xf32> to vector<2000x1xf32>
    %add3A = arith.addf %slice3A, %slice3A_9 : vector<2000x1xf32>
    %add3A_10 = arith.constant 1.000000e+00 : f32
    %add3A_11 = vector.broadcast %add3A_10 : f32 to vector<2000x1xf32>
    %add3A_12 = arith.addf %add3A, %add3A_11 : vector<2000x1xf32>
    %rsqrt3A = math.rsqrt %add3A_12 : vector<2000x1xf32>
    %broadcast_in_dim3A = vector.shape_cast %rsqrt3A : vector<2000x1xf32> to vector<2000x1xf32>
    %broadcast_in_dim3A_13 = vector.broadcast %broadcast_in_dim3A : vector<2000x1xf32> to vector<2000x128xf32>
    %swap3A = arith.constant 0 : index
    %swap3A_14 = arith.constant 0 : index
    %swap3A_15 = vector.load %arg5[%swap3A, %swap3A_14] : memref<2000x128xf32, #tpu.memory_space<vmem>>, vector<2000x128xf32>
    tpu.vector_store %arg5[%swap3A, %swap3A_14], %broadcast_in_dim3A_13 {strides = array<i32>} : memref<2000x128xf32, #tpu.memory_space<vmem>>, vector<2000x128xf32>,
    %get3A_16 = arith.constant 0 : index
    %get3A_17 = arith.constant 0 : index
    %get3A_18 = vector.load %arg1[%get3A_16, %get3A_17] : memref<2000x128xf32, #tpu.memory_space<vmem>>, vector<2000x128xf32>
    %mul3A = vector.broadcast %rsqrt3A : vector<2000x1xf32> to vector<2000x128xf32>
    %mul3A_19 = arith.mulf %get3A_18, %mul3A : vector<2000x128xf32>
    %get3A_20 = arith.constant 0 : index
    %get3A_21 = arith.constant 0 : index
    %get3A_22 = vector.load %arg3[%get3A_20, %get3A_21] : memref<128x128xf32, #tpu.memory_space<vmem>>, vector<128x128xf32>
    %dot_general3A = arith.constant dense<0.000000e+00> : vector<2000x128xf32>
    %dot_general3A_23 = tpu.matmul %mul3A_19, %get3A_22, %dot_general3A {dimension_numbers = #tpu.dot_dimension_numbers<[1], [0], [0], [1], [0, 0, 1, 1], [], []>, transpose_lhs_hint = false} : vector<2000x128xf32>, vector<128x128xf32>, vector<2000x128xf32> -> vector<2000x128xf32>
    %swap3A_24 = arith.constant 0 : index
    %swap3A_25 = arith.constant 0 : index
    %swap3A_26 = vector.load %arg4[%swap3A_24, %swap3A_25] : memref<2000x128xf32, #tpu.memory_space<vmem>>, vector<2000x128xf32>
    tpu.vector_store %arg4[%swap3A_24, %swap3A_25], %dot_general3A_23 {strides = array<i32>} : memref<2000x128xf32, #tpu.memory_space<vmem>>, vector<2000x128xf32>,
    return
  }
  func.func @transform_0(%arg0: i32) -> (i32, i32) {
    %c0_i32 = arith.constant 0 : i32
    %c0_i32_0 = arith.constant 0 : i32
    return %arg0, %c0_i32 : i32, i32
  }
  func.func @transform_1(%arg0: i32) -> (i32, i32, i32) {
    %c0_i32 = arith.constant 0 : i32
    %c0_i32_0 = arith.constant 0 : i32
    %c0_i32_1 = arith.constant 0 : i32
    return %c0_i32, %arg0, %c0_i32_0 : i32, i32, i32
  }
  func.func @transform_2(%arg0: i32) -> (i32, i32) {
    %c0_i32 = arith.constant 0 : i32
    %c0_i32_0 = arith.constant 0 : i32
    %c0_i32_1 = arith.constant 0 : i32
    return %c0_i32, %c0_i32_0 : i32, i32
  }
  func.func @transform_3(%arg0: i32) -> (i32, i32) {
    %c0_i32 = arith.constant 0 : i32
    %c0_i32_0 = arith.constant 0 : i32
    return %arg0, %c0_i32 : i32, i32
  }
  func.func @transform_4(%arg0: i32) -> (i32, i32) {
    %c0_i32 = arith.constant 0 : i32
    %c0_i32_0 = arith.constant 0 : i32
    return %arg0, %c0_i32 : i32, i32
  }
}

module attributes {stable_mosaic.version = 14 : i64} {
  func.func @body(%arg0: i32, %arg1: memref<2x2000x128xf32, #tpu.memory_space<vmem>>, %arg2: memref<2000x128xf32, #tpu.memory_space<vmem>>, %arg3: memref<2000x128xf32, #tpu.memory_space<vmem>>, %arg4: memref<1x128xf32, #tpu.memory_space<vmem>>, %arg5: memref<128x128xf32, #tpu.memory_space<vmem>>, %arg6: memref<2000x128xf32, #tpu.memory_space<vmem>>) attributes {dimension_semantics = [#tpu.dimension_semantics<arbitrary>], iteration_bounds = array<i64: 5>, scalar_prefetch = 0 : i64, scratch_operands = 0 : i64, tpu.core_type = #tpu.core_type<tc>, window_params = [{transform_indices = @transform_0, window_bounds = array<i64: 2, 2000, 128>}, {transform_indices = @transform_1, window_bounds = array<i64: 2000, 128>}, {transform_indices = @transform_2, window_bounds = array<i64: 2000, 128>}, {pipeline_mode = #tpu.pipeline_mode<synchronous>, transform_indices = @transform_3, window_bounds = array<i64: 1, 128>}, {pipeline_mode = #tpu.pipeline_mode<synchronous>, transform_indices = @transform_4, window_bounds = array<i64: 128, 128>}, {transform_indices = @transform_5, window_bounds = array<i64: 2000, 128>}]} {
    %get3A = arith.constant 0 : index
    %get3A_0 = arith.constant 0 : index
    %get3A_1 = vector.load %arg3[%get3A, %get3A_0] : memref<2000x128xf32, #tpu.memory_space<vmem>>, vector<2000x128xf32>
    %get3A_2 = arith.constant 0 : index
    %get3A_3 = arith.constant 0 : index
    %get3A_4 = arith.constant 0 : index
    %get3A_5 = vector.load %arg1[%get3A_2, %get3A_3, %get3A_4] : memref<2x2000x128xf32, #tpu.memory_space<vmem>>, vector<1x2000x128xf32>
    %get3A_6 = vector.shape_cast %get3A_5 : vector<1x2000x128xf32> to vector<2000x128xf32>
    %get3A_7 = arith.constant 1 : index
    %get3A_8 = arith.constant 0 : index
    %get3A_9 = arith.constant 0 : index
    %get3A_10 = vector.load %arg1[%get3A_7, %get3A_8, %get3A_9] : memref<2x2000x128xf32, #tpu.memory_space<vmem>>, vector<1x2000x128xf32>
    %get3A_11 = vector.shape_cast %get3A_10 : vector<1x2000x128xf32> to vector<2000x128xf32>
    %add3A = arith.addf %get3A_6, %get3A_11 : vector<2000x128xf32>
    %get3A_12 = arith.constant 0 : index
    %get3A_13 = arith.constant 0 : index
    %get3A_14 = vector.load %arg2[%get3A_12, %get3A_13] : memref<2000x128xf32, #tpu.memory_space<vmem>>, vector<2000x128xf32>
    %add3A_15 = arith.addf %add3A, %get3A_14 : vector<2000x128xf32>
    %mul3A = arith.mulf %add3A_15, %get3A_1 : vector<2000x128xf32>
    %get3A_16 = arith.constant 0 : index
    %get3A_17 = arith.constant 0 : index
    %get3A_18 = vector.load %arg4[%get3A_16, %get3A_17] : memref<1x128xf32, #tpu.memory_space<vmem>>, vector<1x128xf32>
    %add3A_19 = vector.broadcast %get3A_18 : vector<1x128xf32> to vector<2000x128xf32>
    %add3A_20 = arith.addf %mul3A, %add3A_19 : vector<2000x128xf32>
    %max3A = arith.constant 0.000000e+00 : f32
    %max3A_21 = vector.broadcast %max3A : f32 to vector<2000x128xf32>
    %max3A_22 = arith.maximumf %add3A_20, %max3A_21 : vector<2000x128xf32>
    %mul3A_23 = arith.mulf %max3A_22, %get3A_1 : vector<2000x128xf32>
    %get3A_24 = arith.constant 0 : index
    %get3A_25 = arith.constant 0 : index
    %get3A_26 = vector.load %arg5[%get3A_24, %get3A_25] : memref<128x128xf32, #tpu.memory_space<vmem>>, vector<128x128xf32>
    %dot_general3A = arith.constant dense<0.000000e+00> : vector<2000x128xf32>
    %dot_general3A_27 = tpu.matmul %mul3A_23, %get3A_26, %dot_general3A {dimension_numbers = #tpu.dot_dimension_numbers<[1], [0], [0], [1], [0, 0, 1, 1], [], []>, transpose_lhs_hint = false} : vector<2000x128xf32>, vector<128x128xf32>, vector<2000x128xf32> -> vector<2000x128xf32>
    %swap3A = arith.constant 0 : index
    %swap3A_28 = arith.constant 0 : index
    %swap3A_29 = vector.load %arg6[%swap3A, %swap3A_28] : memref<2000x128xf32, #tpu.memory_space<vmem>>, vector<2000x128xf32>
    tpu.vector_store %arg6[%swap3A, %swap3A_28], %dot_general3A_27 {strides = array<i32>} : memref<2000x128xf32, #tpu.memory_space<vmem>>, vector<2000x128xf32>,
    return
  }
  func.func @transform_0(%arg0: i32) -> (i32, i32, i32) {
    %c0_i32 = arith.constant 0 : i32
    %c0_i32_0 = arith.constant 0 : i32
    %c0_i32_1 = arith.constant 0 : i32
    return %c0_i32, %arg0, %c0_i32_0 : i32, i32, i32
  }
  func.func @transform_1(%arg0: i32) -> (i32, i32) {
    %c0_i32 = arith.constant 0 : i32
    %c0_i32_0 = arith.constant 0 : i32
    return %arg0, %c0_i32 : i32, i32
  }
  func.func @transform_2(%arg0: i32) -> (i32, i32) {
    %c0_i32 = arith.constant 0 : i32
    %c0_i32_0 = arith.constant 0 : i32
    return %arg0, %c0_i32 : i32, i32
  }
  func.func @transform_3(%arg0: i32) -> (i32, i32) {
    %c0_i32 = arith.constant 0 : i32
    %c0_i32_0 = arith.constant 0 : i32
    %c0_i32_1 = arith.constant 0 : i32
    return %c0_i32, %c0_i32_0 : i32, i32
  }
  func.func @transform_4(%arg0: i32) -> (i32, i32) {
    %c0_i32 = arith.constant 0 : i32
    %c0_i32_0 = arith.constant 0 : i32
    %c0_i32_1 = arith.constant 0 : i32
    return %c0_i32, %c0_i32_0 : i32, i32
  }
  func.func @transform_5(%arg0: i32) -> (i32, i32) {
    %c0_i32 = arith.constant 0 : i32
    %c0_i32_0 = arith.constant 0 : i32
    return %arg0, %c0_i32 : i32, i32
  }
}

module attributes {stable_mosaic.version = 14 : i64} {
  func.func @body(%arg0: i32, %arg1: memref<2x2000x128xf32, #tpu.memory_space<vmem>>, %arg2: memref<2000x128xf32, #tpu.memory_space<vmem>>, %arg3: memref<2000x128xf32, #tpu.memory_space<vmem>>, %arg4: memref<1x128xf32, #tpu.memory_space<vmem>>, %arg5: memref<2000x128xf32, #tpu.memory_space<vmem>>) attributes {dimension_semantics = [#tpu.dimension_semantics<arbitrary>], iteration_bounds = array<i64: 5>, scalar_prefetch = 0 : i64, scratch_operands = 0 : i64, tpu.core_type = #tpu.core_type<tc>, window_params = [{transform_indices = @transform_0, window_bounds = array<i64: 2, 2000, 128>}, {transform_indices = @transform_1, window_bounds = array<i64: 2000, 128>}, {transform_indices = @transform_2, window_bounds = array<i64: 2000, 128>}, {pipeline_mode = #tpu.pipeline_mode<synchronous>, transform_indices = @transform_3, window_bounds = array<i64: 1, 128>}, {transform_indices = @transform_4, window_bounds = array<i64: 2000, 128>}]} {
    %get3A = arith.constant 0 : index
    %get3A_0 = arith.constant 0 : index
    %get3A_1 = arith.constant 0 : index
    %get3A_2 = vector.load %arg1[%get3A, %get3A_0, %get3A_1] : memref<2x2000x128xf32, #tpu.memory_space<vmem>>, vector<1x2000x128xf32>
    %get3A_3 = vector.shape_cast %get3A_2 : vector<1x2000x128xf32> to vector<2000x128xf32>
    %get3A_4 = arith.constant 1 : index
    %get3A_5 = arith.constant 0 : index
    %get3A_6 = arith.constant 0 : index
    %get3A_7 = vector.load %arg1[%get3A_4, %get3A_5, %get3A_6] : memref<2x2000x128xf32, #tpu.memory_space<vmem>>, vector<1x2000x128xf32>
    %get3A_8 = vector.shape_cast %get3A_7 : vector<1x2000x128xf32> to vector<2000x128xf32>
    %add3A = arith.addf %get3A_3, %get3A_8 : vector<2000x128xf32>
    %get3A_9 = arith.constant 0 : index
    %get3A_10 = arith.constant 0 : index
    %get3A_11 = vector.load %arg2[%get3A_9, %get3A_10] : memref<2000x128xf32, #tpu.memory_space<vmem>>, vector<2000x128xf32>
    %add3A_12 = arith.addf %add3A, %get3A_11 : vector<2000x128xf32>
    %get3A_13 = arith.constant 0 : index
    %get3A_14 = arith.constant 0 : index
    %get3A_15 = vector.load %arg3[%get3A_13, %get3A_14] : memref<2000x128xf32, #tpu.memory_space<vmem>>, vector<2000x128xf32>
    %mul3A = arith.mulf %add3A_12, %get3A_15 : vector<2000x128xf32>
    %get3A_16 = arith.constant 0 : index
    %get3A_17 = arith.constant 0 : index
    %get3A_18 = vector.load %arg4[%get3A_16, %get3A_17] : memref<1x128xf32, #tpu.memory_space<vmem>>, vector<1x128xf32>
    %add3A_19 = vector.broadcast %get3A_18 : vector<1x128xf32> to vector<2000x128xf32>
    %add3A_20 = arith.addf %mul3A, %add3A_19 : vector<2000x128xf32>
    %swap3A = arith.constant 0 : index
    %swap3A_21 = arith.constant 0 : index
    %swap3A_22 = vector.load %arg5[%swap3A, %swap3A_21] : memref<2000x128xf32, #tpu.memory_space<vmem>>, vector<2000x128xf32>
    tpu.vector_store %arg5[%swap3A, %swap3A_21], %add3A_20 {strides = array<i32>} : memref<2000x128xf32, #tpu.memory_space<vmem>>, vector<2000x128xf32>,
    return
  }
  func.func @transform_0(%arg0: i32) -> (i32, i32, i32) {
    %c0_i32 = arith.constant 0 : i32
    %c0_i32_0 = arith.constant 0 : i32
    %c0_i32_1 = arith.constant 0 : i32
    return %c0_i32, %arg0, %c0_i32_0 : i32, i32, i32
  }
  func.func @transform_1(%arg0: i32) -> (i32, i32) {
    %c0_i32 = arith.constant 0 : i32
    %c0_i32_0 = arith.constant 0 : i32
    return %arg0, %c0_i32 : i32, i32
  }
  func.func @transform_2(%arg0: i32) -> (i32, i32) {
    %c0_i32 = arith.constant 0 : i32
    %c0_i32_0 = arith.constant 0 : i32
    return %arg0, %c0_i32 : i32, i32
  }
  func.func @transform_3(%arg0: i32) -> (i32, i32) {
    %c0_i32 = arith.constant 0 : i32
    %c0_i32_0 = arith.constant 0 : i32
    %c0_i32_1 = arith.constant 0 : i32
    return %c0_i32, %c0_i32_0 : i32, i32
  }
  func.func @transform_4(%arg0: i32) -> (i32, i32) {
    %c0_i32 = arith.constant 0 : i32
    %c0_i32_0 = arith.constant 0 : i32
    return %arg0, %c0_i32 : i32, i32
  }
}

</mosaic_0001>

<sc_bundles>
// kernel: kernel.10.cloned.1.call-start
scs
__scs_entry_jumppad:
0x0: {  	(pc) =	sbr.rel $0x88, $3  }
0x1: {  	(tag) =	ssettag $0x0;
	lr =	simm.s32 $0x1  }
0x2: {  	[smem:$0x3F99] =	sst lr;
	_ =	strace $0xD0000000  }
0x3: {  	_ = 	snop  }
0x4: {  	_ = 	snop  }
0x5: {  	_ = 	snop  }
0x6: {  	_ = 	snop  }
0x7: {  	_ = 	snop  }
__scs_overlays_trampoline_lowered:
0x8: {  	[smem:$0x3FA8] =	sst s0  }
0x9: {  	[smem:$0x3FA9] =	sst s1  }
0xa: {  	[smem:$0x3FAA] =	sst s2  }
0xb: {  	[smem:$0x3FAB] =	sst s3  }
0xc: {  	[smem:$0x3FAC] =	sst s4  }
0xd: {  	[smem:$0x3FAD] =	sst s5  }
0xe: {  	[smem:$0x3FAE] =	sst s6  }
0xf: {  	[smem:$0x3FAF] =	sst s7  }
0x10: {  	[smem:$0x3FB0] =	sst s8  }
0x11: {  	[smem:$0x3FB1] =	sst s9;
	s0 =	simm.s32 @!p0 $0x0  }
0x12: {  	s1 =	sld [smem:$0x3F97];
	s0 =	simm.s32 @p0 $0x1  }
0x13: {  	[smem:$0x3FB2] =	sst s0;
	s0 =	simm.s32 @!p1 $0x0  }
0x14: {  	s2 =	sld [smem:$0x3F96];
	s0 =	simm.s32 @p1 $0x1  }
0x15: {  	[smem:$0x3FB3] =	sst s0;
	s0 =	simm.s32 @!p2 $0x0  }
0x16: {  	s3 =	sld [smem:$0x3FDB];
	s0 =	simm.s32 @p2 $0x1  }
0x17: {  	s4 =	simm.s32 $0x1BF5;
	[smem:$0x3FB5] =	sst s0  }
0x18: {  	s0 =	sld [smem:$0x3F98];
	_ =	swait.ge [sflag:s4], $0x0  }
0x19: {  	s7 =	sld [smem:$0x3F99]  }
0x1a: {  	s8 =	sadd.s32 $0xFFFFE003, lr  }
0x1b: {  	s9 =	sadd.s32 $0xFFFFFEF7, lr;
	s5 =	simm.s32 $0xFFFFFFFF;
	p2 =	slt.u32 s8, $0xFFFFF086  }
0x1c: {  	p1 =	slt.u32 s9, $0xF7A;
	s5 =	simm.s32 @!p2 $0x0  }
0x1d: {  	s5 =	simm.s32 @p1 $0x1;
	p0 =	seq.s32 s7, s2  }
0x1e: {  	s7 =	smul.u32 @!p0 $0xF7A, s2;
	p2 =	seq.s32 @!p0 s5, $0x0  }
0x1f: {  	s9 =	smul.u32 $0xF7A, s1;
	s8 =	simm.s32 @!p0 $0x1BF5;
	p2 =	por !p2, p0  }
0x20: {  	[sflag:s8] =	ssyncset.s32 @!p0 $0xFFFFF086;
	s6 =	sadd.s32 @!p0 s3, s7;
	s7 =	simm.s32 @!p0 $0x108  }
0x21: {  	s3 =	sadd.s32 s3, s9;
	s6 =	sadd.s32 @!p0 $0x88, s6;
	s7 =	simm.s32 @p2 $0x1082  }
0x22: {  	[simem:s7], [sflag:s8] =	dma.local @!p0 [hbm:s6], $0xF7A  }
0x23: {  	s9 =	sor.u32 $0xD0000000, s2;
	s6 =	simm.s32 $0x108;
	_ =	swait.ge @!p0 [sflag:s8], $0x0  }
0x24: {  	s3 =	sadd.s32 $0x88, s3;
	s6 =	simm.s32 @!p1 $0x1082;
	[sflag:s4] =	ssyncset.s32 $0xFFFFF086  }
0x25: {  	[simem:s6], [sflag:s4] =	dma.local [hbm:s3], $0xF7A  }
0x26: {  	[smem:$0x3F99] =	sst s1;
	(tag) =	ssettag s2;
	_ =	strace s9  }
0x27: {  	s1 =	sld [smem:$0x3FA9]  }
0x28: {  	s2 =	sld [smem:$0x3FAA]  }
0x29: {  	s4 =	sld [smem:$0x3FAC]  }
0x2a: {  	p0 =	seq.s32 s5, $0x0;
	s5 =	sld [smem:$0x3FAD]  }
0x2b: {  	s6 =	sld [smem:$0x3FAE]  }
0x2c: {  	s7 =	sld [smem:$0x3FAF]  }
0x2d: {  	s3 =	simm.s32 $0x108;
	s8 =	sld [smem:$0x3FB0]  }
0x2e: {  	s3 =	simm.s32 @!p0 $0x1082;
	s9 =	sld [smem:$0x3FB1]  }
0x2f: {  	lr =	sadd.s32 s0, s3;
	s0 =	sld [smem:$0x3FA8]  }
0x30: {  	s3 =	sld [smem:$0x3FAB]  }
0x31: {  	[smem:$0x3FB4] =	sst s10  }
0x32: {  	s10 =	sld [smem:$0x3FB2];
	_ =	sdelay $0x3  }
0x33: {  	p0 =	seq.s32 s10, $0x1;
	s10 =	sld [smem:$0x3FB4];
	_ =	sdelay $0x3  }
0x34: {  	[smem:$0x3FB4] =	sst s10  }
0x35: {  	s10 =	sld [smem:$0x3FB3];
	_ =	sdelay $0x3  }
0x36: {  	p1 =	seq.s32 s10, $0x1;
	s10 =	sld [smem:$0x3FB4];
	_ =	sdelay $0x3  }
0x37: {  	[smem:$0x3FB4] =	sst s10  }
0x38: {  	s10 =	sld [smem:$0x3FB5]  }
0x39: {  	_ = 	snop;
	(pc) =	sbr.ind lr, $3  }
0x3a: {  	_ = 	snop  }
0x3b: {  	_ = 	snop  }
0x3c: {  	p2 =	seq.s32 s10, $0x1;
	s10 =	sld [smem:$0x3FB4]  }
0x3d: {  	_ =	shalt  }
0x3e: {  	_ =	shalt  }
0x3f: {  	_ =	shalt  }
0x40: {  	_ =	shalt  }
0x41: {  	_ =	shalt  }
0x42: {  	_ =	shalt  }
0x43: {  	_ =	shalt  }
0x44: {  	_ =	shalt  }
0x45: {  	_ =	shalt  }
0x46: {  	_ =	shalt  }
0x47: {  	_ =	shalt  }
0x48: {  	_ =	shalt  }
0x49: {  	_ =	shalt  }
0x4a: {  	_ =	shalt  }
0x4b: {  	_ =	shalt  }
0x4c: {  	_ =	shalt  }
0x4d: {  	_ =	shalt  }
0x4e: {  	_ =	shalt  }
0x4f: {  	_ =	shalt  }
0x50: {  	_ =	shalt  }
0x51: {  	_ =	shalt  }
0x52: {  	_ =	shalt  }
0x53: {  	_ =	shalt  }
0x54: {  	_ =	shalt  }
0x55: {  	_ =	shalt  }
0x56: {  	_ =	shalt  }
0x57: {  	_ =	shalt  }
0x58: {  	_ =	shalt  }
0x59: {  	_ =	shalt  }
0x5a: {  	_ =	shalt  }
0x5b: {  	_ =	shalt  }
0x5c: {  	_ =	shalt  }
0x5d: {  	_ =	shalt  }
0x5e: {  	_ =	shalt  }
0x5f: {  	_ =	shalt  }
0x60: {  	_ =	shalt  }
0x61: {  	_ =	shalt  }
0x62: {  	_ =	shalt  }
0x63: {  	_ =	shalt  }
0x64: {  	_ =	shalt  }
0x65: {  	_ =	shalt  }
0x66: {  	_ =	shalt  }
0x67: {  	_ =	shalt  }
0x68: {  	_ =	shalt  }
0x69: {  	_ =	shalt  }
0x6a: {  	_ =	shalt  }
0x6b: {  	_ =	shalt  }
0x6c: {  	_ =	shalt  }
0x6d: {  	_ =	shalt  }
0x6e: {  	_ =	shalt  }
0x6f: {  	_ =	shalt  }
0x70: {  	_ =	shalt  }
0x71: {  	_ =	shalt  }
0x72: {  	_ =	shalt  }
0x73: {  	_ =	shalt  }
0x74: {  	_ =	shalt  }
0x75: {  	_ =	shalt  }
0x76: {  	_ =	shalt  }
0x77: {  	_ =	shalt  }
0x78: {  	_ =	shalt  }
0x79: {  	_ =	shalt  }
0x7a: {  	_ =	shalt  }
0x7b: {  	_ =	shalt  }
0x7c: {  	_ =	shalt  }
0x7d: {  	_ =	shalt  }
0x7e: {  	_ =	shalt  }
0x7f: {  	_ =	shalt  }
0x80: {  	_ =	shalt  }
0x81: {  	_ =	shalt  }
0x82: {  	_ =	shalt  }
0x83: {  	_ =	shalt  }
0x84: {  	_ =	shalt  }
0x85: {  	_ =	shalt  }
0x86: {  	_ =	shalt  }
0x87: {  	_ =	shalt  }
.Lfunc_end0:
.L_simem_size_0:
called_computation_lowered:
.L_overlay_start_0:
0x88: {  	s2 =	sld [smem:$0x3FD9]  }
0x89: {  	s3 =	sld [smem:$0x3FFE];
	_ =	sdelay $0x1  }
0x8a: {  	s1 =	srdreg.scid  }
0x8b: {  	s0 =	sand.u32 $0x1, s1  }
0x8c: {  	s16 =	sshll.u32 s0, $0xA;
	s2 =	sadd.s32 s3, s2  }
0x8d: {  	s2 =	sadd.s32 s2, s16  }
0x8e: {  	[smem:$0x3FC0] =	sst s2  }
0x8f: {  	_ = 	snop  }
0x90: {  	(tm) =	ssettm $0x1  }
0x91: {  	s17 =	sld [smem:$0x3FFB];
	_ =	sdelay $0x3  }
0x92: {  	_ =	strace s17  }
0x93: {  	s2 =	sld [smem:$0x3FFC];
	_ =	sdelay $0x3  }
0x94: {  	_ =	strace s2  }
0x95: {  	s2 =	sld [smem:$0x3FFD];
	_ =	sdelay $0x3  }
0x96: {  	_ =	strace s2  }
0x97: {  	_ =	strace $0x8FFFFFFF  }
0x98: {  	s18 =	sld [smem:$0x3FDB];
	_ =	sdelay $0x1  }
0x99: {  	s19 =	simm.s32 $_scs_section_size  }
0x9a: {  	s4 =	simm.s32 $_size__tile_overlayer_lowered;
	s5 =	simm.s32 $_tile_overlayer_lowered  }
0x9b: {  	s22 =	simm.s32 $0x1BFF;
	s21 =	sshll.u32 s5, $0x1;
	s2 =	sadd.s32 s19, s18  }
0x9c: {  	s6 =	simm.s32 $0x0;
	s20 =	sshll.u32 s4, $0x1;
	s4 =	sadd.s32 s21, s2  }
0x9d: {  	[timem:s6], [sflag:s22] =	dma.local [hbm:s4], s20  }
0x9e: {  	_ =	swait.ge [sflag:s22], s20  }
0x9f: {  	s3 =	ssub.s32 $0x0, s20;
	[sflag:s22] =	ssyncset.done $0x0  }
0xa0: {  	[sflag:s22] =	ssyncadd.s32 s3;
	_ =	sdelay $0x1  }
0xa1: {  	s23 =	simm.s32 $0x1B8B  }
0xa2: {  	_ =	swait.ge [sflag:s23], $0x1  }
0xa3: {  	[sflag:s23] =	ssyncset.done $0x0  }
0xa4: {  	s25 =	simm.s32 $0x1B8E;
	s24 =	sld [smem:$0x3FFE];
	[sflag:s23] =	ssyncadd.s32 $0xFFFFFFFF  }
0xa5: {  	s26 =	simm.s32 $execute0_lowered;
	[smem:$0x3FD2] =	sst s25  }
0xa6: {  	s4 =	sshll.u32 s26, $0x1;
	_ =	strace $0x80000046;
	[dreg:$0x1] =	wrdreg $0xFFFFFFFF  }
0xa7: {  	s28 =	simm.s32 $_size_execute0_lowered;
	s2 =	sadd.s32 s2, s4;
	[dreg:$0x0] =	wrdreg $0x0  }
0xa8: {  	s4 =	sshll.u32 s28, $0x1;
	[dreg:$0x2] =	wrdreg s2  }
0xa9: {  	[dreg:$0x3] =	wrdreg s4  }
0xaa: {  	[dreg:$0x4] =	wrdreg $0xC0  }
0xab: {  	_ =	task [dreg:s6], $0x5FFFF  }
0xac: {  	[dreg:$0x1] =	wrdreg $0xFFFFFFFF  }
0xad: {  	[dreg:$0x0] =	wrdreg $0x60  }
0xae: {  	[dreg:$0x2] =	wrdreg s24  }
0xaf: {  	[dreg:$0x3] =	wrdreg $0x0  }
0xb0: {  	[dreg:$0x4] =	wrdreg $0x9  }
0xb1: {  	_ =	task.clear_ibuf [dreg:s6], $0x5FFFF;
	_ =	strace $0x90000046  }
0xb2: {  	s29 =	simm.s32 $0x9;
	_ =	strace $0x80000048  }
0xb3: {  	_ =	swait.ge [sflag:s29], $0x1  }
0xb4: {  	[sflag:s29] =	ssyncadd.s32 $0xFFFFFFFF  }
0xb5: {  	_ =	strace $0x90000048  }
0xb6: {  	_ =	sfence  }
0xb7: {  	s30 =	sld [smem:$0x0];
	_ =	sdelay $0x2  }
0xb8: {  	s31 =	sshll.u32 s1, $0xD;
	s1 =	sshrl.u32 s1, $0x2  }
0xb9: {  	s3 =	sand.u32 $0x4000, s31;
	s1 =	sadd.s32 s1, s30  }
0xba: {  	s0 =	sor.u32 s3, s0;
	s1 =	sshll.u32 s1, $0x11  }
0xbb: {  	s0 =	sor.u32 s1, s0  }
0xbc: {  	s0 =	sadd.s32 $0x8F2B, s0  }
0xbd: {  	[sflag:s0] =	ssyncadd.remote.s32 $0x1  }
0xbe: {  	_ =	sfence.sel $0xFFFF  }
0xbf: {  	[dreg:$0x0] =	wrdreg $0xFFFFFFFF;
	(pc) =	sbr.abs _section_cstart, $3  }
0xc0: {  	[dreg:$0x1] =	wrdreg $0xFFFFFFFF  }
0xc1: {  	_ =	task.clear_ibuf [dreg:s6], $0x2FFFF;
	_ =	strace $0x9FFFFFFF  }
0xc2: {  	(tm) =	ssettm $0x7FFFFFFF  }
0xc3: {  	_ =	shalt  }
tec
execute0_lowered:
.L_overlay_start_1:
0x0: {  	(tag) =	ssettag $0x1  }
0x1: {  	s0 =	srdreg.scid;
	s5 =	rddreg [dreg:$0x0]  }
0x2: {  	s1 =	rddreg [dreg:$0x1];
	s2 =	stileid.u32;
	s3 =	simm.s32 $0x0  }
0x3: {  	s14 =	simm.s32 $0x3;
	s15 =	simm.s32 $0x1;
	s16 =	simm.s32 $0x40  }
0x4: {  	s17 =	simm.s32 $0x0;
	s6 =	sand.u32 $0x1, s0;
	s0 =	rddreg [dreg:$0x2]  }
0x5: {  	[smem:$0x7FF] =	sst s3;
	s7 =	smul.u32 $0x4E000, s2;
	s11 =	sadd.s32 $0x2B400, s5  }
0x6: {  	s12 =	smul.u32 $0x13800, s2;
	p0 =	sne.s32 s2, $0x0;
	s4 =	sshll.u32 s6, $0x4  }
0x7: {  	_ =	strace $0x80000047;
	s9 =	ssub.s32 $0x2, s6;
	s10 =	smul.u32 $0x138800, s6  }
0x8: {  	s4 =	sor.u32 s2, s4;
	s28 =	sshrl.u32 s9, $0x1;
	s30 =	sshrl.u32 s7, $0x2  }
0x9: {  	s7 =	sadd.s32 $0x138000, s1;
	s8 =	smul.u32 $0x5000, s4;
	s4 =	sadd.s32 $0x17400, s5  }
.Ltmp0:
0xa: {  	s13 =	ssub.s32 s9, s28;
	s6 =	sadd.s32 s30, s1;
	(pc) =	sbr.rel .LBB2_1-.Ltmp0, $4  }
0xb: {  	s31 =	sadd.s32 s12, s10;
	s10 =	sshrl.u32 s10, $0x3;
	s12 =	simm.s32 $0x13C80  }
0xc: {  	s9 =	sshrl.u32 s31, $0x3;
	s10 =	sadd.s32 s11, s10;
	s29 =	sshrl.u32 s8, $0x3  }
0xd: {  	s8 =	sor.u32 $0x800, s8;
	s9 =	sadd.s32 s11, s9;
	s10 =	sadd.s32 $0x27000, s10  }
0xe: {  	v0 =	vimm.f32 $0.0e+00;
	v1 =	vimm.f32 $1.000000000e+00;
	s11 =	smax.u32 s13, $0x1;
	s13 =	simm.s32 $0x14C80;
	s5 =	sadd.s32 s4, s29  }
.LBB2_12:
0xf: {  	s18 =	sshll.u32 s2, $0x6  }
0x10: {  	[bflag:$0x0] =	sbarrier.arrive $0xFFFF;
	s19 =	sshrl.u32 s6, $0x3;
	s18 =	sor.u32 $0x1C03, s18  }
0x11: {  	[hbm:s9], [sflag:s18] =	dma.local [spmem:s19], $0x2700  }
0x12: {  	_ =	swait.ge [sflag:s14], $0x2700  }
0x13: {  	s17 =	sadd.s32 $0x1, s17;
	[sflag:s14] =	ssyncset.done $0x0  }
0x14: {  	p1 =	sne.s32 s17, s11;
	s19 =	sshrl.u32 @!p0 s7, $0x3;
	[sflag:s14] =	ssyncadd.s32 $0xFFFFD900  }
0x15: {  	[hbm:s10], [sflag:s18] =	dma.local @!p0 [spmem:s19], $0x100  }
.Ltmp1:
0x16: {  	_ = 	snop;
	(pc) =	sbr.rel @!p1 .LBB2_13-.Ltmp1, $4  }
0x17: {  	s18 =	simm.s32 @!p0 $0x3  }
0x18: {  	_ =	swait.ge @!p0 [sflag:s18], $0x100  }
0x19: {  	[sflag:s18] =	ssyncset.done @!p0 $0x0  }
0x1a: {  	[sflag:s18] =	ssyncadd.s32 @!p0 $0xFFFFFF00  }
.LBB2_1:
0x1b: {  	[tilespmem:s12], [sflag:$0x1] =	stream.linear.gather [hbm4b:s5+s3], $0x800, $0x38;
	[tilespmem:$0x1CC80] =	vst v63  }
0x1c: {  	s18 =	simm.s32 $0x0;
	s19 =	simm.s32 $0x200  }
.LBB2_2:
0x1d: {  	p1 =	sne.s32 s19, $0x1E00;
	[tilespmem:s18+$0x14CF0] =	vst v0  }
0x1e: {  	[tilespmem:s18+$0x14C80] =	vst v0  }
0x1f: {  	[tilespmem:s18+$0x14C90] =	vst v0  }
.Ltmp2:
0x20: {  	[tilespmem:s18+$0x14CA0] =	vst v0;
	(pc) =	sbr.rel @p1 .LBB2_2-.Ltmp2, $4  }
0x21: {  	[tilespmem:s18+$0x14CB0] =	vst v0  }
0x22: {  	[tilespmem:s18+$0x14CC0] =	vst v0  }
0x23: {  	[tilespmem:s18+$0x14CD0] =	vst v0  }
0x24: {  	[tilespmem:s18+$0x14CE0] =	vst v0;
	s18 =	sshra.s32 s19, $0x2;
	s19 =	sadd.s32 $0x200, s19  }
0x25: {  	[tilespmem:s18+$0x14CF0] =	vst v0  }
0x26: {  	[tilespmem:s18+$0x14C80] =	vst v0  }
0x27: {  	[tilespmem:s18+$0x14C90] =	vst v0  }
0x28: {  	[tilespmem:s18+$0x14CA0] =	vst v0  }
0x29: {  	[tilespmem:s18+$0x14CB0] =	vst v0  }
0x2a: {  	[tilespmem:s18+$0x14CC0] =	vst v0  }
0x2b: {  	[tilespmem:s18+$0x14CD0] =	vst v0  }
0x2c: {  	[tilespmem:s18+$0x14CE0] =	vst v0;
	s31 =	sadd.s32 $0x0, s6  }
0x2d: {  	[spmem:s31] =	stream.linear.scatter [tilespmem:s13], [sflag:$0x3], $0x800, $0x38;
	[tilespmem:$0x1CC80] =	vst v63  }
0x2e: {  	s18 =	simm.s32 $0x2000;
	_ =	swait.ge [sflag:s14], $0x800  }
.LBB2_4:
0x2f: {  	s19 =	sshra.s32 s18, $0x2;
	[sflag:s14] =	ssyncset.done $0x0;
	p1 =	sne.s32 s18, $0x4C000  }
.Ltmp3:
0x30: {  	s19 =	sadd.s32 s19, s6;
	[sflag:s14] =	ssyncadd.s32 $0xFFFFF800;
	(pc) =	sbr.rel @p1 .LBB2_4-.Ltmp3, $3  }
0x31: {  	[spmem:s19] =	stream.linear.scatter [tilespmem:s13], [sflag:$0x3], $0x800, $0x38;
	[tilespmem:$0x1CC80] =	vst v63  }
0x32: {  	s18 =	sadd.s32 $0x2000, s18;
	_ =	sdelay $0x1  }
0x33: {  	_ =	swait.ge [sflag:s14], $0x800  }
0x34: {  	[sflag:s14] =	ssyncset.done $0x0  }
0x35: {  	s18 =	simm.s32 @!p0 $0x14C80;
	[sflag:s14] =	ssyncadd.s32 $0xFFFFF800  }
0x36: {  	[spmem:s7] =	stream.linear.scatter @!p0 [tilespmem:s18], [sflag:$0x3], $0x800, $0x38;
	[tilespmem:$0x1CC80] =	vst v63  }
0x37: {  	s18 =	simm.s32 @!p0 $0x3  }
0x38: {  	_ =	swait.ge @!p0 [sflag:s18], $0x800  }
0x39: {  	[sflag:s18] =	ssyncset.done @!p0 $0x0  }
0x3a: {  	s19 =	simm.s32 $0x200;
	[sflag:s18] =	ssyncadd.s32 @!p0 $0xFFFFF800;
	s18 =	simm.s32 $0x0  }
.LBB2_6:
0x3b: {  	p1 =	sne.s32 s19, $0x7E00;
	[tilespmem:s18+$0x14CF0] =	vst v1  }
0x3c: {  	[tilespmem:s18+$0x14C80] =	vst v1  }
0x3d: {  	[tilespmem:s18+$0x14C90] =	vst v1  }
.Ltmp4:
0x3e: {  	[tilespmem:s18+$0x14CA0] =	vst v1;
	(pc) =	sbr.rel @p1 .LBB2_6-.Ltmp4, $4  }
0x3f: {  	[tilespmem:s18+$0x14CB0] =	vst v1  }
0x40: {  	[tilespmem:s18+$0x14CC0] =	vst v1  }
0x41: {  	[tilespmem:s18+$0x14CD0] =	vst v1  }
0x42: {  	[tilespmem:s18+$0x14CE0] =	vst v1;
	s18 =	sshra.s32 s19, $0x2;
	s19 =	sadd.s32 $0x200, s19  }
0x43: {  	[tilespmem:s18+$0x14CF0] =	vst v1  }
0x44: {  	[tilespmem:s18+$0x14C80] =	vst v1  }
0x45: {  	[tilespmem:s18+$0x14C90] =	vst v1  }
0x46: {  	[tilespmem:s18+$0x14CA0] =	vst v1  }
0x47: {  	[tilespmem:s18+$0x14CB0] =	vst v1  }
0x48: {  	[tilespmem:s18+$0x14CC0] =	vst v1  }
0x49: {  	[tilespmem:s18+$0x14CD0] =	vst v1  }
0x4a: {  	[tilespmem:s18+$0x14CE0] =	vst v1  }
.Ltmp5:
0x4b: {  	_ =	swait.ge [sflag:s15], $0x800;
	(pc) =	sbr.rel .LBB2_8-.Ltmp5, $4  }
0x4c: {  	[sflag:s15] =	ssyncset.done $0x0  }
0x4d: {  	[sflag:s15] =	ssyncadd.s32 $0xFFFFF800  }
0x4e: {  	[bflag:$0x0] =	sbarrier.arrive $0xFFFF  }
0x4f: {  	s18 =	simm.s32 $0x0  }
.LBB2_10:
0x50: {  	p2 =	sne.s32 @!p1 s19, $0xC  }
0x51: {  	p1 =	por p2, p1  }
0x52: {  	s21 =	sxor.u32 @!p1 $0x1, s20  }
0x53: {  	s21 =	sadd.s32 @!p1 $0x1, s21  }
0x54: {  	_ =	swait.ge @!p1 [sflag:s21], $0x800  }
0x55: {  	[sflag:s21] =	ssyncset.done @!p1 $0x0  }
0x56: {  	[sflag:s21] =	ssyncadd.s32 @!p1 $0xFFFFF800  }
.LBB2_11:
0x57: {  	s20 =	sshll.u32 s20, $0xB;
	s19 =	sshll.u32 s19, $0x7;
	s18 =	sadd.s32 $0x1, s18  }
0x58: {  	s19 =	sor.u32 s19, s20;
	p1 =	sne.s32 s18, $0xA0  }
.Ltmp6:
0x59: {  	s19 =	sadd.s32 $0x13C80, s19;
	(pc) =	sbr.rel @!p1 .LBB2_12-.Ltmp6, $4  }
0x5a: {  	[spmem:s1] =	stream.indirect.scatter.add.f32 [tilespmem:s13], [sflag:$0x3], $0x80, s19, s16, $0xb8;
	[tilespmem:$0x1CC80] =	vst v63  }
0x5b: {  	_ =	swait.ge [sflag:s14], $0x2000  }
0x5c: {  	[sflag:s14] =	ssyncset.done $0x0  }
0x5d: {  	[sflag:s14] =	ssyncadd.s32 $0xFFFFE000  }
.LBB2_8:
0x5e: {  	s19 =	sand.u32 $0xF, s18;
	p1 =	sgt.u32 s18, $0x8F  }
0x5f: {  	p2 =	sne.s32 @!p1 s19, $0x0  }
0x60: {  	p2 =	por p1, p2  }
.Ltmp7:
0x61: {  	_ = 	snop;
	(pc) =	sbr.rel @p2 .LBB2_10-.Ltmp7, $3  }
0x62: {  	_ =	sdelay $0x1  }
0x63: {  	s21 =	sshrl.u32 s18, $0x4  }
0x64: {  	s20 =	sand.u32 $0x1, s21  }
.Ltmp8:
0x65: {  	s21 =	sshll.u32 s21, $0xB;
	(pc) =	sbr.rel .LBB2_11-.Ltmp8, $4  }
0x66: {  	s22 =	sxor.u32 $0x1, s20;
	s21 =	sadd.s32 s21, s8  }
0x67: {  	s23 =	sshll.u32 s22, $0xB;
	s21 =	sshrl.u32 s21, $0x3  }
0x68: {  	s22 =	sadd.s32 $0x1, s22;
	s23 =	sadd.s32 $0x13C80, s23;
	s21 =	sadd.s32 s4, s21  }
0x69: {  	[tilespmem:s23], [sflag:s22] =	stream.linear.gather [hbm4b:s21+s3], $0x800, $0x38;
	[tilespmem:$0x1CC80] =	vst v63  }
.LBB2_13:
0x6a: {  	_ =	sfence.sel $0x180000  }
0x6b: {  	[bflag:$0x0] =	sbarrier.arrive $0xFFFF  }
0x6c: {  	_ =	strace $0x90000047  }
0x6d: {  	s0 =	sadd.s32 @!p0 $0x100000, s0;
	[bflag:$0x2] =	sbarrier.arrive $0xFFFF  }
0x6e: {  	[sflag:s0] =	ssyncadd.tile.s32 @!p0 $0x1;
	_ =	shalt  }
.Lfunc_end2:
_tile_overlayer_lowered:
.L_overlay_start_2:
0x6f: {  	(tag) =	ssettag $0x2  }
0x70: {  	s0 =	rddreg [dreg:$0x0];
	s2 =	stileid.u32  }
0x71: {  	s1 =	rddreg [dreg:$0x1];
	p0 =	sne.s32 s2, $0x0  }
0x72: {  	s3 =	rddreg [dreg:$0x2];
	[bflag:$0x3] =	sbarrier.arrive $0xFFFF;
	s2 =	simm.s32 @!p0 $0x1C03  }
0x73: {  	[timem:s3], [sflag:s2] =	dma.local @!p0 [hbm:s0], s1  }
0x74: {  	s0 =	simm.s32 @!p0 $0x3  }
0x75: {  	_ =	swait.ge @!p0 [sflag:s0], s1  }
0x76: {  	s1 =	ssub.s32 @!p0 $0x0, s1;
	[sflag:s0] =	ssyncset.done @!p0 $0x0  }
0x77: {  	[sflag:s0] =	ssyncadd.s32 @!p0 s1  }
0x78: {  	[bflag:$0x3] =	sbarrier.arrive $0xFFFF  }
0x79: {  	_ =	shalt  }

// kernel: kernel.13.cloned.1.call-start
scs
__scs_entry_jumppad:
0x0: {  	(pc) =	sbr.rel $0x88, $3  }
0x1: {  	(tag) =	ssettag $0x0;
	lr =	simm.s32 $0x1  }
0x2: {  	[smem:$0x3F99] =	sst lr;
	_ =	strace $0xD0000000  }
0x3: {  	_ = 	snop  }
0x4: {  	_ = 	snop  }
0x5: {  	_ = 	snop  }
0x6: {  	_ = 	snop  }
0x7: {  	_ = 	snop  }
__scs_overlays_trampoline_lowered:
0x8: {  	[smem:$0x3FA8] =	sst s0  }
0x9: {  	[smem:$0x3FA9] =	sst s1  }
0xa: {  	[smem:$0x3FAA] =	sst s2  }
0xb: {  	[smem:$0x3FAB] =	sst s3  }
0xc: {  	[smem:$0x3FAC] =	sst s4  }
0xd: {  	[smem:$0x3FAD] =	sst s5  }
0xe: {  	[smem:$0x3FAE] =	sst s6  }
0xf: {  	[smem:$0x3FAF] =	sst s7  }
0x10: {  	[smem:$0x3FB0] =	sst s8  }
0x11: {  	[smem:$0x3FB1] =	sst s9;
	s0 =	simm.s32 @!p0 $0x0  }
0x12: {  	s1 =	sld [smem:$0x3F97];
	s0 =	simm.s32 @p0 $0x1  }
0x13: {  	[smem:$0x3FB2] =	sst s0;
	s0 =	simm.s32 @!p1 $0x0  }
0x14: {  	s2 =	sld [smem:$0x3F96];
	s0 =	simm.s32 @p1 $0x1  }
0x15: {  	[smem:$0x3FB3] =	sst s0;
	s0 =	simm.s32 @!p2 $0x0  }
0x16: {  	s3 =	sld [smem:$0x3FDB];
	s0 =	simm.s32 @p2 $0x1  }
0x17: {  	s4 =	simm.s32 $0x1BF5;
	[smem:$0x3FB5] =	sst s0  }
0x18: {  	s0 =	sld [smem:$0x3F98];
	_ =	swait.ge [sflag:s4], $0x0  }
0x19: {  	s7 =	sld [smem:$0x3F99]  }
0x1a: {  	s8 =	sadd.s32 $0xFFFFE003, lr  }
0x1b: {  	s9 =	sadd.s32 $0xFFFFFEF7, lr;
	s5 =	simm.s32 $0xFFFFFFFF;
	p2 =	slt.u32 s8, $0xFFFFF086  }
0x1c: {  	p1 =	slt.u32 s9, $0xF7A;
	s5 =	simm.s32 @!p2 $0x0  }
0x1d: {  	s5 =	simm.s32 @p1 $0x1;
	p0 =	seq.s32 s7, s2  }
0x1e: {  	s7 =	smul.u32 @!p0 $0xF7A, s2;
	p2 =	seq.s32 @!p0 s5, $0x0  }
0x1f: {  	s9 =	smul.u32 $0xF7A, s1;
	s8 =	simm.s32 @!p0 $0x1BF5;
	p2 =	por !p2, p0  }
0x20: {  	[sflag:s8] =	ssyncset.s32 @!p0 $0xFFFFF086;
	s6 =	sadd.s32 @!p0 s3, s7;
	s7 =	simm.s32 @!p0 $0x108  }
0x21: {  	s3 =	sadd.s32 s3, s9;
	s6 =	sadd.s32 @!p0 $0x88, s6;
	s7 =	simm.s32 @p2 $0x1082  }
0x22: {  	[simem:s7], [sflag:s8] =	dma.local @!p0 [hbm:s6], $0xF7A  }
0x23: {  	s9 =	sor.u32 $0xD0000000, s2;
	s6 =	simm.s32 $0x108;
	_ =	swait.ge @!p0 [sflag:s8], $0x0  }
0x24: {  	s3 =	sadd.s32 $0x88, s3;
	s6 =	simm.s32 @!p1 $0x1082;
	[sflag:s4] =	ssyncset.s32 $0xFFFFF086  }
0x25: {  	[simem:s6], [sflag:s4] =	dma.local [hbm:s3], $0xF7A  }
0x26: {  	[smem:$0x3F99] =	sst s1;
	(tag) =	ssettag s2;
	_ =	strace s9  }
0x27: {  	s1 =	sld [smem:$0x3FA9]  }
0x28: {  	s2 =	sld [smem:$0x3FAA]  }
0x29: {  	s4 =	sld [smem:$0x3FAC]  }
0x2a: {  	p0 =	seq.s32 s5, $0x0;
	s5 =	sld [smem:$0x3FAD]  }
0x2b: {  	s6 =	sld [smem:$0x3FAE]  }
0x2c: {  	s7 =	sld [smem:$0x3FAF]  }
0x2d: {  	s3 =	simm.s32 $0x108;
	s8 =	sld [smem:$0x3FB0]  }
0x2e: {  	s3 =	simm.s32 @!p0 $0x1082;
	s9 =	sld [smem:$0x3FB1]  }
0x2f: {  	lr =	sadd.s32 s0, s3;
	s0 =	sld [smem:$0x3FA8]  }
0x30: {  	s3 =	sld [smem:$0x3FAB]  }
0x31: {  	[smem:$0x3FB4] =	sst s10  }
0x32: {  	s10 =	sld [smem:$0x3FB2];
	_ =	sdelay $0x3  }
0x33: {  	p0 =	seq.s32 s10, $0x1;
	s10 =	sld [smem:$0x3FB4];
	_ =	sdelay $0x3  }
0x34: {  	[smem:$0x3FB4] =	sst s10  }
0x35: {  	s10 =	sld [smem:$0x3FB3];
	_ =	sdelay $0x3  }
0x36: {  	p1 =	seq.s32 s10, $0x1;
	s10 =	sld [smem:$0x3FB4];
	_ =	sdelay $0x3  }
0x37: {  	[smem:$0x3FB4] =	sst s10  }
0x38: {  	s10 =	sld [smem:$0x3FB5]  }
0x39: {  	_ = 	snop;
	(pc) =	sbr.ind lr, $3  }
0x3a: {  	_ = 	snop  }
0x3b: {  	_ = 	snop  }
0x3c: {  	p2 =	seq.s32 s10, $0x1;
	s10 =	sld [smem:$0x3FB4]  }
0x3d: {  	_ =	shalt  }
0x3e: {  	_ =	shalt  }
0x3f: {  	_ =	shalt  }
0x40: {  	_ =	shalt  }
0x41: {  	_ =	shalt  }
0x42: {  	_ =	shalt  }
0x43: {  	_ =	shalt  }
0x44: {  	_ =	shalt  }
0x45: {  	_ =	shalt  }
0x46: {  	_ =	shalt  }
0x47: {  	_ =	shalt  }
0x48: {  	_ =	shalt  }
0x49: {  	_ =	shalt  }
0x4a: {  	_ =	shalt  }
0x4b: {  	_ =	shalt  }
0x4c: {  	_ =	shalt  }
0x4d: {  	_ =	shalt  }
0x4e: {  	_ =	shalt  }
0x4f: {  	_ =	shalt  }
0x50: {  	_ =	shalt  }
0x51: {  	_ =	shalt  }
0x52: {  	_ =	shalt  }
0x53: {  	_ =	shalt  }
0x54: {  	_ =	shalt  }
0x55: {  	_ =	shalt  }
0x56: {  	_ =	shalt  }
0x57: {  	_ =	shalt  }
0x58: {  	_ =	shalt  }
0x59: {  	_ =	shalt  }
0x5a: {  	_ =	shalt  }
0x5b: {  	_ =	shalt  }
0x5c: {  	_ =	shalt  }
0x5d: {  	_ =	shalt  }
0x5e: {  	_ =	shalt  }
0x5f: {  	_ =	shalt  }
0x60: {  	_ =	shalt  }
0x61: {  	_ =	shalt  }
0x62: {  	_ =	shalt  }
0x63: {  	_ =	shalt  }
0x64: {  	_ =	shalt  }
0x65: {  	_ =	shalt  }
0x66: {  	_ =	shalt  }
0x67: {  	_ =	shalt  }
0x68: {  	_ =	shalt  }
0x69: {  	_ =	shalt  }
0x6a: {  	_ =	shalt  }
0x6b: {  	_ =	shalt  }
0x6c: {  	_ =	shalt  }
0x6d: {  	_ =	shalt  }
0x6e: {  	_ =	shalt  }
0x6f: {  	_ =	shalt  }
0x70: {  	_ =	shalt  }
0x71: {  	_ =	shalt  }
0x72: {  	_ =	shalt  }
0x73: {  	_ =	shalt  }
0x74: {  	_ =	shalt  }
0x75: {  	_ =	shalt  }
0x76: {  	_ =	shalt  }
0x77: {  	_ =	shalt  }
0x78: {  	_ =	shalt  }
0x79: {  	_ =	shalt  }
0x7a: {  	_ =	shalt  }
0x7b: {  	_ =	shalt  }
0x7c: {  	_ =	shalt  }
0x7d: {  	_ =	shalt  }
0x7e: {  	_ =	shalt  }
0x7f: {  	_ =	shalt  }
0x80: {  	_ =	shalt  }
0x81: {  	_ =	shalt  }
0x82: {  	_ =	shalt  }
0x83: {  	_ =	shalt  }
0x84: {  	_ =	shalt  }
0x85: {  	_ =	shalt  }
0x86: {  	_ =	shalt  }
0x87: {  	_ =	shalt  }
.Lfunc_end0:
.L_simem_size_0:
called_computation.1_lowered:
.L_overlay_start_0:
0x88: {  	s2 =	sld [smem:$0x3FD9]  }
0x89: {  	s3 =	sld [smem:$0x3FFE];
	_ =	sdelay $0x1  }
0x8a: {  	s1 =	srdreg.scid  }
0x8b: {  	s0 =	sand.u32 $0x1, s1  }
0x8c: {  	s17 =	sshll.u32 s0, $0xA;
	s2 =	sadd.s32 s3, s2  }
0x8d: {  	s2 =	sadd.s32 s2, s17  }
0x8e: {  	[smem:$0x3FC0] =	sst s2  }
0x8f: {  	_ = 	snop  }
0x90: {  	s2 =	sld [smem:$0x3FD0];
	(tm) =	ssettm $0x1  }
0x91: {  	s18 =	sld [smem:$0x3FFB];
	_ =	sdelay $0x3  }
0x92: {  	_ =	strace s18  }
0x93: {  	s3 =	sld [smem:$0x3FFC];
	_ =	sdelay $0x3  }
0x94: {  	_ =	strace s3  }
0x95: {  	s3 =	sld [smem:$0x3FFD];
	_ =	sdelay $0x3  }
0x96: {  	_ =	strace s3  }
0x97: {  	_ =	strace $0x8FFFFFFF  }
0x98: {  	s19 =	sld [smem:$0x3FDB];
	_ =	sdelay $0x1  }
0x99: {  	s4 =	simm.s32 $_scs_section_size  }
0x9a: {  	s5 =	simm.s32 $_size__tile_overlayer_lowered;
	s6 =	simm.s32 $_tile_overlayer_lowered  }
0x9b: {  	s22 =	simm.s32 $0x1BFF;
	s21 =	sshll.u32 s6, $0x1;
	s3 =	sadd.s32 s4, s19  }
0x9c: {  	s7 =	simm.s32 $0x0;
	s20 =	sshll.u32 s5, $0x1;
	s5 =	sadd.s32 s21, s3  }
0x9d: {  	[timem:s7], [sflag:s22] =	dma.local [hbm:s5], s20  }
0x9e: {  	_ =	swait.ge [sflag:s22], s20  }
0x9f: {  	s4 =	ssub.s32 $0x0, s20;
	[sflag:s22] =	ssyncset.done $0x0  }
0xa0: {  	[sflag:s22] =	ssyncadd.s32 s4;
	_ =	sdelay $0x1  }
0xa1: {  	s23 =	simm.s32 $0x1B8B  }
0xa2: {  	_ =	swait.ge [sflag:s23], $0x1  }
0xa3: {  	[sflag:s23] =	ssyncset.done $0x0  }
0xa4: {  	s25 =	simm.s32 $0x1B8E;
	s24 =	sld [smem:$0x3FFE];
	[sflag:s23] =	ssyncadd.s32 $0xFFFFFFFF  }
0xa5: {  	s26 =	simm.s32 $execute0_lowered;
	[smem:$0x3FD2] =	sst s25  }
0xa6: {  	s5 =	sshll.u32 s26, $0x1;
	_ =	strace $0x80000049;
	[dreg:$0x1] =	wrdreg $0xFFFFFFFF  }
0xa7: {  	s28 =	simm.s32 $_size_execute0_lowered;
	s3 =	sadd.s32 s3, s5;
	[dreg:$0x0] =	wrdreg $0x0  }
0xa8: {  	s5 =	sshll.u32 s28, $0x1;
	[dreg:$0x2] =	wrdreg s3  }
0xa9: {  	[dreg:$0x3] =	wrdreg s5  }
0xaa: {  	[dreg:$0x4] =	wrdreg $0xC0  }
0xab: {  	_ =	task [dreg:s7], $0x5FFFF  }
0xac: {  	[dreg:$0x1] =	wrdreg $0xFFFFFFFF  }
0xad: {  	[dreg:$0x0] =	wrdreg $0x60  }
0xae: {  	[dreg:$0x2] =	wrdreg s24  }
0xaf: {  	[dreg:$0x3] =	wrdreg s2  }
0xb0: {  	[dreg:$0x4] =	wrdreg $0x0  }
0xb1: {  	[dreg:$0x5] =	wrdreg $0x9  }
0xb2: {  	_ =	task.clear_ibuf [dreg:s7], $0x6FFFF;
	_ =	strace $0x90000049  }
0xb3: {  	s29 =	simm.s32 $0x9;
	_ =	strace $0x8000004B  }
0xb4: {  	_ =	swait.ge [sflag:s29], $0x1  }
0xb5: {  	[sflag:s29] =	ssyncadd.s32 $0xFFFFFFFF  }
0xb6: {  	_ =	strace $0x9000004B  }
0xb7: {  	_ =	sfence  }
0xb8: {  	s30 =	sld [smem:$0x0];
	_ =	sdelay $0x2  }
0xb9: {  	s31 =	sshll.u32 s1, $0xD;
	s1 =	sshrl.u32 s1, $0x2  }
0xba: {  	s3 =	sand.u32 $0x4000, s31;
	s1 =	sadd.s32 s1, s30  }
0xbb: {  	s0 =	sor.u32 s3, s0;
	s1 =	sshll.u32 s1, $0x11  }
0xbc: {  	s0 =	sor.u32 s1, s0  }
0xbd: {  	s0 =	sadd.s32 $0x8F2B, s0  }
0xbe: {  	[sflag:s0] =	ssyncadd.remote.s32 $0x1  }
0xbf: {  	_ =	sfence.sel $0xFFFF  }
0xc0: {  	[dreg:$0x0] =	wrdreg $0xFFFFFFFF;
	(pc) =	sbr.abs _section_cstart, $3  }
0xc1: {  	[dreg:$0x1] =	wrdreg $0xFFFFFFFF  }
0xc2: {  	_ =	task.clear_ibuf [dreg:s7], $0x2FFFF;
	_ =	strace $0x9FFFFFFF  }
0xc3: {  	(tm) =	ssettm $0x7FFFFFFF  }
tec
execute0_lowered:
.L_overlay_start_1:
0x0: {  	(tag) =	ssettag $0x1  }
0x1: {  	s0 =	rddreg [dreg:$0x0]  }
0x2: {  	s1 =	rddreg [dreg:$0x1]  }
0x3: {  	s2 =	rddreg [dreg:$0x2]  }
0x4: {  	s4 =	srdreg.scid;
	s3 =	simm.s32 $0x0;
	s16 =	stileid.u32  }
0x5: {  	s15 =	simm.s32 $0x13C80;
	s17 =	simm.s32 $0x15C80;
	s18 =	simm.s32 $0x7  }
0x6: {  	s19 =	simm.s32 $0x5;
	s20 =	simm.s32 $0x40;
	s23 =	simm.s32 $0x13D80  }
0x7: {  	s24 =	simm.s32 $0x19C80;
	s25 =	simm.s32 $0x0;
	s9 =	smul.u32 $0x4E000, s16  }
0x8: {  	s4 =	sand.u32 $0x1, s4;
	[smem:$0x7FF] =	sst s3;
	s12 =	smul.u32 $0x13800, s16  }
0x9: {  	s10 =	sadd.s32 $0x138000, s2;
	p0 =	sne.s32 s16, $0x0;
	s5 =	sshll.u32 s4, $0x4  }
0xa: {  	_ =	strace $0x8000004A;
	s7 =	ssub.s32 $0x2, s4;
	s4 =	smul.u32 $0x138800, s4  }
0xb: {  	s6 =	sor.u32 s16, s5;
	s5 =	sadd.s32 $0x3400, s0;
	s8 =	sshrl.u32 s7, $0x1  }
0xc: {  	s9 =	sshrl.u32 s9, $0x2;
	s11 =	smul.u32 $0x5000, s6;
	s6 =	sadd.s32 $0x17400, s0  }
.Ltmp0:
0xd: {  	s0 =	sadd.s32 $0x2B400, s0;
	s14 =	ssub.s32 s7, s8;
	(pc) =	sbr.rel .LBB2_1-.Ltmp0, $4  }
0xe: {  	s9 =	sadd.s32 s9, s2;
	s12 =	sadd.s32 s12, s4;
	s4 =	sshrl.u32 s4, $0x3  }
0xf: {  	s12 =	sshrl.u32 s12, $0x3;
	s4 =	sadd.s32 s0, s4;
	s14 =	smax.u32 s14, $0x1  }
0x10: {  	s31 =	sshrl.u32 s11, $0x3;
	s11 =	sor.u32 $0x800, s11;
	s12 =	sadd.s32 s0, s12  }
0x11: {  	v0 =	vimm.f32 $0.0e+00;
	s13 =	sadd.s32 $0x27000, s4;
	s7 =	sadd.s32 s5, s31;
	s8 =	sadd.s32 s6, s31  }
.LBB2_13:
0x12: {  	s0 =	stileid.u32  }
0x13: {  	s0 =	sshll.u32 s0, $0x6  }
0x14: {  	[bflag:$0x0] =	sbarrier.arrive $0xFFFF;
	s4 =	sshrl.u32 s9, $0x3;
	s0 =	sor.u32 $0x1C07, s0  }
0x15: {  	[hbm:s12], [sflag:s0] =	dma.local [spmem:s4], $0x2700  }
0x16: {  	_ =	swait.ge [sflag:s18], $0x2700  }
0x17: {  	s25 =	sadd.s32 $0x1, s25;
	[sflag:s18] =	ssyncset.done $0x0  }
0x18: {  	p1 =	sne.s32 s25, s14;
	s4 =	sshrl.u32 @!p0 s10, $0x3;
	[sflag:s18] =	ssyncadd.s32 $0xFFFFD900  }
0x19: {  	[hbm:s13], [sflag:s0] =	dma.local @!p0 [spmem:s4], $0x100  }
.Ltmp1:
0x1a: {  	_ = 	snop;
	(pc) =	sbr.rel @!p1 .LBB2_14-.Ltmp1, $4  }
0x1b: {  	s0 =	simm.s32 @!p0 $0x7  }
0x1c: {  	_ =	swait.ge @!p0 [sflag:s0], $0x100  }
0x1d: {  	[sflag:s0] =	ssyncset.done @!p0 $0x0  }
0x1e: {  	[sflag:s0] =	ssyncadd.s32 @!p0 $0xFFFFFF00  }
.LBB2_1:
0x1f: {  	[tilespmem:s15], [sflag:$0x5] =	stream.linear.gather [hbm4b:s7+s3], $0x800, $0x38;
	[tilespmem:$0x1DC80] =	vst v63  }
0x20: {  	s0 =	simm.s32 $0x14C80;
	s26 =	simm.s32 $0x0;
	s28 =	simm.s32 $0x200  }
0x21: {  	[tilespmem:s0], [sflag:$0x5] =	stream.linear.gather [hbm4b:s8+s3], $0x800, $0x38;
	[tilespmem:$0x1DC80] =	vst v63  }
.LBB2_2:
0x22: {  	p1 =	sne.s32 s28, $0x1E00;
	[tilespmem:s26+$0x15CF0] =	vst v0  }
0x23: {  	[tilespmem:s26+$0x15C80] =	vst v0  }
0x24: {  	[tilespmem:s26+$0x15C90] =	vst v0  }
.Ltmp2:
0x25: {  	[tilespmem:s26+$0x15CA0] =	vst v0;
	(pc) =	sbr.rel @p1 .LBB2_2-.Ltmp2, $4  }
0x26: {  	[tilespmem:s26+$0x15CB0] =	vst v0  }
0x27: {  	[tilespmem:s26+$0x15CC0] =	vst v0  }
0x28: {  	[tilespmem:s26+$0x15CD0] =	vst v0  }
0x29: {  	[tilespmem:s26+$0x15CE0] =	vst v0;
	s26 =	sshra.s32 s28, $0x2;
	s28 =	sadd.s32 $0x200, s28  }
0x2a: {  	[tilespmem:s26+$0x15CF0] =	vst v0  }
0x2b: {  	[tilespmem:s26+$0x15C80] =	vst v0  }
0x2c: {  	[tilespmem:s26+$0x15C90] =	vst v0  }
0x2d: {  	[tilespmem:s26+$0x15CA0] =	vst v0  }
0x2e: {  	[tilespmem:s26+$0x15CB0] =	vst v0  }
0x2f: {  	[tilespmem:s26+$0x15CC0] =	vst v0  }
0x30: {  	[tilespmem:s26+$0x15CD0] =	vst v0  }
0x31: {  	[tilespmem:s26+$0x15CE0] =	vst v0;
	s0 =	sadd.s32 $0x0, s9  }
0x32: {  	[spmem:s0] =	stream.linear.scatter [tilespmem:s17], [sflag:$0x7], $0x800, $0x38;
	[tilespmem:$0x1DC80] =	vst v63  }
0x33: {  	s0 =	simm.s32 $0x2000;
	_ =	swait.ge [sflag:s18], $0x800  }
.LBB2_4:
0x34: {  	s4 =	sshra.s32 s0, $0x2;
	[sflag:s18] =	ssyncset.done $0x0;
	p1 =	sne.s32 s0, $0x4C000  }
.Ltmp3:
0x35: {  	s4 =	sadd.s32 s4, s9;
	[sflag:s18] =	ssyncadd.s32 $0xFFFFF800;
	(pc) =	sbr.rel @p1 .LBB2_4-.Ltmp3, $3  }
0x36: {  	[spmem:s4] =	stream.linear.scatter [tilespmem:s17], [sflag:$0x7], $0x800, $0x38;
	[tilespmem:$0x1DC80] =	vst v63  }
0x37: {  	s0 =	sadd.s32 $0x2000, s0;
	_ =	sdelay $0x1  }
0x38: {  	_ =	swait.ge [sflag:s18], $0x800  }
0x39: {  	[sflag:s18] =	ssyncset.done $0x0  }
0x3a: {  	s0 =	simm.s32 @!p0 $0x15C80;
	[sflag:s18] =	ssyncadd.s32 $0xFFFFF800  }
0x3b: {  	[spmem:s10] =	stream.linear.scatter @!p0 [tilespmem:s0], [sflag:$0x7], $0x800, $0x38;
	[tilespmem:$0x1DC80] =	vst v63  }
0x3c: {  	s0 =	simm.s32 @!p0 $0x7  }
0x3d: {  	_ =	swait.ge @!p0 [sflag:s0], $0x800  }
0x3e: {  	[sflag:s0] =	ssyncset.done @!p0 $0x0  }
0x3f: {  	[sflag:s0] =	ssyncadd.s32 @!p0 $0xFFFFF800  }
0x40: {  	_ =	swait.ge [sflag:s19], $0x800  }
0x41: {  	[sflag:s19] =	ssyncset.done $0x0  }
0x42: {  	[sflag:s19] =	ssyncadd.s32 $0xFFFFF800  }
0x43: {  	_ =	swait.ge [sflag:s19], $0x800  }
0x44: {  	[sflag:s19] =	ssyncset.done $0x0  }
0x45: {  	[sflag:s19] =	ssyncadd.s32 $0xFFFFF800  }
0x46: {  	[bflag:$0x0] =	sbarrier.arrive $0xFFFF  }
0x47: {  	[tilespmem:s17], [sflag:$0x1] =	stream.indirect.gather [hbm4b:s1+s20], $0x80, s15, s20, $0xb8;
	[tilespmem:$0x1DC80] =	vst v63  }
0x48: {  	s31 =	simm.s32 $0x13D00;
	s4 =	simm.s32 $0x17C80  }
0x49: {  	[tilespmem:s4], [sflag:$0x2] =	stream.indirect.gather [hbm4b:s1+s20], $0x80, s31, s20, $0xb8;
	[tilespmem:$0x1DC80] =	vst v63  }
0x4a: {  	s26 =	simm.s32 $0x3;
	s28 =	simm.s32 $0x600  }
0x4b: {  	[tilespmem:s24], [sflag:$0x3] =	stream.indirect.gather [hbm4b:s1+s20], $0x80, s23, s20, $0xb8;
	[tilespmem:$0x1DC80] =	vst v63  }
.LBB2_6:
0x4c: {  	s0 =	sadd.s32 $0xFFFFFFFD, s26  }
0x4d: {  	s30 =	sand.u32 $0xF, s0;
	p1 =	sgt.u32 s0, $0x8F  }
0x4e: {  	p2 =	sne.s32 @!p1 s30, $0x0  }
0x4f: {  	p2 =	por p1, p2  }
.Ltmp4:
0x50: {  	s29 =	sand.u32 $0x3, s0;
	(pc) =	sbr.rel @p2 .LBB2_8-.Ltmp4, $4  }
0x51: {  	s16 =	sadd.s32 $0x1, s29  }
0x52: {  	_ =	swait.ge [sflag:s16], $0x2000  }
0x53: {  	s4 =	sshrl.u32 s0, $0x4;
	[sflag:s16] =	ssyncset.done $0x0  }
0x54: {  	s31 =	sand.u32 $0x1, s4;
	[sflag:s16] =	ssyncadd.s32 $0xFFFFE000  }
0x55: {  	s0 =	sshll.u32 s4, $0xB  }
0x56: {  	s22 =	sxor.u32 $0x1, s31;
	s0 =	sadd.s32 s0, s11  }
.Ltmp5:
0x57: {  	s16 =	sshll.u32 s22, $0xB;
	s0 =	sshrl.u32 s0, $0x3;
	(pc) =	sbr.rel .LBB2_11-.Ltmp5, $4  }
0x58: {  	s4 =	sadd.s32 $0x5, s22;
	s21 =	sadd.s32 $0x13C80, s16;
	s22 =	sadd.s32 s5, s0  }
0x59: {  	[tilespmem:s21], [sflag:s4] =	stream.linear.gather [hbm4b:s22+s3], $0x800, $0x38;
	[tilespmem:$0x1DC80] =	vst v63  }
0x5a: {  	s16 =	sadd.s32 $0x14C80, s16;
	s0 =	sadd.s32 s6, s0  }
0x5b: {  	[tilespmem:s16], [sflag:s4] =	stream.linear.gather [hbm4b:s0+s3], $0x800, $0x38;
	[tilespmem:$0x1DC80] =	vst v63  }
.LBB2_8:
0x5c: {  	p2 =	sne.s32 @!p1 s30, $0xC  }
0x5d: {  	p1 =	por p1, p2  }
.Ltmp6:
0x5e: {  	_ = 	snop;
	(pc) =	sbr.rel @p1 .LBB2_10-.Ltmp6, $1  }
0x5f: {  	_ =	sdelay $0x3  }
0x60: {  	s0 =	sxor.u32 $0x1, s31  }
0x61: {  	s0 =	sadd.s32 $0x5, s0  }
0x62: {  	_ =	swait.ge [sflag:s0], $0x800  }
0x63: {  	[sflag:s0] =	ssyncset.done $0x0  }
0x64: {  	[sflag:s0] =	ssyncadd.s32 $0xFFFFF800  }
0x65: {  	_ =	swait.ge [sflag:s0], $0x800  }
0x66: {  	[sflag:s0] =	ssyncset.done $0x0  }
0x67: {  	[sflag:s0] =	ssyncadd.s32 $0xFFFFF800  }
.LBB2_11:
0x68: {  	s0 =	sand.u32 $0x3, s26;
	s4 =	sand.u32 $0x3E00, s28  }
0x69: {  	s16 =	sshll.u32 s0, $0xD;
	s4 =	sshrl.u32 s4, $0x2  }
0x6a: {  	s0 =	sadd.s32 $0x1, s0;
	s16 =	sadd.s32 $0x15C80, s16;
	s4 =	sadd.s32 $0x13C80, s4  }
0x6b: {  	[tilespmem:s16], [sflag:s0] =	stream.indirect.gather [hbm4b:s1+s20], $0x80, s4, s20, $0xb8;
	[tilespmem:$0x1DC80] =	vst v63  }
.LBB2_12:
0x6c: {  	s0 =	sshll.u32 s31, $0xB;
	s4 =	sshll.u32 s30, $0x7  }
0x6d: {  	s16 =	sshll.u32 s29, $0xD;
	s26 =	sadd.s32 $0x1, s26;
	s0 =	sor.u32 s4, s0  }
0x6e: {  	s31 =	sadd.s32 $0x15C80, s16;
	p1 =	sne.s32 s26, $0xA3;
	s0 =	sadd.s32 $0x14C80, s0  }
0x6f: {  	[spmem:s2] =	stream.indirect.scatter.add.f32 [tilespmem:s31], [sflag:$0x7], $0x80, s0, s20, $0xb8;
	[tilespmem:$0x1DC80] =	vst v63  }
.Ltmp7:
0x70: {  	_ = 	snop;
	(pc) =	sbr.rel @p1 .LBB2_6-.Ltmp7, $4  }
.Ltmp8:
0x71: {  	_ = 	snop;
	(pc) =	sbr.rel @!p1 .LBB2_13-.Ltmp8, $4  }
0x72: {  	_ =	swait.ge [sflag:s18], $0x2000  }
0x73: {  	[sflag:s18] =	ssyncset.done $0x0  }
0x74: {  	s28 =	sadd.s32 $0x200, s28;
	[sflag:s18] =	ssyncadd.s32 $0xFFFFE000  }
0x75: {  	_ = 	snop  }
.LBB2_10:
0x76: {  	p1 =	sgt.u32 s0, $0x9C  }
.Ltmp9:
0x77: {  	_ = 	snop;
	(pc) =	sbr.rel @p1 .LBB2_12-.Ltmp9, $4  }
.Ltmp10:
0x78: {  	_ = 	snop;
	(pc) =	sbr.rel @!p1 .LBB2_11-.Ltmp10, $4  }
0x79: {  	_ = 	snop  }
0x7a: {  	_ = 	snop  }
0x7b: {  	_ = 	snop  }
0x7c: {  	_ = 	snop  }
.LBB2_14:
0x7d: {  	_ =	sfence.sel $0x180000  }
0x7e: {  	[bflag:$0x0] =	sbarrier.arrive $0xFFFF  }
0x7f: {  	_ =	strace $0x9000004A  }
0x80: {  	[bflag:$0x2] =	sbarrier.arrive $0xFFFF  }
0x81: {  	s0 =	rddreg [dreg:$0x3]  }
0x82: {  	s0 =	sadd.s32 @!p0 $0x100000, s0  }
0x83: {  	[sflag:s0] =	ssyncadd.tile.s32 @!p0 $0x1;
	_ =	shalt  }
.Lfunc_end2:
_tile_overlayer_lowered:
.L_overlay_start_2:
0x84: {  	(tag) =	ssettag $0x2  }
0x85: {  	s0 =	rddreg [dreg:$0x0];
	s2 =	stileid.u32  }
0x86: {  	s1 =	rddreg [dreg:$0x1];
	p0 =	sne.s32 s2, $0x0  }
0x87: {  	s3 =	rddreg [dreg:$0x2];
	[bflag:$0x3] =	sbarrier.arrive $0xFFFF;
	s2 =	simm.s32 @!p0 $0x1C07  }
0x88: {  	[timem:s3], [sflag:s2] =	dma.local @!p0 [hbm:s0], s1  }
0x89: {  	s0 =	simm.s32 @!p0 $0x7  }
0x8a: {  	_ =	swait.ge @!p0 [sflag:s0], s1  }
0x8b: {  	s1 =	ssub.s32 @!p0 $0x0, s1;
	[sflag:s0] =	ssyncset.done @!p0 $0x0  }
0x8c: {  	[sflag:s0] =	ssyncadd.s32 @!p0 s1  }
0x8d: {  	[bflag:$0x3] =	sbarrier.arrive $0xFFFF  }
0x8e: {  	_ =	shalt  }

// kernel: kernel.16.cloned.1.call-start
scs
__scs_entry_jumppad:
0x0: {  	(pc) =	sbr.rel $0x88, $3  }
0x1: {  	(tag) =	ssettag $0x0;
	lr =	simm.s32 $0x1  }
0x2: {  	[smem:$0x3F99] =	sst lr;
	_ =	strace $0xD0000000  }
0x3: {  	_ = 	snop  }
0x4: {  	_ = 	snop  }
0x5: {  	_ = 	snop  }
0x6: {  	_ = 	snop  }
0x7: {  	_ = 	snop  }
__scs_overlays_trampoline_lowered:
0x8: {  	[smem:$0x3FA8] =	sst s0  }
0x9: {  	[smem:$0x3FA9] =	sst s1  }
0xa: {  	[smem:$0x3FAA] =	sst s2  }
0xb: {  	[smem:$0x3FAB] =	sst s3  }
0xc: {  	[smem:$0x3FAC] =	sst s4  }
0xd: {  	[smem:$0x3FAD] =	sst s5  }
0xe: {  	[smem:$0x3FAE] =	sst s6  }
0xf: {  	[smem:$0x3FAF] =	sst s7  }
0x10: {  	[smem:$0x3FB0] =	sst s8  }
0x11: {  	[smem:$0x3FB1] =	sst s9;
	s0 =	simm.s32 @!p0 $0x0  }
0x12: {  	s1 =	sld [smem:$0x3F97];
	s0 =	simm.s32 @p0 $0x1  }
0x13: {  	[smem:$0x3FB2] =	sst s0;
	s0 =	simm.s32 @!p1 $0x0  }
0x14: {  	s2 =	sld [smem:$0x3F96];
	s0 =	simm.s32 @p1 $0x1  }
0x15: {  	[smem:$0x3FB3] =	sst s0;
	s0 =	simm.s32 @!p2 $0x0  }
0x16: {  	s3 =	sld [smem:$0x3FDB];
	s0 =	simm.s32 @p2 $0x1  }
0x17: {  	s4 =	simm.s32 $0x1BF5;
	[smem:$0x3FB5] =	sst s0  }
0x18: {  	s0 =	sld [smem:$0x3F98];
	_ =	swait.ge [sflag:s4], $0x0  }
0x19: {  	s7 =	sld [smem:$0x3F99]  }
0x1a: {  	s8 =	sadd.s32 $0xFFFFE003, lr  }
0x1b: {  	s9 =	sadd.s32 $0xFFFFFEF7, lr;
	s5 =	simm.s32 $0xFFFFFFFF;
	p2 =	slt.u32 s8, $0xFFFFF086  }
0x1c: {  	p1 =	slt.u32 s9, $0xF7A;
	s5 =	simm.s32 @!p2 $0x0  }
0x1d: {  	s5 =	simm.s32 @p1 $0x1;
	p0 =	seq.s32 s7, s2  }
0x1e: {  	s7 =	smul.u32 @!p0 $0xF7A, s2;
	p2 =	seq.s32 @!p0 s5, $0x0  }
0x1f: {  	s9 =	smul.u32 $0xF7A, s1;
	s8 =	simm.s32 @!p0 $0x1BF5;
	p2 =	por !p2, p0  }
0x20: {  	[sflag:s8] =	ssyncset.s32 @!p0 $0xFFFFF086;
	s6 =	sadd.s32 @!p0 s3, s7;
	s7 =	simm.s32 @!p0 $0x108  }
0x21: {  	s3 =	sadd.s32 s3, s9;
	s6 =	sadd.s32 @!p0 $0x88, s6;
	s7 =	simm.s32 @p2 $0x1082  }
0x22: {  	[simem:s7], [sflag:s8] =	dma.local @!p0 [hbm:s6], $0xF7A  }
0x23: {  	s9 =	sor.u32 $0xD0000000, s2;
	s6 =	simm.s32 $0x108;
	_ =	swait.ge @!p0 [sflag:s8], $0x0  }
0x24: {  	s3 =	sadd.s32 $0x88, s3;
	s6 =	simm.s32 @!p1 $0x1082;
	[sflag:s4] =	ssyncset.s32 $0xFFFFF086  }
0x25: {  	[simem:s6], [sflag:s4] =	dma.local [hbm:s3], $0xF7A  }
0x26: {  	[smem:$0x3F99] =	sst s1;
	(tag) =	ssettag s2;
	_ =	strace s9  }
0x27: {  	s1 =	sld [smem:$0x3FA9]  }
0x28: {  	s2 =	sld [smem:$0x3FAA]  }
0x29: {  	s4 =	sld [smem:$0x3FAC]  }
0x2a: {  	p0 =	seq.s32 s5, $0x0;
	s5 =	sld [smem:$0x3FAD]  }
0x2b: {  	s6 =	sld [smem:$0x3FAE]  }
0x2c: {  	s7 =	sld [smem:$0x3FAF]  }
0x2d: {  	s3 =	simm.s32 $0x108;
	s8 =	sld [smem:$0x3FB0]  }
0x2e: {  	s3 =	simm.s32 @!p0 $0x1082;
	s9 =	sld [smem:$0x3FB1]  }
0x2f: {  	lr =	sadd.s32 s0, s3;
	s0 =	sld [smem:$0x3FA8]  }
0x30: {  	s3 =	sld [smem:$0x3FAB]  }
0x31: {  	[smem:$0x3FB4] =	sst s10  }
0x32: {  	s10 =	sld [smem:$0x3FB2];
	_ =	sdelay $0x3  }
0x33: {  	p0 =	seq.s32 s10, $0x1;
	s10 =	sld [smem:$0x3FB4];
	_ =	sdelay $0x3  }
0x34: {  	[smem:$0x3FB4] =	sst s10  }
0x35: {  	s10 =	sld [smem:$0x3FB3];
	_ =	sdelay $0x3  }
0x36: {  	p1 =	seq.s32 s10, $0x1;
	s10 =	sld [smem:$0x3FB4];
	_ =	sdelay $0x3  }
0x37: {  	[smem:$0x3FB4] =	sst s10  }
0x38: {  	s10 =	sld [smem:$0x3FB5]  }
0x39: {  	_ = 	snop;
	(pc) =	sbr.ind lr, $3  }
0x3a: {  	_ = 	snop  }
0x3b: {  	_ = 	snop  }
0x3c: {  	p2 =	seq.s32 s10, $0x1;
	s10 =	sld [smem:$0x3FB4]  }
0x3d: {  	_ =	shalt  }
0x3e: {  	_ =	shalt  }
0x3f: {  	_ =	shalt  }
0x40: {  	_ =	shalt  }
0x41: {  	_ =	shalt  }
0x42: {  	_ =	shalt  }
0x43: {  	_ =	shalt  }
0x44: {  	_ =	shalt  }
0x45: {  	_ =	shalt  }
0x46: {  	_ =	shalt  }
0x47: {  	_ =	shalt  }
0x48: {  	_ =	shalt  }
0x49: {  	_ =	shalt  }
0x4a: {  	_ =	shalt  }
0x4b: {  	_ =	shalt  }
0x4c: {  	_ =	shalt  }
0x4d: {  	_ =	shalt  }
0x4e: {  	_ =	shalt  }
0x4f: {  	_ =	shalt  }
0x50: {  	_ =	shalt  }
0x51: {  	_ =	shalt  }
0x52: {  	_ =	shalt  }
0x53: {  	_ =	shalt  }
0x54: {  	_ =	shalt  }
0x55: {  	_ =	shalt  }
0x56: {  	_ =	shalt  }
0x57: {  	_ =	shalt  }
0x58: {  	_ =	shalt  }
0x59: {  	_ =	shalt  }
0x5a: {  	_ =	shalt  }
0x5b: {  	_ =	shalt  }
0x5c: {  	_ =	shalt  }
0x5d: {  	_ =	shalt  }
0x5e: {  	_ =	shalt  }
0x5f: {  	_ =	shalt  }
0x60: {  	_ =	shalt  }
0x61: {  	_ =	shalt  }
0x62: {  	_ =	shalt  }
0x63: {  	_ =	shalt  }
0x64: {  	_ =	shalt  }
0x65: {  	_ =	shalt  }
0x66: {  	_ =	shalt  }
0x67: {  	_ =	shalt  }
0x68: {  	_ =	shalt  }
0x69: {  	_ =	shalt  }
0x6a: {  	_ =	shalt  }
0x6b: {  	_ =	shalt  }
0x6c: {  	_ =	shalt  }
0x6d: {  	_ =	shalt  }
0x6e: {  	_ =	shalt  }
0x6f: {  	_ =	shalt  }
0x70: {  	_ =	shalt  }
0x71: {  	_ =	shalt  }
0x72: {  	_ =	shalt  }
0x73: {  	_ =	shalt  }
0x74: {  	_ =	shalt  }
0x75: {  	_ =	shalt  }
0x76: {  	_ =	shalt  }
0x77: {  	_ =	shalt  }
0x78: {  	_ =	shalt  }
0x79: {  	_ =	shalt  }
0x7a: {  	_ =	shalt  }
0x7b: {  	_ =	shalt  }
0x7c: {  	_ =	shalt  }
0x7d: {  	_ =	shalt  }
0x7e: {  	_ =	shalt  }
0x7f: {  	_ =	shalt  }
0x80: {  	_ =	shalt  }
0x81: {  	_ =	shalt  }
0x82: {  	_ =	shalt  }
0x83: {  	_ =	shalt  }
0x84: {  	_ =	shalt  }
0x85: {  	_ =	shalt  }
0x86: {  	_ =	shalt  }
0x87: {  	_ =	shalt  }
.Lfunc_end0:
.L_simem_size_0:
called_computation.2_lowered:
.L_overlay_start_0:
0x88: {  	s2 =	sld [smem:$0x3FD9]  }
0x89: {  	s3 =	sld [smem:$0x3FFE];
	_ =	sdelay $0x1  }
0x8a: {  	s1 =	srdreg.scid  }
0x8b: {  	s0 =	sand.u32 $0x1, s1  }
0x8c: {  	s17 =	sshll.u32 s0, $0xA;
	s2 =	sadd.s32 s3, s2  }
0x8d: {  	s2 =	sadd.s32 s2, s17  }
0x8e: {  	[smem:$0x3FC0] =	sst s2  }
0x8f: {  	_ = 	snop  }
0x90: {  	s2 =	sld [smem:$0x3FD0];
	(tm) =	ssettm $0x1  }
0x91: {  	s18 =	sld [smem:$0x3FFB];
	_ =	sdelay $0x3  }
0x92: {  	_ =	strace s18  }
0x93: {  	s3 =	sld [smem:$0x3FFC];
	_ =	sdelay $0x3  }
0x94: {  	_ =	strace s3  }
0x95: {  	s3 =	sld [smem:$0x3FFD];
	_ =	sdelay $0x3  }
0x96: {  	_ =	strace s3  }
0x97: {  	_ =	strace $0x8FFFFFFF  }
0x98: {  	s19 =	sld [smem:$0x3FDB];
	_ =	sdelay $0x1  }
0x99: {  	s4 =	simm.s32 $_scs_section_size  }
0x9a: {  	s5 =	simm.s32 $_size__tile_overlayer_lowered;
	s6 =	simm.s32 $_tile_overlayer_lowered  }
0x9b: {  	s22 =	simm.s32 $0x1BFF;
	s21 =	sshll.u32 s6, $0x1;
	s3 =	sadd.s32 s4, s19  }
0x9c: {  	s7 =	simm.s32 $0x0;
	s20 =	sshll.u32 s5, $0x1;
	s5 =	sadd.s32 s21, s3  }
0x9d: {  	[timem:s7], [sflag:s22] =	dma.local [hbm:s5], s20  }
0x9e: {  	_ =	swait.ge [sflag:s22], s20  }
0x9f: {  	s4 =	ssub.s32 $0x0, s20;
	[sflag:s22] =	ssyncset.done $0x0  }
0xa0: {  	[sflag:s22] =	ssyncadd.s32 s4;
	_ =	sdelay $0x1  }
0xa1: {  	s23 =	simm.s32 $0x1B8B  }
0xa2: {  	_ =	swait.ge [sflag:s23], $0x1  }
0xa3: {  	[sflag:s23] =	ssyncset.done $0x0  }
0xa4: {  	s25 =	simm.s32 $0x1B8E;
	s24 =	sld [smem:$0x3FFE];
	[sflag:s23] =	ssyncadd.s32 $0xFFFFFFFF  }
0xa5: {  	s26 =	simm.s32 $execute0_lowered;
	[smem:$0x3FD2] =	sst s25  }
0xa6: {  	s5 =	sshll.u32 s26, $0x1;
	_ =	strace $0x8000004C;
	[dreg:$0x1] =	wrdreg $0xFFFFFFFF  }
0xa7: {  	s28 =	simm.s32 $_size_execute0_lowered;
	s3 =	sadd.s32 s3, s5;
	[dreg:$0x0] =	wrdreg $0x0  }
0xa8: {  	s5 =	sshll.u32 s28, $0x1;
	[dreg:$0x2] =	wrdreg s3  }
0xa9: {  	[dreg:$0x3] =	wrdreg s5  }
0xaa: {  	[dreg:$0x4] =	wrdreg $0xC0  }
0xab: {  	_ =	task [dreg:s7], $0x5FFFF  }
0xac: {  	[dreg:$0x1] =	wrdreg $0xFFFFFFFF  }
0xad: {  	[dreg:$0x0] =	wrdreg $0x60  }
0xae: {  	[dreg:$0x2] =	wrdreg s24  }
0xaf: {  	[dreg:$0x3] =	wrdreg s2  }
0xb0: {  	[dreg:$0x4] =	wrdreg $0x0  }
0xb1: {  	[dreg:$0x5] =	wrdreg $0x9  }
0xb2: {  	_ =	task.clear_ibuf [dreg:s7], $0x6FFFF;
	_ =	strace $0x9000004C  }
0xb3: {  	s29 =	simm.s32 $0x9;
	_ =	strace $0x8000004E  }
0xb4: {  	_ =	swait.ge [sflag:s29], $0x1  }
0xb5: {  	[sflag:s29] =	ssyncadd.s32 $0xFFFFFFFF  }
0xb6: {  	_ =	strace $0x9000004E  }
0xb7: {  	_ =	sfence  }
0xb8: {  	s30 =	sld [smem:$0x0];
	_ =	sdelay $0x2  }
0xb9: {  	s31 =	sshll.u32 s1, $0xD;
	s1 =	sshrl.u32 s1, $0x2  }
0xba: {  	s3 =	sand.u32 $0x4000, s31;
	s1 =	sadd.s32 s1, s30  }
0xbb: {  	s0 =	sor.u32 s3, s0;
	s1 =	sshll.u32 s1, $0x11  }
0xbc: {  	s0 =	sor.u32 s1, s0  }
0xbd: {  	s0 =	sadd.s32 $0x8F2B, s0  }
0xbe: {  	[sflag:s0] =	ssyncadd.remote.s32 $0x1  }
0xbf: {  	_ =	sfence.sel $0xFFFF  }
0xc0: {  	[dreg:$0x0] =	wrdreg $0xFFFFFFFF;
	(pc) =	sbr.abs _section_cstart, $3  }
0xc1: {  	[dreg:$0x1] =	wrdreg $0xFFFFFFFF  }
0xc2: {  	_ =	task.clear_ibuf [dreg:s7], $0x2FFFF;
	_ =	strace $0x9FFFFFFF  }
0xc3: {  	(tm) =	ssettm $0x7FFFFFFF  }
tec
execute0_lowered:
.L_overlay_start_1:
0x0: {  	(tag) =	ssettag $0x1  }
0x1: {  	s0 =	rddreg [dreg:$0x0]  }
0x2: {  	s1 =	rddreg [dreg:$0x1]  }
0x3: {  	s2 =	rddreg [dreg:$0x2]  }
0x4: {  	s4 =	srdreg.scid;
	s3 =	simm.s32 $0x0;
	s16 =	stileid.u32  }
0x5: {  	s15 =	simm.s32 $0x13C80;
	s17 =	simm.s32 $0x15C80;
	s18 =	simm.s32 $0x7  }
0x6: {  	s19 =	simm.s32 $0x5;
	s20 =	simm.s32 $0x40;
	s23 =	simm.s32 $0x13D80  }
0x7: {  	s24 =	simm.s32 $0x19C80;
	s25 =	simm.s32 $0x0;
	s9 =	smul.u32 $0x4E000, s16  }
0x8: {  	s4 =	sand.u32 $0x1, s4;
	[smem:$0x7FF] =	sst s3;
	s12 =	smul.u32 $0x13800, s16  }
0x9: {  	s10 =	sadd.s32 $0x138000, s2;
	p0 =	sne.s32 s16, $0x0;
	s5 =	sshll.u32 s4, $0x4  }
0xa: {  	_ =	strace $0x8000004D;
	s7 =	ssub.s32 $0x2, s4;
	s4 =	smul.u32 $0x138800, s4  }
0xb: {  	s6 =	sor.u32 s16, s5;
	s5 =	sadd.s32 $0x3400, s0;
	s8 =	sshrl.u32 s7, $0x1  }
0xc: {  	s9 =	sshrl.u32 s9, $0x2;
	s11 =	smul.u32 $0x5000, s6;
	s6 =	sadd.s32 $0x17400, s0  }
.Ltmp0:
0xd: {  	s0 =	sadd.s32 $0x2B400, s0;
	s14 =	ssub.s32 s7, s8;
	(pc) =	sbr.rel .LBB2_1-.Ltmp0, $4  }
0xe: {  	s9 =	sadd.s32 s9, s2;
	s12 =	sadd.s32 s12, s4;
	s4 =	sshrl.u32 s4, $0x3  }
0xf: {  	s12 =	sshrl.u32 s12, $0x3;
	s4 =	sadd.s32 s0, s4;
	s14 =	smax.u32 s14, $0x1  }
0x10: {  	s31 =	sshrl.u32 s11, $0x3;
	s11 =	sor.u32 $0x800, s11;
	s12 =	sadd.s32 s0, s12  }
0x11: {  	v0 =	vimm.f32 $0.0e+00;
	s13 =	sadd.s32 $0x27000, s4;
	s7 =	sadd.s32 s5, s31;
	s8 =	sadd.s32 s6, s31  }
.LBB2_13:
0x12: {  	s0 =	stileid.u32  }
0x13: {  	s0 =	sshll.u32 s0, $0x6  }
0x14: {  	[bflag:$0x0] =	sbarrier.arrive $0xFFFF;
	s4 =	sshrl.u32 s9, $0x3;
	s0 =	sor.u32 $0x1C07, s0  }
0x15: {  	[hbm:s12], [sflag:s0] =	dma.local [spmem:s4], $0x2700  }
0x16: {  	_ =	swait.ge [sflag:s18], $0x2700  }
0x17: {  	s25 =	sadd.s32 $0x1, s25;
	[sflag:s18] =	ssyncset.done $0x0  }
0x18: {  	p1 =	sne.s32 s25, s14;
	s4 =	sshrl.u32 @!p0 s10, $0x3;
	[sflag:s18] =	ssyncadd.s32 $0xFFFFD900  }
0x19: {  	[hbm:s13], [sflag:s0] =	dma.local @!p0 [spmem:s4], $0x100  }
.Ltmp1:
0x1a: {  	_ = 	snop;
	(pc) =	sbr.rel @!p1 .LBB2_14-.Ltmp1, $4  }
0x1b: {  	s0 =	simm.s32 @!p0 $0x7  }
0x1c: {  	_ =	swait.ge @!p0 [sflag:s0], $0x100  }
0x1d: {  	[sflag:s0] =	ssyncset.done @!p0 $0x0  }
0x1e: {  	[sflag:s0] =	ssyncadd.s32 @!p0 $0xFFFFFF00  }
.LBB2_1:
0x1f: {  	[tilespmem:s15], [sflag:$0x5] =	stream.linear.gather [hbm4b:s7+s3], $0x800, $0x38;
	[tilespmem:$0x1DC80] =	vst v63  }
0x20: {  	s0 =	simm.s32 $0x14C80;
	s26 =	simm.s32 $0x0;
	s28 =	simm.s32 $0x200  }
0x21: {  	[tilespmem:s0], [sflag:$0x5] =	stream.linear.gather [hbm4b:s8+s3], $0x800, $0x38;
	[tilespmem:$0x1DC80] =	vst v63  }
.LBB2_2:
0x22: {  	p1 =	sne.s32 s28, $0x1E00;
	[tilespmem:s26+$0x15CF0] =	vst v0  }
0x23: {  	[tilespmem:s26+$0x15C80] =	vst v0  }
0x24: {  	[tilespmem:s26+$0x15C90] =	vst v0  }
.Ltmp2:
0x25: {  	[tilespmem:s26+$0x15CA0] =	vst v0;
	(pc) =	sbr.rel @p1 .LBB2_2-.Ltmp2, $4  }
0x26: {  	[tilespmem:s26+$0x15CB0] =	vst v0  }
0x27: {  	[tilespmem:s26+$0x15CC0] =	vst v0  }
0x28: {  	[tilespmem:s26+$0x15CD0] =	vst v0  }
0x29: {  	[tilespmem:s26+$0x15CE0] =	vst v0;
	s26 =	sshra.s32 s28, $0x2;
	s28 =	sadd.s32 $0x200, s28  }
0x2a: {  	[tilespmem:s26+$0x15CF0] =	vst v0  }
0x2b: {  	[tilespmem:s26+$0x15C80] =	vst v0  }
0x2c: {  	[tilespmem:s26+$0x15C90] =	vst v0  }
0x2d: {  	[tilespmem:s26+$0x15CA0] =	vst v0  }
0x2e: {  	[tilespmem:s26+$0x15CB0] =	vst v0  }
0x2f: {  	[tilespmem:s26+$0x15CC0] =	vst v0  }
0x30: {  	[tilespmem:s26+$0x15CD0] =	vst v0  }
0x31: {  	[tilespmem:s26+$0x15CE0] =	vst v0;
	s0 =	sadd.s32 $0x0, s9  }
0x32: {  	[spmem:s0] =	stream.linear.scatter [tilespmem:s17], [sflag:$0x7], $0x800, $0x38;
	[tilespmem:$0x1DC80] =	vst v63  }
0x33: {  	s0 =	simm.s32 $0x2000;
	_ =	swait.ge [sflag:s18], $0x800  }
.LBB2_4:
0x34: {  	s4 =	sshra.s32 s0, $0x2;
	[sflag:s18] =	ssyncset.done $0x0;
	p1 =	sne.s32 s0, $0x4C000  }
.Ltmp3:
0x35: {  	s4 =	sadd.s32 s4, s9;
	[sflag:s18] =	ssyncadd.s32 $0xFFFFF800;
	(pc) =	sbr.rel @p1 .LBB2_4-.Ltmp3, $3  }
0x36: {  	[spmem:s4] =	stream.linear.scatter [tilespmem:s17], [sflag:$0x7], $0x800, $0x38;
	[tilespmem:$0x1DC80] =	vst v63  }
0x37: {  	s0 =	sadd.s32 $0x2000, s0;
	_ =	sdelay $0x1  }
0x38: {  	_ =	swait.ge [sflag:s18], $0x800  }
0x39: {  	[sflag:s18] =	ssyncset.done $0x0  }
0x3a: {  	s0 =	simm.s32 @!p0 $0x15C80;
	[sflag:s18] =	ssyncadd.s32 $0xFFFFF800  }
0x3b: {  	[spmem:s10] =	stream.linear.scatter @!p0 [tilespmem:s0], [sflag:$0x7], $0x800, $0x38;
	[tilespmem:$0x1DC80] =	vst v63  }
0x3c: {  	s0 =	simm.s32 @!p0 $0x7  }
0x3d: {  	_ =	swait.ge @!p0 [sflag:s0], $0x800  }
0x3e: {  	[sflag:s0] =	ssyncset.done @!p0 $0x0  }
0x3f: {  	[sflag:s0] =	ssyncadd.s32 @!p0 $0xFFFFF800  }
0x40: {  	_ =	swait.ge [sflag:s19], $0x800  }
0x41: {  	[sflag:s19] =	ssyncset.done $0x0  }
0x42: {  	[sflag:s19] =	ssyncadd.s32 $0xFFFFF800  }
0x43: {  	_ =	swait.ge [sflag:s19], $0x800  }
0x44: {  	[sflag:s19] =	ssyncset.done $0x0  }
0x45: {  	[sflag:s19] =	ssyncadd.s32 $0xFFFFF800  }
0x46: {  	[bflag:$0x0] =	sbarrier.arrive $0xFFFF  }
0x47: {  	[tilespmem:s17], [sflag:$0x1] =	stream.indirect.gather [hbm4b:s1+s20], $0x80, s15, s20, $0xb8;
	[tilespmem:$0x1DC80] =	vst v63  }
0x48: {  	s31 =	simm.s32 $0x13D00;
	s4 =	simm.s32 $0x17C80  }
0x49: {  	[tilespmem:s4], [sflag:$0x2] =	stream.indirect.gather [hbm4b:s1+s20], $0x80, s31, s20, $0xb8;
	[tilespmem:$0x1DC80] =	vst v63  }
0x4a: {  	s26 =	simm.s32 $0x3;
	s28 =	simm.s32 $0x600  }
0x4b: {  	[tilespmem:s24], [sflag:$0x3] =	stream.indirect.gather [hbm4b:s1+s20], $0x80, s23, s20, $0xb8;
	[tilespmem:$0x1DC80] =	vst v63  }
.LBB2_6:
0x4c: {  	s0 =	sadd.s32 $0xFFFFFFFD, s26  }
0x4d: {  	s30 =	sand.u32 $0xF, s0;
	p1 =	sgt.u32 s0, $0x8F  }
0x4e: {  	p2 =	sne.s32 @!p1 s30, $0x0  }
0x4f: {  	p2 =	por p1, p2  }
.Ltmp4:
0x50: {  	s29 =	sand.u32 $0x3, s0;
	(pc) =	sbr.rel @p2 .LBB2_8-.Ltmp4, $4  }
0x51: {  	s16 =	sadd.s32 $0x1, s29  }
0x52: {  	_ =	swait.ge [sflag:s16], $0x2000  }
0x53: {  	s4 =	sshrl.u32 s0, $0x4;
	[sflag:s16] =	ssyncset.done $0x0  }
0x54: {  	s31 =	sand.u32 $0x1, s4;
	[sflag:s16] =	ssyncadd.s32 $0xFFFFE000  }
0x55: {  	s0 =	sshll.u32 s4, $0xB  }
0x56: {  	s22 =	sxor.u32 $0x1, s31;
	s0 =	sadd.s32 s0, s11  }
.Ltmp5:
0x57: {  	s16 =	sshll.u32 s22, $0xB;
	s0 =	sshrl.u32 s0, $0x3;
	(pc) =	sbr.rel .LBB2_11-.Ltmp5, $4  }
0x58: {  	s4 =	sadd.s32 $0x5, s22;
	s21 =	sadd.s32 $0x13C80, s16;
	s22 =	sadd.s32 s5, s0  }
0x59: {  	[tilespmem:s21], [sflag:s4] =	stream.linear.gather [hbm4b:s22+s3], $0x800, $0x38;
	[tilespmem:$0x1DC80] =	vst v63  }
0x5a: {  	s16 =	sadd.s32 $0x14C80, s16;
	s0 =	sadd.s32 s6, s0  }
0x5b: {  	[tilespmem:s16], [sflag:s4] =	stream.linear.gather [hbm4b:s0+s3], $0x800, $0x38;
	[tilespmem:$0x1DC80] =	vst v63  }
.LBB2_8:
0x5c: {  	p2 =	sne.s32 @!p1 s30, $0xC  }
0x5d: {  	p1 =	por p1, p2  }
.Ltmp6:
0x5e: {  	_ = 	snop;
	(pc) =	sbr.rel @p1 .LBB2_10-.Ltmp6, $1  }
0x5f: {  	_ =	sdelay $0x3  }
0x60: {  	s0 =	sxor.u32 $0x1, s31  }
0x61: {  	s0 =	sadd.s32 $0x5, s0  }
0x62: {  	_ =	swait.ge [sflag:s0], $0x800  }
0x63: {  	[sflag:s0] =	ssyncset.done $0x0  }
0x64: {  	[sflag:s0] =	ssyncadd.s32 $0xFFFFF800  }
0x65: {  	_ =	swait.ge [sflag:s0], $0x800  }
0x66: {  	[sflag:s0] =	ssyncset.done $0x0  }
0x67: {  	[sflag:s0] =	ssyncadd.s32 $0xFFFFF800  }
.LBB2_11:
0x68: {  	s0 =	sand.u32 $0x3, s26;
	s4 =	sand.u32 $0x3E00, s28  }
0x69: {  	s16 =	sshll.u32 s0, $0xD;
	s4 =	sshrl.u32 s4, $0x2  }
0x6a: {  	s0 =	sadd.s32 $0x1, s0;
	s16 =	sadd.s32 $0x15C80, s16;
	s4 =	sadd.s32 $0x13C80, s4  }
0x6b: {  	[tilespmem:s16], [sflag:s0] =	stream.indirect.gather [hbm4b:s1+s20], $0x80, s4, s20, $0xb8;
	[tilespmem:$0x1DC80] =	vst v63  }
.LBB2_12:
0x6c: {  	s0 =	sshll.u32 s31, $0xB;
	s4 =	sshll.u32 s30, $0x7  }
0x6d: {  	s16 =	sshll.u32 s29, $0xD;
	s26 =	sadd.s32 $0x1, s26;
	s0 =	sor.u32 s4, s0  }
0x6e: {  	s31 =	sadd.s32 $0x15C80, s16;
	p1 =	sne.s32 s26, $0xA3;
	s0 =	sadd.s32 $0x14C80, s0  }
0x6f: {  	[spmem:s2] =	stream.indirect.scatter.add.f32 [tilespmem:s31], [sflag:$0x7], $0x80, s0, s20, $0xb8;
	[tilespmem:$0x1DC80] =	vst v63  }
.Ltmp7:
0x70: {  	_ = 	snop;
	(pc) =	sbr.rel @p1 .LBB2_6-.Ltmp7, $4  }
.Ltmp8:
0x71: {  	_ = 	snop;
	(pc) =	sbr.rel @!p1 .LBB2_13-.Ltmp8, $4  }
0x72: {  	_ =	swait.ge [sflag:s18], $0x2000  }
0x73: {  	[sflag:s18] =	ssyncset.done $0x0  }
0x74: {  	s28 =	sadd.s32 $0x200, s28;
	[sflag:s18] =	ssyncadd.s32 $0xFFFFE000  }
0x75: {  	_ = 	snop  }
.LBB2_10:
0x76: {  	p1 =	sgt.u32 s0, $0x9C  }
.Ltmp9:
0x77: {  	_ = 	snop;
	(pc) =	sbr.rel @p1 .LBB2_12-.Ltmp9, $4  }
.Ltmp10:
0x78: {  	_ = 	snop;
	(pc) =	sbr.rel @!p1 .LBB2_11-.Ltmp10, $4  }
0x79: {  	_ = 	snop  }
0x7a: {  	_ = 	snop  }
0x7b: {  	_ = 	snop  }
0x7c: {  	_ = 	snop  }
.LBB2_14:
0x7d: {  	_ =	sfence.sel $0x180000  }
0x7e: {  	[bflag:$0x0] =	sbarrier.arrive $0xFFFF  }
0x7f: {  	_ =	strace $0x9000004D  }
0x80: {  	[bflag:$0x2] =	sbarrier.arrive $0xFFFF  }
0x81: {  	s0 =	rddreg [dreg:$0x3]  }
0x82: {  	s0 =	sadd.s32 @!p0 $0x100000, s0  }
0x83: {  	[sflag:s0] =	ssyncadd.tile.s32 @!p0 $0x1;
	_ =	shalt  }
.Lfunc_end2:
_tile_overlayer_lowered:
.L_overlay_start_2:
0x84: {  	(tag) =	ssettag $0x2  }
0x85: {  	s0 =	rddreg [dreg:$0x0];
	s2 =	stileid.u32  }
0x86: {  	s1 =	rddreg [dreg:$0x1];
	p0 =	sne.s32 s2, $0x0  }
0x87: {  	s3 =	rddreg [dreg:$0x2];
	[bflag:$0x3] =	sbarrier.arrive $0xFFFF;
	s2 =	simm.s32 @!p0 $0x1C07  }
0x88: {  	[timem:s3], [sflag:s2] =	dma.local @!p0 [hbm:s0], s1  }
0x89: {  	s0 =	simm.s32 @!p0 $0x7  }
0x8a: {  	_ =	swait.ge @!p0 [sflag:s0], s1  }
0x8b: {  	s1 =	ssub.s32 @!p0 $0x0, s1;
	[sflag:s0] =	ssyncset.done @!p0 $0x0  }
0x8c: {  	[sflag:s0] =	ssyncadd.s32 @!p0 s1  }
0x8d: {  	[bflag:$0x3] =	sbarrier.arrive $0xFFFF  }
0x8e: {  	_ =	shalt  }

// kernel: kernel.19.cloned.1.call-start
scs
__scs_entry_jumppad:
0x0: {  	(pc) =	sbr.rel $0x88, $3  }
0x1: {  	(tag) =	ssettag $0x0;
	lr =	simm.s32 $0x1  }
0x2: {  	[smem:$0x3F99] =	sst lr;
	_ =	strace $0xD0000000  }
0x3: {  	_ = 	snop  }
0x4: {  	_ = 	snop  }
0x5: {  	_ = 	snop  }
0x6: {  	_ = 	snop  }
0x7: {  	_ = 	snop  }
__scs_overlays_trampoline_lowered:
0x8: {  	[smem:$0x3FA8] =	sst s0  }
0x9: {  	[smem:$0x3FA9] =	sst s1  }
0xa: {  	[smem:$0x3FAA] =	sst s2  }
0xb: {  	[smem:$0x3FAB] =	sst s3  }
0xc: {  	[smem:$0x3FAC] =	sst s4  }
0xd: {  	[smem:$0x3FAD] =	sst s5  }
0xe: {  	[smem:$0x3FAE] =	sst s6  }
0xf: {  	[smem:$0x3FAF] =	sst s7  }
0x10: {  	[smem:$0x3FB0] =	sst s8  }
0x11: {  	[smem:$0x3FB1] =	sst s9;
	s0 =	simm.s32 @!p0 $0x0  }
0x12: {  	s1 =	sld [smem:$0x3F97];
	s0 =	simm.s32 @p0 $0x1  }
0x13: {  	[smem:$0x3FB2] =	sst s0;
	s0 =	simm.s32 @!p1 $0x0  }
0x14: {  	s2 =	sld [smem:$0x3F96];
	s0 =	simm.s32 @p1 $0x1  }
0x15: {  	[smem:$0x3FB3] =	sst s0;
	s0 =	simm.s32 @!p2 $0x0  }
0x16: {  	s3 =	sld [smem:$0x3FDB];
	s0 =	simm.s32 @p2 $0x1  }
0x17: {  	s4 =	simm.s32 $0x1BF5;
	[smem:$0x3FB5] =	sst s0  }
0x18: {  	s0 =	sld [smem:$0x3F98];
	_ =	swait.ge [sflag:s4], $0x0  }
0x19: {  	s7 =	sld [smem:$0x3F99]  }
0x1a: {  	s8 =	sadd.s32 $0xFFFFE003, lr  }
0x1b: {  	s9 =	sadd.s32 $0xFFFFFEF7, lr;
	s5 =	simm.s32 $0xFFFFFFFF;
	p2 =	slt.u32 s8, $0xFFFFF086  }
0x1c: {  	p1 =	slt.u32 s9, $0xF7A;
	s5 =	simm.s32 @!p2 $0x0  }
0x1d: {  	s5 =	simm.s32 @p1 $0x1;
	p0 =	seq.s32 s7, s2  }
0x1e: {  	s7 =	smul.u32 @!p0 $0xF7A, s2;
	p2 =	seq.s32 @!p0 s5, $0x0  }
0x1f: {  	s9 =	smul.u32 $0xF7A, s1;
	s8 =	simm.s32 @!p0 $0x1BF5;
	p2 =	por !p2, p0  }
0x20: {  	[sflag:s8] =	ssyncset.s32 @!p0 $0xFFFFF086;
	s6 =	sadd.s32 @!p0 s3, s7;
	s7 =	simm.s32 @!p0 $0x108  }
0x21: {  	s3 =	sadd.s32 s3, s9;
	s6 =	sadd.s32 @!p0 $0x88, s6;
	s7 =	simm.s32 @p2 $0x1082  }
0x22: {  	[simem:s7], [sflag:s8] =	dma.local @!p0 [hbm:s6], $0xF7A  }
0x23: {  	s9 =	sor.u32 $0xD0000000, s2;
	s6 =	simm.s32 $0x108;
	_ =	swait.ge @!p0 [sflag:s8], $0x0  }
0x24: {  	s3 =	sadd.s32 $0x88, s3;
	s6 =	simm.s32 @!p1 $0x1082;
	[sflag:s4] =	ssyncset.s32 $0xFFFFF086  }
0x25: {  	[simem:s6], [sflag:s4] =	dma.local [hbm:s3], $0xF7A  }
0x26: {  	[smem:$0x3F99] =	sst s1;
	(tag) =	ssettag s2;
	_ =	strace s9  }
0x27: {  	s1 =	sld [smem:$0x3FA9]  }
0x28: {  	s2 =	sld [smem:$0x3FAA]  }
0x29: {  	s4 =	sld [smem:$0x3FAC]  }
0x2a: {  	p0 =	seq.s32 s5, $0x0;
	s5 =	sld [smem:$0x3FAD]  }
0x2b: {  	s6 =	sld [smem:$0x3FAE]  }
0x2c: {  	s7 =	sld [smem:$0x3FAF]  }
0x2d: {  	s3 =	simm.s32 $0x108;
	s8 =	sld [smem:$0x3FB0]  }
0x2e: {  	s3 =	simm.s32 @!p0 $0x1082;
	s9 =	sld [smem:$0x3FB1]  }
0x2f: {  	lr =	sadd.s32 s0, s3;
	s0 =	sld [smem:$0x3FA8]  }
0x30: {  	s3 =	sld [smem:$0x3FAB]  }
0x31: {  	[smem:$0x3FB4] =	sst s10  }
0x32: {  	s10 =	sld [smem:$0x3FB2];
	_ =	sdelay $0x3  }
0x33: {  	p0 =	seq.s32 s10, $0x1;
	s10 =	sld [smem:$0x3FB4];
	_ =	sdelay $0x3  }
0x34: {  	[smem:$0x3FB4] =	sst s10  }
0x35: {  	s10 =	sld [smem:$0x3FB3];
	_ =	sdelay $0x3  }
0x36: {  	p1 =	seq.s32 s10, $0x1;
	s10 =	sld [smem:$0x3FB4];
	_ =	sdelay $0x3  }
0x37: {  	[smem:$0x3FB4] =	sst s10  }
0x38: {  	s10 =	sld [smem:$0x3FB5]  }
0x39: {  	_ = 	snop;
	(pc) =	sbr.ind lr, $3  }
0x3a: {  	_ = 	snop  }
0x3b: {  	_ = 	snop  }
0x3c: {  	p2 =	seq.s32 s10, $0x1;
	s10 =	sld [smem:$0x3FB4]  }
0x3d: {  	_ =	shalt  }
0x3e: {  	_ =	shalt  }
0x3f: {  	_ =	shalt  }
0x40: {  	_ =	shalt  }
0x41: {  	_ =	shalt  }
0x42: {  	_ =	shalt  }
0x43: {  	_ =	shalt  }
0x44: {  	_ =	shalt  }
0x45: {  	_ =	shalt  }
0x46: {  	_ =	shalt  }
0x47: {  	_ =	shalt  }
0x48: {  	_ =	shalt  }
0x49: {  	_ =	shalt  }
0x4a: {  	_ =	shalt  }
0x4b: {  	_ =	shalt  }
0x4c: {  	_ =	shalt  }
0x4d: {  	_ =	shalt  }
0x4e: {  	_ =	shalt  }
0x4f: {  	_ =	shalt  }
0x50: {  	_ =	shalt  }
0x51: {  	_ =	shalt  }
0x52: {  	_ =	shalt  }
0x53: {  	_ =	shalt  }
0x54: {  	_ =	shalt  }
0x55: {  	_ =	shalt  }
0x56: {  	_ =	shalt  }
0x57: {  	_ =	shalt  }
0x58: {  	_ =	shalt  }
0x59: {  	_ =	shalt  }
0x5a: {  	_ =	shalt  }
0x5b: {  	_ =	shalt  }
0x5c: {  	_ =	shalt  }
0x5d: {  	_ =	shalt  }
0x5e: {  	_ =	shalt  }
0x5f: {  	_ =	shalt  }
0x60: {  	_ =	shalt  }
0x61: {  	_ =	shalt  }
0x62: {  	_ =	shalt  }
0x63: {  	_ =	shalt  }
0x64: {  	_ =	shalt  }
0x65: {  	_ =	shalt  }
0x66: {  	_ =	shalt  }
0x67: {  	_ =	shalt  }
0x68: {  	_ =	shalt  }
0x69: {  	_ =	shalt  }
0x6a: {  	_ =	shalt  }
0x6b: {  	_ =	shalt  }
0x6c: {  	_ =	shalt  }
0x6d: {  	_ =	shalt  }
0x6e: {  	_ =	shalt  }
0x6f: {  	_ =	shalt  }
0x70: {  	_ =	shalt  }
0x71: {  	_ =	shalt  }
0x72: {  	_ =	shalt  }
0x73: {  	_ =	shalt  }
0x74: {  	_ =	shalt  }
0x75: {  	_ =	shalt  }
0x76: {  	_ =	shalt  }
0x77: {  	_ =	shalt  }
0x78: {  	_ =	shalt  }
0x79: {  	_ =	shalt  }
0x7a: {  	_ =	shalt  }
0x7b: {  	_ =	shalt  }
0x7c: {  	_ =	shalt  }
0x7d: {  	_ =	shalt  }
0x7e: {  	_ =	shalt  }
0x7f: {  	_ =	shalt  }
0x80: {  	_ =	shalt  }
0x81: {  	_ =	shalt  }
0x82: {  	_ =	shalt  }
0x83: {  	_ =	shalt  }
0x84: {  	_ =	shalt  }
0x85: {  	_ =	shalt  }
0x86: {  	_ =	shalt  }
0x87: {  	_ =	shalt  }
.Lfunc_end0:
.L_simem_size_0:
called_computation.3_lowered:
.L_overlay_start_0:
0x88: {  	s2 =	sld [smem:$0x3FD9]  }
0x89: {  	s3 =	sld [smem:$0x3FFE];
	_ =	sdelay $0x1  }
0x8a: {  	s1 =	srdreg.scid  }
0x8b: {  	s0 =	sand.u32 $0x1, s1  }
0x8c: {  	s17 =	sshll.u32 s0, $0xA;
	s2 =	sadd.s32 s3, s2  }
0x8d: {  	s2 =	sadd.s32 s2, s17  }
0x8e: {  	[smem:$0x3FC0] =	sst s2  }
0x8f: {  	_ = 	snop  }
0x90: {  	s2 =	sld [smem:$0x3FD0];
	(tm) =	ssettm $0x1  }
0x91: {  	s18 =	sld [smem:$0x3FFB];
	_ =	sdelay $0x3  }
0x92: {  	_ =	strace s18  }
0x93: {  	s3 =	sld [smem:$0x3FFC];
	_ =	sdelay $0x3  }
0x94: {  	_ =	strace s3  }
0x95: {  	s3 =	sld [smem:$0x3FFD];
	_ =	sdelay $0x3  }
0x96: {  	_ =	strace s3  }
0x97: {  	_ =	strace $0x8FFFFFFF  }
0x98: {  	s19 =	sld [smem:$0x3FDB];
	_ =	sdelay $0x1  }
0x99: {  	s4 =	simm.s32 $_scs_section_size  }
0x9a: {  	s5 =	simm.s32 $_size__tile_overlayer_lowered;
	s6 =	simm.s32 $_tile_overlayer_lowered  }
0x9b: {  	s22 =	simm.s32 $0x1BFF;
	s21 =	sshll.u32 s6, $0x1;
	s3 =	sadd.s32 s4, s19  }
0x9c: {  	s7 =	simm.s32 $0x0;
	s20 =	sshll.u32 s5, $0x1;
	s5 =	sadd.s32 s21, s3  }
0x9d: {  	[timem:s7], [sflag:s22] =	dma.local [hbm:s5], s20  }
0x9e: {  	_ =	swait.ge [sflag:s22], s20  }
0x9f: {  	s4 =	ssub.s32 $0x0, s20;
	[sflag:s22] =	ssyncset.done $0x0  }
0xa0: {  	[sflag:s22] =	ssyncadd.s32 s4;
	_ =	sdelay $0x1  }
0xa1: {  	s23 =	simm.s32 $0x1B8B  }
0xa2: {  	_ =	swait.ge [sflag:s23], $0x1  }
0xa3: {  	[sflag:s23] =	ssyncset.done $0x0  }
0xa4: {  	s25 =	simm.s32 $0x1B8E;
	s24 =	sld [smem:$0x3FFE];
	[sflag:s23] =	ssyncadd.s32 $0xFFFFFFFF  }
0xa5: {  	s26 =	simm.s32 $execute0_lowered;
	[smem:$0x3FD2] =	sst s25  }
0xa6: {  	s5 =	sshll.u32 s26, $0x1;
	_ =	strace $0x8000004F;
	[dreg:$0x1] =	wrdreg $0xFFFFFFFF  }
0xa7: {  	s28 =	simm.s32 $_size_execute0_lowered;
	s3 =	sadd.s32 s3, s5;
	[dreg:$0x0] =	wrdreg $0x0  }
0xa8: {  	s5 =	sshll.u32 s28, $0x1;
	[dreg:$0x2] =	wrdreg s3  }
0xa9: {  	[dreg:$0x3] =	wrdreg s5  }
0xaa: {  	[dreg:$0x4] =	wrdreg $0xC0  }
0xab: {  	_ =	task [dreg:s7], $0x5FFFF  }
0xac: {  	[dreg:$0x1] =	wrdreg $0xFFFFFFFF  }
0xad: {  	[dreg:$0x0] =	wrdreg $0x60  }
0xae: {  	[dreg:$0x2] =	wrdreg s24  }
0xaf: {  	[dreg:$0x3] =	wrdreg s2  }
0xb0: {  	[dreg:$0x4] =	wrdreg $0x0  }
0xb1: {  	[dreg:$0x5] =	wrdreg $0x9  }
0xb2: {  	_ =	task.clear_ibuf [dreg:s7], $0x6FFFF;
	_ =	strace $0x9000004F  }
0xb3: {  	s29 =	simm.s32 $0x9;
	_ =	strace $0x80000051  }
0xb4: {  	_ =	swait.ge [sflag:s29], $0x1  }
0xb5: {  	[sflag:s29] =	ssyncadd.s32 $0xFFFFFFFF  }
0xb6: {  	_ =	strace $0x90000051  }
0xb7: {  	_ =	sfence  }
0xb8: {  	s30 =	sld [smem:$0x0];
	_ =	sdelay $0x2  }
0xb9: {  	s31 =	sshll.u32 s1, $0xD;
	s1 =	sshrl.u32 s1, $0x2  }
0xba: {  	s3 =	sand.u32 $0x4000, s31;
	s1 =	sadd.s32 s1, s30  }
0xbb: {  	s0 =	sor.u32 s3, s0;
	s1 =	sshll.u32 s1, $0x11  }
0xbc: {  	s0 =	sor.u32 s1, s0  }
0xbd: {  	s0 =	sadd.s32 $0x8F2B, s0  }
0xbe: {  	[sflag:s0] =	ssyncadd.remote.s32 $0x1  }
0xbf: {  	_ =	sfence.sel $0xFFFF  }
0xc0: {  	[dreg:$0x0] =	wrdreg $0xFFFFFFFF;
	(pc) =	sbr.abs _section_cstart, $3  }
0xc1: {  	[dreg:$0x1] =	wrdreg $0xFFFFFFFF  }
0xc2: {  	_ =	task.clear_ibuf [dreg:s7], $0x2FFFF;
	_ =	strace $0x9FFFFFFF  }
0xc3: {  	(tm) =	ssettm $0x7FFFFFFF  }
tec
execute0_lowered:
.L_overlay_start_1:
0x0: {  	(tag) =	ssettag $0x1  }
0x1: {  	s0 =	rddreg [dreg:$0x0]  }
0x2: {  	s1 =	rddreg [dreg:$0x1]  }
0x3: {  	s2 =	rddreg [dreg:$0x2]  }
0x4: {  	s4 =	srdreg.scid;
	s3 =	simm.s32 $0x0;
	s16 =	stileid.u32  }
0x5: {  	s15 =	simm.s32 $0x13C80;
	s17 =	simm.s32 $0x15C80;
	s18 =	simm.s32 $0x7  }
0x6: {  	s19 =	simm.s32 $0x5;
	s20 =	simm.s32 $0x40;
	s23 =	simm.s32 $0x13D80  }
0x7: {  	s24 =	simm.s32 $0x19C80;
	s25 =	simm.s32 $0x0;
	s9 =	smul.u32 $0x4E000, s16  }
0x8: {  	s4 =	sand.u32 $0x1, s4;
	[smem:$0x7FF] =	sst s3;
	s12 =	smul.u32 $0x13800, s16  }
0x9: {  	s10 =	sadd.s32 $0x138000, s2;
	p0 =	sne.s32 s16, $0x0;
	s5 =	sshll.u32 s4, $0x4  }
0xa: {  	_ =	strace $0x80000050;
	s7 =	ssub.s32 $0x2, s4;
	s4 =	smul.u32 $0x138800, s4  }
0xb: {  	s6 =	sor.u32 s16, s5;
	s5 =	sadd.s32 $0x3400, s0;
	s8 =	sshrl.u32 s7, $0x1  }
0xc: {  	s9 =	sshrl.u32 s9, $0x2;
	s11 =	smul.u32 $0x5000, s6;
	s6 =	sadd.s32 $0x17400, s0  }
.Ltmp0:
0xd: {  	s0 =	sadd.s32 $0x2B400, s0;
	s14 =	ssub.s32 s7, s8;
	(pc) =	sbr.rel .LBB2_1-.Ltmp0, $4  }
0xe: {  	s9 =	sadd.s32 s9, s2;
	s12 =	sadd.s32 s12, s4;
	s4 =	sshrl.u32 s4, $0x3  }
0xf: {  	s12 =	sshrl.u32 s12, $0x3;
	s4 =	sadd.s32 s0, s4;
	s14 =	smax.u32 s14, $0x1  }
0x10: {  	s31 =	sshrl.u32 s11, $0x3;
	s11 =	sor.u32 $0x800, s11;
	s12 =	sadd.s32 s0, s12  }
0x11: {  	v0 =	vimm.f32 $0.0e+00;
	s13 =	sadd.s32 $0x27000, s4;
	s7 =	sadd.s32 s5, s31;
	s8 =	sadd.s32 s6, s31  }
.LBB2_13:
0x12: {  	s0 =	stileid.u32  }
0x13: {  	s0 =	sshll.u32 s0, $0x6  }
0x14: {  	[bflag:$0x0] =	sbarrier.arrive $0xFFFF;
	s4 =	sshrl.u32 s9, $0x3;
	s0 =	sor.u32 $0x1C07, s0  }
0x15: {  	[hbm:s12], [sflag:s0] =	dma.local [spmem:s4], $0x2700  }
0x16: {  	_ =	swait.ge [sflag:s18], $0x2700  }
0x17: {  	s25 =	sadd.s32 $0x1, s25;
	[sflag:s18] =	ssyncset.done $0x0  }
0x18: {  	p1 =	sne.s32 s25, s14;
	s4 =	sshrl.u32 @!p0 s10, $0x3;
	[sflag:s18] =	ssyncadd.s32 $0xFFFFD900  }
0x19: {  	[hbm:s13], [sflag:s0] =	dma.local @!p0 [spmem:s4], $0x100  }
.Ltmp1:
0x1a: {  	_ = 	snop;
	(pc) =	sbr.rel @!p1 .LBB2_14-.Ltmp1, $4  }
0x1b: {  	s0 =	simm.s32 @!p0 $0x7  }
0x1c: {  	_ =	swait.ge @!p0 [sflag:s0], $0x100  }
0x1d: {  	[sflag:s0] =	ssyncset.done @!p0 $0x0  }
0x1e: {  	[sflag:s0] =	ssyncadd.s32 @!p0 $0xFFFFFF00  }
.LBB2_1:
0x1f: {  	[tilespmem:s15], [sflag:$0x5] =	stream.linear.gather [hbm4b:s7+s3], $0x800, $0x38;
	[tilespmem:$0x1DC80] =	vst v63  }
0x20: {  	s0 =	simm.s32 $0x14C80;
	s26 =	simm.s32 $0x0;
	s28 =	simm.s32 $0x200  }
0x21: {  	[tilespmem:s0], [sflag:$0x5] =	stream.linear.gather [hbm4b:s8+s3], $0x800, $0x38;
	[tilespmem:$0x1DC80] =	vst v63  }
.LBB2_2:
0x22: {  	p1 =	sne.s32 s28, $0x1E00;
	[tilespmem:s26+$0x15CF0] =	vst v0  }
0x23: {  	[tilespmem:s26+$0x15C80] =	vst v0  }
0x24: {  	[tilespmem:s26+$0x15C90] =	vst v0  }
.Ltmp2:
0x25: {  	[tilespmem:s26+$0x15CA0] =	vst v0;
	(pc) =	sbr.rel @p1 .LBB2_2-.Ltmp2, $4  }
0x26: {  	[tilespmem:s26+$0x15CB0] =	vst v0  }
0x27: {  	[tilespmem:s26+$0x15CC0] =	vst v0  }
0x28: {  	[tilespmem:s26+$0x15CD0] =	vst v0  }
0x29: {  	[tilespmem:s26+$0x15CE0] =	vst v0;
	s26 =	sshra.s32 s28, $0x2;
	s28 =	sadd.s32 $0x200, s28  }
0x2a: {  	[tilespmem:s26+$0x15CF0] =	vst v0  }
0x2b: {  	[tilespmem:s26+$0x15C80] =	vst v0  }
0x2c: {  	[tilespmem:s26+$0x15C90] =	vst v0  }
0x2d: {  	[tilespmem:s26+$0x15CA0] =	vst v0  }
0x2e: {  	[tilespmem:s26+$0x15CB0] =	vst v0  }
0x2f: {  	[tilespmem:s26+$0x15CC0] =	vst v0  }
0x30: {  	[tilespmem:s26+$0x15CD0] =	vst v0  }
0x31: {  	[tilespmem:s26+$0x15CE0] =	vst v0;
	s0 =	sadd.s32 $0x0, s9  }
0x32: {  	[spmem:s0] =	stream.linear.scatter [tilespmem:s17], [sflag:$0x7], $0x800, $0x38;
	[tilespmem:$0x1DC80] =	vst v63  }
0x33: {  	s0 =	simm.s32 $0x2000;
	_ =	swait.ge [sflag:s18], $0x800  }
.LBB2_4:
0x34: {  	s4 =	sshra.s32 s0, $0x2;
	[sflag:s18] =	ssyncset.done $0x0;
	p1 =	sne.s32 s0, $0x4C000  }
.Ltmp3:
0x35: {  	s4 =	sadd.s32 s4, s9;
	[sflag:s18] =	ssyncadd.s32 $0xFFFFF800;
	(pc) =	sbr.rel @p1 .LBB2_4-.Ltmp3, $3  }
0x36: {  	[spmem:s4] =	stream.linear.scatter [tilespmem:s17], [sflag:$0x7], $0x800, $0x38;
	[tilespmem:$0x1DC80] =	vst v63  }
0x37: {  	s0 =	sadd.s32 $0x2000, s0;
	_ =	sdelay $0x1  }
0x38: {  	_ =	swait.ge [sflag:s18], $0x800  }
0x39: {  	[sflag:s18] =	ssyncset.done $0x0  }
0x3a: {  	s0 =	simm.s32 @!p0 $0x15C80;
	[sflag:s18] =	ssyncadd.s32 $0xFFFFF800  }
0x3b: {  	[spmem:s10] =	stream.linear.scatter @!p0 [tilespmem:s0], [sflag:$0x7], $0x800, $0x38;
	[tilespmem:$0x1DC80] =	vst v63  }
0x3c: {  	s0 =	simm.s32 @!p0 $0x7  }
0x3d: {  	_ =	swait.ge @!p0 [sflag:s0], $0x800  }
0x3e: {  	[sflag:s0] =	ssyncset.done @!p0 $0x0  }
0x3f: {  	[sflag:s0] =	ssyncadd.s32 @!p0 $0xFFFFF800  }
0x40: {  	_ =	swait.ge [sflag:s19], $0x800  }
0x41: {  	[sflag:s19] =	ssyncset.done $0x0  }
0x42: {  	[sflag:s19] =	ssyncadd.s32 $0xFFFFF800  }
0x43: {  	_ =	swait.ge [sflag:s19], $0x800  }
0x44: {  	[sflag:s19] =	ssyncset.done $0x0  }
0x45: {  	[sflag:s19] =	ssyncadd.s32 $0xFFFFF800  }
0x46: {  	[bflag:$0x0] =	sbarrier.arrive $0xFFFF  }
0x47: {  	[tilespmem:s17], [sflag:$0x1] =	stream.indirect.gather [hbm4b:s1+s20], $0x80, s15, s20, $0xb8;
	[tilespmem:$0x1DC80] =	vst v63  }
0x48: {  	s31 =	simm.s32 $0x13D00;
	s4 =	simm.s32 $0x17C80  }
0x49: {  	[tilespmem:s4], [sflag:$0x2] =	stream.indirect.gather [hbm4b:s1+s20], $0x80, s31, s20, $0xb8;
	[tilespmem:$0x1DC80] =	vst v63  }
0x4a: {  	s26 =	simm.s32 $0x3;
	s28 =	simm.s32 $0x600  }
0x4b: {  	[tilespmem:s24], [sflag:$0x3] =	stream.indirect.gather [hbm4b:s1+s20], $0x80, s23, s20, $0xb8;
	[tilespmem:$0x1DC80] =	vst v63  }
.LBB2_6:
0x4c: {  	s0 =	sadd.s32 $0xFFFFFFFD, s26  }
0x4d: {  	s30 =	sand.u32 $0xF, s0;
	p1 =	sgt.u32 s0, $0x8F  }
0x4e: {  	p2 =	sne.s32 @!p1 s30, $0x0  }
0x4f: {  	p2 =	por p1, p2  }
.Ltmp4:
0x50: {  	s29 =	sand.u32 $0x3, s0;
	(pc) =	sbr.rel @p2 .LBB2_8-.Ltmp4, $4  }
0x51: {  	s16 =	sadd.s32 $0x1, s29  }
0x52: {  	_ =	swait.ge [sflag:s16], $0x2000  }
0x53: {  	s4 =	sshrl.u32 s0, $0x4;
	[sflag:s16] =	ssyncset.done $0x0  }
0x54: {  	s31 =	sand.u32 $0x1, s4;
	[sflag:s16] =	ssyncadd.s32 $0xFFFFE000  }
0x55: {  	s0 =	sshll.u32 s4, $0xB  }
0x56: {  	s22 =	sxor.u32 $0x1, s31;
	s0 =	sadd.s32 s0, s11  }
.Ltmp5:
0x57: {  	s16 =	sshll.u32 s22, $0xB;
	s0 =	sshrl.u32 s0, $0x3;
	(pc) =	sbr.rel .LBB2_11-.Ltmp5, $4  }
0x58: {  	s4 =	sadd.s32 $0x5, s22;
	s21 =	sadd.s32 $0x13C80, s16;
	s22 =	sadd.s32 s5, s0  }
0x59: {  	[tilespmem:s21], [sflag:s4] =	stream.linear.gather [hbm4b:s22+s3], $0x800, $0x38;
	[tilespmem:$0x1DC80] =	vst v63  }
0x5a: {  	s16 =	sadd.s32 $0x14C80, s16;
	s0 =	sadd.s32 s6, s0  }
0x5b: {  	[tilespmem:s16], [sflag:s4] =	stream.linear.gather [hbm4b:s0+s3], $0x800, $0x38;
	[tilespmem:$0x1DC80] =	vst v63  }
.LBB2_8:
0x5c: {  	p2 =	sne.s32 @!p1 s30, $0xC  }
0x5d: {  	p1 =	por p1, p2  }
.Ltmp6:
0x5e: {  	_ = 	snop;
	(pc) =	sbr.rel @p1 .LBB2_10-.Ltmp6, $1  }
0x5f: {  	_ =	sdelay $0x3  }
0x60: {  	s0 =	sxor.u32 $0x1, s31  }
0x61: {  	s0 =	sadd.s32 $0x5, s0  }
0x62: {  	_ =	swait.ge [sflag:s0], $0x800  }
0x63: {  	[sflag:s0] =	ssyncset.done $0x0  }
0x64: {  	[sflag:s0] =	ssyncadd.s32 $0xFFFFF800  }
0x65: {  	_ =	swait.ge [sflag:s0], $0x800  }
0x66: {  	[sflag:s0] =	ssyncset.done $0x0  }
0x67: {  	[sflag:s0] =	ssyncadd.s32 $0xFFFFF800  }
.LBB2_11:
0x68: {  	s0 =	sand.u32 $0x3, s26;
	s4 =	sand.u32 $0x3E00, s28  }
0x69: {  	s16 =	sshll.u32 s0, $0xD;
	s4 =	sshrl.u32 s4, $0x2  }
0x6a: {  	s0 =	sadd.s32 $0x1, s0;
	s16 =	sadd.s32 $0x15C80, s16;
	s4 =	sadd.s32 $0x13C80, s4  }
0x6b: {  	[tilespmem:s16], [sflag:s0] =	stream.indirect.gather [hbm4b:s1+s20], $0x80, s4, s20, $0xb8;
	[tilespmem:$0x1DC80] =	vst v63  }
.LBB2_12:
0x6c: {  	s0 =	sshll.u32 s31, $0xB;
	s4 =	sshll.u32 s30, $0x7  }
0x6d: {  	s16 =	sshll.u32 s29, $0xD;
	s26 =	sadd.s32 $0x1, s26;
	s0 =	sor.u32 s4, s0  }
0x6e: {  	s31 =	sadd.s32 $0x15C80, s16;
	p1 =	sne.s32 s26, $0xA3;
	s0 =	sadd.s32 $0x14C80, s0  }
0x6f: {  	[spmem:s2] =	stream.indirect.scatter.add.f32 [tilespmem:s31], [sflag:$0x7], $0x80, s0, s20, $0xb8;
	[tilespmem:$0x1DC80] =	vst v63  }
.Ltmp7:
0x70: {  	_ = 	snop;
	(pc) =	sbr.rel @p1 .LBB2_6-.Ltmp7, $4  }
.Ltmp8:
0x71: {  	_ = 	snop;
	(pc) =	sbr.rel @!p1 .LBB2_13-.Ltmp8, $4  }
0x72: {  	_ =	swait.ge [sflag:s18], $0x2000  }
0x73: {  	[sflag:s18] =	ssyncset.done $0x0  }
0x74: {  	s28 =	sadd.s32 $0x200, s28;
	[sflag:s18] =	ssyncadd.s32 $0xFFFFE000  }
0x75: {  	_ = 	snop  }
.LBB2_10:
0x76: {  	p1 =	sgt.u32 s0, $0x9C  }
.Ltmp9:
0x77: {  	_ = 	snop;
	(pc) =	sbr.rel @p1 .LBB2_12-.Ltmp9, $4  }
.Ltmp10:
0x78: {  	_ = 	snop;
	(pc) =	sbr.rel @!p1 .LBB2_11-.Ltmp10, $4  }
0x79: {  	_ = 	snop  }
0x7a: {  	_ = 	snop  }
0x7b: {  	_ = 	snop  }
0x7c: {  	_ = 	snop  }
.LBB2_14:
0x7d: {  	_ =	sfence.sel $0x180000  }
0x7e: {  	[bflag:$0x0] =	sbarrier.arrive $0xFFFF  }
0x7f: {  	_ =	strace $0x90000050  }
0x80: {  	[bflag:$0x2] =	sbarrier.arrive $0xFFFF  }
0x81: {  	s0 =	rddreg [dreg:$0x3]  }
0x82: {  	s0 =	sadd.s32 @!p0 $0x100000, s0  }
0x83: {  	[sflag:s0] =	ssyncadd.tile.s32 @!p0 $0x1;
	_ =	shalt  }
.Lfunc_end2:
_tile_overlayer_lowered:
.L_overlay_start_2:
0x84: {  	(tag) =	ssettag $0x2  }
0x85: {  	s0 =	rddreg [dreg:$0x0];
	s2 =	stileid.u32  }
0x86: {  	s1 =	rddreg [dreg:$0x1];
	p0 =	sne.s32 s2, $0x0  }
0x87: {  	s3 =	rddreg [dreg:$0x2];
	[bflag:$0x3] =	sbarrier.arrive $0xFFFF;
	s2 =	simm.s32 @!p0 $0x1C07  }
0x88: {  	[timem:s3], [sflag:s2] =	dma.local @!p0 [hbm:s0], s1  }
0x89: {  	s0 =	simm.s32 @!p0 $0x7  }
0x8a: {  	_ =	swait.ge @!p0 [sflag:s0], s1  }
0x8b: {  	s1 =	ssub.s32 @!p0 $0x0, s1;
	[sflag:s0] =	ssyncset.done @!p0 $0x0  }
0x8c: {  	[sflag:s0] =	ssyncadd.s32 @!p0 s1  }
0x8d: {  	[bflag:$0x3] =	sbarrier.arrive $0xFFFF  }
0x8e: {  	_ =	shalt  }

</sc_bundles>
